<compile_context>
chip_gen: v7x
topology: tpu7x:2x2x1
jax: 0.10.2.dev20260603
libtpu: 0.0.44.dev20260713+nightly
codegen_flags: <defaults>
</compile_context>

<pallas_src>
import functools

import jax
import jax.numpy as jnp
from jax import lax
from jax.experimental import pallas as pl
from jax.experimental.pallas import tpu as pltpu
from jax.experimental.pallas import tpu_sc as plsc

N = 10000
H = 128
E = 320000

NC = 2
NS = 16
NW = NC * NS
CH = 128
NCH = 80
NB = 16
EPW = NCH * CH
EPAD = NW * EPW
NP = 10240
RPT = NP // NS

_MESH = plsc.VectorSubcoreMesh(core_axis_name="c", subcore_axis_name="s")


def _sc_agg_body(with_deg, *refs):
    if with_deg:
        (x_hbm, src_hbm, dst_hbm, zeros_hbm, part_hbm, deg_hbm,
         isrc, idst, rows0, rows1, ones, degbuf, acc, dacc,
         sem0, sem1) = refs
    else:
        (x_hbm, src_hbm, dst_hbm, zeros_hbm, part_hbm,
         isrc, idst, rows0, rows1, acc, sem0, sem1) = refs

    c = lax.axis_index("c")
    s = lax.axis_index("s")
    w = c * NS + s
    base = s * RPT

    pltpu.sync_copy(zeros_hbm, rows0)
    for k in range(RPT // CH):
        pltpu.sync_copy(rows0, acc.at[pl.ds(base + k * CH, CH)])
    if with_deg:
        for k in range(RPT // 16):
            degbuf[pl.ds(k * 16, 16)] = jnp.zeros((16,), jnp.float32)
        pltpu.sync_copy(degbuf, dacc.at[pl.ds(base, RPT)])
        for k in range(CH // 16):
            ones[pl.ds(k * 16, 16)] = jnp.ones((16,), jnp.float32)
    plsc.subcore_barrier()

    def gather(i, rows, sem):
        return pltpu.async_copy(x_hbm.at[isrc.at[i]], rows, sem)

    def scatter(i, rows):
        pltpu.sync_copy(rows, acc.at[idst.at[i]], add=True)
        if with_deg:
            pltpu.sync_copy(ones, dacc.at[idst.at[i]], add=True)

    def block(blk, _):
        off = blk * NB
        pltpu.sync_copy(src_hbm.at[w, pl.ds(off, NB)], isrc)
        pltpu.sync_copy(dst_hbm.at[w, pl.ds(off, NB)], idst)

        def chunk(i, carry):
            gather(i, rows0, sem0).wait()
            scatter(i, rows0)
            return carry

        lax.fori_loop(0, NB, chunk, None)
        return _

    lax.fori_loop(0, NCH // NB, block, None)

    plsc.subcore_barrier()

    for k in range(RPT // CH):
        r0 = base + k * CH
        pltpu.sync_copy(acc.at[pl.ds(r0, CH)], rows0)
        pltpu.sync_copy(rows0, part_hbm.at[c, pl.ds(r0, CH)])
    if with_deg:
        pltpu.sync_copy(dacc.at[pl.ds(base, RPT)], degbuf)
        pltpu.sync_copy(degbuf, deg_hbm.at[c, pl.ds(base, RPT)])


def _make_sc_agg(with_deg):
    part_t = jax.ShapeDtypeStruct((NC, NP, H), jnp.float32)
    out_type = [part_t]
    scratch = [
        pltpu.VMEM((NB, CH), jnp.int32),
        pltpu.VMEM((NB, CH), jnp.int32),
        pltpu.VMEM((CH, H), jnp.float32),
        pltpu.VMEM((CH, H), jnp.float32),
    ]
    if with_deg:
        out_type.append(jax.ShapeDtypeStruct((NC, NP), jnp.float32))
        scratch += [
            pltpu.VMEM((CH,), jnp.float32),
            pltpu.VMEM((RPT,), jnp.float32),
        ]
    scratch.append(pltpu.VMEM_SHARED((NP, H), jnp.float32))
    if with_deg:
        scratch.append(pltpu.VMEM_SHARED((NP,), jnp.float32))
    scratch += [pltpu.SemaphoreType.DMA, pltpu.SemaphoreType.DMA]
    return pl.kernel(
        functools.partial(_sc_agg_body, with_deg),
        out_type=out_type if with_deg else part_t,
        mesh=_MESH,
        scratch_types=scratch,
    )


_sc_agg_deg = _make_sc_agg(True)
_sc_agg = _make_sc_agg(False)

R = 400


def _tc_layer_body(residual, part_ref, deg_ref, x_ref, wl_ref, bl_ref,
                   wr_ref, g_ref, b_ref, o_ref):
    p = part_ref[0] + part_ref[1]
    deg = deg_ref[0] + deg_ref[1]
    agg = p * (1.0 / jnp.maximum(deg, 1.0))
    x = x_ref[...]
    h = (jnp.dot(agg, wl_ref[...], preferred_element_type=jnp.float32,
                 precision=lax.Precision.HIGHEST)
         + bl_ref[...]
         + jnp.dot(x, wr_ref[...], preferred_element_type=jnp.float32,
                   precision=lax.Precision.HIGHEST))
    mu = jnp.mean(h, axis=-1, keepdims=True)
    var = jnp.mean((h - mu) ** 2, axis=-1, keepdims=True)
    h = (h - mu) / jnp.sqrt(var + 1e-5) * g_ref[...] + b_ref[...]
    h = jnp.maximum(h, 0.0)
    if residual:
        h = h + x
    o_ref[...] = h


def _tc_final_body(part_ref, deg_ref, x2_ref, x1_ref, x0_ref, wl_ref, bl_ref,
                   wr_ref, g_ref, b_ref, jkw_ref, jkb_ref, o_ref):
    p = part_ref[0] + part_ref[1]
    deg = deg_ref[0] + deg_ref[1]
    agg = p * (1.0 / jnp.maximum(deg, 1.0))
    x2 = x2_ref[...]
    h = (jnp.dot(agg, wl_ref[...], preferred_element_type=jnp.float32,
                 precision=lax.Precision.HIGHEST)
         + bl_ref[...]
         + jnp.dot(x2, wr_ref[...], preferred_element_type=jnp.float32,
                   precision=lax.Precision.HIGHEST))
    mu = jnp.mean(h, axis=-1, keepdims=True)
    var = jnp.mean((h - mu) ** 2, axis=-1, keepdims=True)
    h = (h - mu) / jnp.sqrt(var + 1e-5) * g_ref[...] + b_ref[...]
    x3 = jnp.maximum(h, 0.0) + x2
    jkw = jkw_ref[...]
    out = jkb_ref[...]
    for i, xi in enumerate((x0_ref[...], x1_ref[...], x2, x3)):
        out = out + jnp.dot(xi, jkw[i * H:(i + 1) * H, :],
                            preferred_element_type=jnp.float32,
                            precision=lax.Precision.HIGHEST)
    o_ref[...] = out


def _row_specs():
    return [
        pl.BlockSpec((NC, R, H), lambda i: (0, i, 0)),
        pl.BlockSpec((NC, R, 1), lambda i: (0, i, 0)),
        pl.BlockSpec((R, H), lambda i: (i, 0)),
    ]


_W_SPEC = pl.BlockSpec((H, H), lambda i: (0, 0))
_V_SPEC = pl.BlockSpec((1, H), lambda i: (0, 0))
_O_SPEC = pl.BlockSpec((R, H), lambda i: (i, 0))
_O_SHAPE = jax.ShapeDtypeStruct((N, H), jnp.float32)


def _make_tc_layer(residual):
    return pl.pallas_call(
        functools.partial(_tc_layer_body, residual),
        grid=(N // R,),
        in_specs=_row_specs() + [_W_SPEC, _V_SPEC, _W_SPEC, _V_SPEC, _V_SPEC],
        out_specs=_O_SPEC,
        out_shape=_O_SHAPE,
    )


_tc_layer0 = _make_tc_layer(False)
_tc_layer1 = _make_tc_layer(True)

_tc_final = pl.pallas_call(
    _tc_final_body,
    grid=(N // R,),
    in_specs=(_row_specs()
              + [pl.BlockSpec((R, H), lambda i: (i, 0))] * 2
              + [_W_SPEC, _V_SPEC, _W_SPEC, _V_SPEC, _V_SPEC,
                 pl.BlockSpec((4 * H, H), lambda i: (0, 0)), _V_SPEC]),
    out_specs=_O_SPEC,
    out_shape=_O_SHAPE,
)


def kernel(edge_index, emb, Wl, bl, Wr, gamma, beta, jkW, jkb):
    pad = EPAD - E
    src = jnp.concatenate(
        [edge_index[0], jnp.zeros((pad,), jnp.int32)]).reshape(NW, NCH, CH)
    dst = jnp.concatenate(
        [edge_index[1], jnp.full((pad,), NP - 1, jnp.int32)]).reshape(
            NW, NCH, CH)
    zeros = jnp.zeros((CH, H), jnp.float32)
    v = lambda a: a.reshape(1, H)

    part1, deg = _sc_agg_deg(emb, src, dst, zeros)
    deg = deg.reshape(NC, NP, 1)
    x1 = _tc_layer0(part1, deg, emb, Wl[0], v(bl[0]), Wr[0],
                    v(gamma[0]), v(beta[0]))
    part2 = _sc_agg(x1, src, dst, zeros)
    x2 = _tc_layer1(part2, deg, x1, Wl[1], v(bl[1]), Wr[1],
                    v(gamma[1]), v(beta[1]))
    part3 = _sc_agg(x2, src, dst, zeros)
    out = _tc_final(part3, deg, x2, x1, emb, Wl[2], v(bl[2]), Wr[2],
                    v(gamma[2]), v(beta[2]), jkW, v(jkb))
    return out

# --- scband reference (transcript-rebuilt; emitter-appended) ---
"""Pipeline reference for scband-graph-sage-63814624084110 (READ-ONLY COPY).

The authoritative reference and input builder live on the scoring server;
editing this copy changes nothing except your own understanding.
"""

import jax, jax.numpy as jnp
import numpy as np

N = 10000
H = 128
E = 320000
L = 3

def setup_inputs(seed: int = 0):
    key = jax.random.key(seed)
    ks = jax.random.split(key, 10)
    edge_index = jax.random.randint(ks[0], (2, E), 0, N, dtype=jnp.int32)
    emb = jax.random.normal(ks[1], (N, H), dtype=jnp.float32) * (1.0 / np.sqrt(H))
    Wl = jax.random.normal(ks[2], (L, H, H), dtype=jnp.float32) * (1.0 / np.sqrt(H))
    bl = jnp.zeros((L, H), dtype=jnp.float32)
    Wr = jax.random.normal(ks[3], (L, H, H), dtype=jnp.float32) * (1.0 / np.sqrt(H))
    gamma = jnp.ones((L, H), dtype=jnp.float32)
    beta = jnp.zeros((L, H), dtype=jnp.float32)
    jkW = jax.random.normal(ks[4], (H * (L + 1), H), dtype=jnp.float32) * (1.0 / np.sqrt(H * (L + 1)))
    jkb = jnp.zeros((H,), dtype=jnp.float32)
    return {"edge_index": edge_index, "emb": emb, "Wl": Wl, "bl": bl, "Wr": Wr, "gamma": gamma, "beta": beta, "jkW": jkW, "jkb": jkb}

def _layer_norm(x, g, b, eps=1e-5):
    mu = jnp.mean(x, axis=-1, keepdims=True)
    var = jnp.var(x, axis=-1, keepdims=True)
    return (x - mu) / jnp.sqrt(var + eps) * g + b

def _sage_conv(x, src, dst, Wl_i, bl_i, Wr_i):
    # PyG SAGEConv (mean aggr): out = lin_l(mean_{j in N(i)} x_j) + lin_r(x_i); lin_r has no bias
    msgs = jnp.take(x, src, axis=0)
    agg = jax.ops.segment_sum(msgs, dst, num_segments=N)
    deg = jax.ops.segment_sum(jnp.ones((src.shape[0],), x.dtype), dst, num_segments=N)
    agg = agg / jnp.clip(deg, 1.0, None)[:, None]
    return agg @ Wl_i + bl_i + x @ Wr_i

def reference(edge_index, emb, Wl, bl, Wr, gamma, beta, jkW, jkb):
    # GraphSAGE.encode in eval mode (dropout / dropout_edge disabled)
    src = edge_index[0]
    dst = edge_index[1]
    x = emb
    xs = [x]
    for i in range(L):
        x_prev = x
        x = _sage_conv(x, src, dst, Wl[i], bl[i], Wr[i])
        x = _layer_norm(x, gamma[i], beta[i])
        x = jax.nn.relu(x)
        if i > 0:
            x = x + x_prev
        xs.append(x)
    x = jnp.concatenate(xs, axis=1) @ jkW + jkb
    return x

if __name__ == "__main__":
    import jax
    _d = setup_inputs()
    print(jax.jit(kernel)(*tuple(_d.values())))

</pallas_src>

<mosaic_0001>
#map = affine_map<(d0, d1) -> (0, 0)>
#map1 = affine_map<(d0, d1) -> (0, 0, 0)>
module attributes {stable_mosaic.version = 14 : i64} {
  func.func @_sc_agg_body(%arg0: i32, %arg1: i32, %arg2: memref<10000x128xf32, #tpu.memory_space<hbm>>, %arg3: memref<32x80x128xi32, #tpu.memory_space<hbm>>, %arg4: memref<32x80x128xi32, #tpu.memory_space<hbm>>, %arg5: memref<128x128xf32, #tpu.memory_space<hbm>>, %arg6: memref<2x10240x128xf32, #tpu.memory_space<hbm>>, %arg7: memref<16x128xi32, #tpu.memory_space<vmem>>, %arg8: memref<16x128xi32, #tpu.memory_space<vmem>>, %arg9: memref<128x128xf32, #tpu.memory_space<vmem>>, %arg10: memref<128x128xf32, #tpu.memory_space<vmem>>, %arg11: memref<10240x128xf32, #tpu.memory_space<vmem_shared>>, %arg12: memref<!tpu.dma_semaphore, #tpu.memory_space<semaphore_mem>>, %arg13: memref<!tpu.dma_semaphore, #tpu.memory_space<semaphore_mem>>) attributes {dimension_semantics = [#tpu.dimension_semantics<core_parallel>, #tpu.dimension_semantics<subcore_parallel>], iteration_bounds = array<i64: 2, 16>, scalar_prefetch = 0 : i64, scratch_operands = 7 : i64, tpu.core_type = #tpu.core_type<sc_vector_subcore>, window_params = [{transform_indices = #map}, {transform_indices = #map1}, {transform_indices = #map1}, {transform_indices = #map}, {transform_indices = #map1}]} {
    %mul3A = arith.constant 16 : i32
    %mul3A_0 = arith.muli %arg0, %mul3A : i32
    %add3A = arith.addi %mul3A_0, %arg1 : i32
    %mul3A_1 = arith.constant 640 : i32
    %mul3A_2 = arith.muli %arg1, %mul3A_1 : i32
    "tpu.region"() ({
      %run_scoped3A = tpu.sem_alloc : memref<!tpu.dma_semaphore, #tpu.memory_space<semaphore_mem>>
      tpu.enqueue_dma source(%arg5 : memref<128x128xf32, #tpu.memory_space<hbm>>) target(%arg9 : memref<128x128xf32, #tpu.memory_space<vmem>>) target_semaphore(%run_scoped3A : memref<!tpu.dma_semaphore, #tpu.memory_space<semaphore_mem>>)
      tpu.wait_dma2 semaphore(%run_scoped3A : memref<!tpu.dma_semaphore, #tpu.memory_space<semaphore_mem>>) src(%arg5 : memref<128x128xf32, #tpu.memory_space<hbm>>) dst(%arg9 : memref<128x128xf32, #tpu.memory_space<vmem>>)
      tpu.yield
    }) : () -> ()
    %add3A_3 = arith.constant 0 : i32
    %add3A_4 = arith.addi %mul3A_2, %add3A_3 : i32
    "tpu.region"() ({
      %run_scoped3A = tpu.sem_alloc : memref<!tpu.dma_semaphore, #tpu.memory_space<semaphore_mem>>
      %dma_start3A = arith.constant 0 : i32
      %dma_start3A_28 = tpu.memref_slice %arg11[%add3A_4, %dma_start3A] : memref<10240x128xf32, #tpu.memory_space<vmem_shared>> -> memref<128x128xf32, #tpu.memory_space<vmem_shared>>
      %dma_start3A_29 = arith.constant 0 : i32
      %dma_start3A_30 = tpu.memref_slice %arg11[%add3A_4, %dma_start3A_29] : memref<10240x128xf32, #tpu.memory_space<vmem_shared>> -> memref<128x128xf32, #tpu.memory_space<vmem_shared>>
      tpu.enqueue_dma source(%arg9 : memref<128x128xf32, #tpu.memory_space<vmem>>) target(%dma_start3A_30 : memref<128x128xf32, #tpu.memory_space<vmem_shared>>) target_semaphore(%run_scoped3A : memref<!tpu.dma_semaphore, #tpu.memory_space<semaphore_mem>>)
      %dma_wait3A = arith.constant 0 : i32
      %dma_wait3A_31 = tpu.memref_slice %arg11[%add3A_4, %dma_wait3A] : memref<10240x128xf32, #tpu.memory_space<vmem_shared>> -> memref<128x128xf32, #tpu.memory_space<vmem_shared>>
      %dma_wait3A_32 = arith.constant 0 : i32
      %dma_wait3A_33 = tpu.memref_slice %arg11[%add3A_4, %dma_wait3A_32] : memref<10240x128xf32, #tpu.memory_space<vmem_shared>> -> memref<128x128xf32, #tpu.memory_space<vmem_shared>>
      tpu.wait_dma2 semaphore(%run_scoped3A : memref<!tpu.dma_semaphore, #tpu.memory_space<semaphore_mem>>) src(%arg9 : memref<128x128xf32, #tpu.memory_space<vmem>>) dst(%dma_wait3A_33 : memref<128x128xf32, #tpu.memory_space<vmem_shared>>)
      tpu.yield
    }) : () -> ()
    %add3A_5 = arith.constant 128 : i32
    %add3A_6 = arith.addi %mul3A_2, %add3A_5 : i32
    "tpu.region"() ({
      %run_scoped3A = tpu.sem_alloc : memref<!tpu.dma_semaphore, #tpu.memory_space<semaphore_mem>>
      %dma_start3A = arith.constant 0 : i32
      %dma_start3A_28 = tpu.memref_slice %arg11[%add3A_6, %dma_start3A] : memref<10240x128xf32, #tpu.memory_space<vmem_shared>> -> memref<128x128xf32, #tpu.memory_space<vmem_shared>>
      %dma_start3A_29 = arith.constant 0 : i32
      %dma_start3A_30 = tpu.memref_slice %arg11[%add3A_6, %dma_start3A_29] : memref<10240x128xf32, #tpu.memory_space<vmem_shared>> -> memref<128x128xf32, #tpu.memory_space<vmem_shared>>
      tpu.enqueue_dma source(%arg9 : memref<128x128xf32, #tpu.memory_space<vmem>>) target(%dma_start3A_30 : memref<128x128xf32, #tpu.memory_space<vmem_shared>>) target_semaphore(%run_scoped3A : memref<!tpu.dma_semaphore, #tpu.memory_space<semaphore_mem>>)
      %dma_wait3A = arith.constant 0 : i32
      %dma_wait3A_31 = tpu.memref_slice %arg11[%add3A_6, %dma_wait3A] : memref<10240x128xf32, #tpu.memory_space<vmem_shared>> -> memref<128x128xf32, #tpu.memory_space<vmem_shared>>
      %dma_wait3A_32 = arith.constant 0 : i32
      %dma_wait3A_33 = tpu.memref_slice %arg11[%add3A_6, %dma_wait3A_32] : memref<10240x128xf32, #tpu.memory_space<vmem_shared>> -> memref<128x128xf32, #tpu.memory_space<vmem_shared>>
      tpu.wait_dma2 semaphore(%run_scoped3A : memref<!tpu.dma_semaphore, #tpu.memory_space<semaphore_mem>>) src(%arg9 : memref<128x128xf32, #tpu.memory_space<vmem>>) dst(%dma_wait3A_33 : memref<128x128xf32, #tpu.memory_space<vmem_shared>>)
      tpu.yield
    }) : () -> ()
    %add3A_7 = arith.constant 256 : i32
    %add3A_8 = arith.addi %mul3A_2, %add3A_7 : i32
    "tpu.region"() ({
      %run_scoped3A = tpu.sem_alloc : memref<!tpu.dma_semaphore, #tpu.memory_space<semaphore_mem>>
      %dma_start3A = arith.constant 0 : i32
      %dma_start3A_28 = tpu.memref_slice %arg11[%add3A_8, %dma_start3A] : memref<10240x128xf32, #tpu.memory_space<vmem_shared>> -> memref<128x128xf32, #tpu.memory_space<vmem_shared>>
      %dma_start3A_29 = arith.constant 0 : i32
      %dma_start3A_30 = tpu.memref_slice %arg11[%add3A_8, %dma_start3A_29] : memref<10240x128xf32, #tpu.memory_space<vmem_shared>> -> memref<128x128xf32, #tpu.memory_space<vmem_shared>>
      tpu.enqueue_dma source(%arg9 : memref<128x128xf32, #tpu.memory_space<vmem>>) target(%dma_start3A_30 : memref<128x128xf32, #tpu.memory_space<vmem_shared>>) target_semaphore(%run_scoped3A : memref<!tpu.dma_semaphore, #tpu.memory_space<semaphore_mem>>)
      %dma_wait3A = arith.constant 0 : i32
      %dma_wait3A_31 = tpu.memref_slice %arg11[%add3A_8, %dma_wait3A] : memref<10240x128xf32, #tpu.memory_space<vmem_shared>> -> memref<128x128xf32, #tpu.memory_space<vmem_shared>>
      %dma_wait3A_32 = arith.constant 0 : i32
      %dma_wait3A_33 = tpu.memref_slice %arg11[%add3A_8, %dma_wait3A_32] : memref<10240x128xf32, #tpu.memory_space<vmem_shared>> -> memref<128x128xf32, #tpu.memory_space<vmem_shared>>
      tpu.wait_dma2 semaphore(%run_scoped3A : memref<!tpu.dma_semaphore, #tpu.memory_space<semaphore_mem>>) src(%arg9 : memref<128x128xf32, #tpu.memory_space<vmem>>) dst(%dma_wait3A_33 : memref<128x128xf32, #tpu.memory_space<vmem_shared>>)
      tpu.yield
    }) : () -> ()
    %add3A_9 = arith.constant 384 : i32
    %add3A_10 = arith.addi %mul3A_2, %add3A_9 : i32
    "tpu.region"() ({
      %run_scoped3A = tpu.sem_alloc : memref<!tpu.dma_semaphore, #tpu.memory_space<semaphore_mem>>
      %dma_start3A = arith.constant 0 : i32
      %dma_start3A_28 = tpu.memref_slice %arg11[%add3A_10, %dma_start3A] : memref<10240x128xf32, #tpu.memory_space<vmem_shared>> -> memref<128x128xf32, #tpu.memory_space<vmem_shared>>
      %dma_start3A_29 = arith.constant 0 : i32
      %dma_start3A_30 = tpu.memref_slice %arg11[%add3A_10, %dma_start3A_29] : memref<10240x128xf32, #tpu.memory_space<vmem_shared>> -> memref<128x128xf32, #tpu.memory_space<vmem_shared>>
      tpu.enqueue_dma source(%arg9 : memref<128x128xf32, #tpu.memory_space<vmem>>) target(%dma_start3A_30 : memref<128x128xf32, #tpu.memory_space<vmem_shared>>) target_semaphore(%run_scoped3A : memref<!tpu.dma_semaphore, #tpu.memory_space<semaphore_mem>>)
      %dma_wait3A = arith.constant 0 : i32
      %dma_wait3A_31 = tpu.memref_slice %arg11[%add3A_10, %dma_wait3A] : memref<10240x128xf32, #tpu.memory_space<vmem_shared>> -> memref<128x128xf32, #tpu.memory_space<vmem_shared>>
      %dma_wait3A_32 = arith.constant 0 : i32
      %dma_wait3A_33 = tpu.memref_slice %arg11[%add3A_10, %dma_wait3A_32] : memref<10240x128xf32, #tpu.memory_space<vmem_shared>> -> memref<128x128xf32, #tpu.memory_space<vmem_shared>>
      tpu.wait_dma2 semaphore(%run_scoped3A : memref<!tpu.dma_semaphore, #tpu.memory_space<semaphore_mem>>) src(%arg9 : memref<128x128xf32, #tpu.memory_space<vmem>>) dst(%dma_wait3A_33 : memref<128x128xf32, #tpu.memory_space<vmem_shared>>)
      tpu.yield
    }) : () -> ()
    %add3A_11 = arith.constant 512 : i32
    %add3A_12 = arith.addi %mul3A_2, %add3A_11 : i32
    "tpu.region"() ({
      %run_scoped3A = tpu.sem_alloc : memref<!tpu.dma_semaphore, #tpu.memory_space<semaphore_mem>>
      %dma_start3A = arith.constant 0 : i32
      %dma_start3A_28 = tpu.memref_slice %arg11[%add3A_12, %dma_start3A] : memref<10240x128xf32, #tpu.memory_space<vmem_shared>> -> memref<128x128xf32, #tpu.memory_space<vmem_shared>>
      %dma_start3A_29 = arith.constant 0 : i32
      %dma_start3A_30 = tpu.memref_slice %arg11[%add3A_12, %dma_start3A_29] : memref<10240x128xf32, #tpu.memory_space<vmem_shared>> -> memref<128x128xf32, #tpu.memory_space<vmem_shared>>
      tpu.enqueue_dma source(%arg9 : memref<128x128xf32, #tpu.memory_space<vmem>>) target(%dma_start3A_30 : memref<128x128xf32, #tpu.memory_space<vmem_shared>>) target_semaphore(%run_scoped3A : memref<!tpu.dma_semaphore, #tpu.memory_space<semaphore_mem>>)
      %dma_wait3A = arith.constant 0 : i32
      %dma_wait3A_31 = tpu.memref_slice %arg11[%add3A_12, %dma_wait3A] : memref<10240x128xf32, #tpu.memory_space<vmem_shared>> -> memref<128x128xf32, #tpu.memory_space<vmem_shared>>
      %dma_wait3A_32 = arith.constant 0 : i32
      %dma_wait3A_33 = tpu.memref_slice %arg11[%add3A_12, %dma_wait3A_32] : memref<10240x128xf32, #tpu.memory_space<vmem_shared>> -> memref<128x128xf32, #tpu.memory_space<vmem_shared>>
      tpu.wait_dma2 semaphore(%run_scoped3A : memref<!tpu.dma_semaphore, #tpu.memory_space<semaphore_mem>>) src(%arg9 : memref<128x128xf32, #tpu.memory_space<vmem>>) dst(%dma_wait3A_33 : memref<128x128xf32, #tpu.memory_space<vmem_shared>>)
      tpu.yield
    }) : () -> ()
    %barrier3A = arith.constant 0 : index
    tpu.barrier barrier_id(%barrier3A)
    %scan3A = arith.constant 0 : i32
    %scan3A_13 = arith.constant 5 : i32
    %scan3A_14 = arith.addi %scan3A, %scan3A_13 : i32
    %scan3A_15 = arith.constant 1 : i32
    scf.for %scan3A_28 = %scan3A to %scan3A_14 step %scan3A_15  : i32 {
      %mul3A_29 = arith.constant 16 : i32
      %mul3A_30 = arith.muli %scan3A_28, %mul3A_29 : i32
      "tpu.region"() ({
        %run_scoped3A = tpu.sem_alloc : memref<!tpu.dma_semaphore, #tpu.memory_space<semaphore_mem>>
        %dma_start3A = arith.constant 0 : i32
        %dma_start3A_36 = tpu.memref_slice %arg3[%add3A, %mul3A_30, %dma_start3A] : memref<32x80x128xi32, #tpu.memory_space<hbm>> -> memref<1x16x128xi32, #tpu.memory_space<hbm>>
        %dma_start3A_37 = tpu.memref_squeeze %dma_start3A_36 : memref<1x16x128xi32, #tpu.memory_space<hbm>> -> memref<16x128xi32, #tpu.memory_space<hbm>>
        %dma_start3A_38 = arith.constant 0 : i32
        %dma_start3A_39 = tpu.memref_slice %arg3[%add3A, %mul3A_30, %dma_start3A_38] : memref<32x80x128xi32, #tpu.memory_space<hbm>> -> memref<1x16x128xi32, #tpu.memory_space<hbm>>
        %dma_start3A_40 = tpu.memref_squeeze %dma_start3A_39 : memref<1x16x128xi32, #tpu.memory_space<hbm>> -> memref<16x128xi32, #tpu.memory_space<hbm>>
        tpu.enqueue_dma source(%dma_start3A_40 : memref<16x128xi32, #tpu.memory_space<hbm>>) target(%arg7 : memref<16x128xi32, #tpu.memory_space<vmem>>) target_semaphore(%run_scoped3A : memref<!tpu.dma_semaphore, #tpu.memory_space<semaphore_mem>>)
        %dma_wait3A = arith.constant 0 : i32
        %dma_wait3A_41 = tpu.memref_slice %arg3[%add3A, %mul3A_30, %dma_wait3A] : memref<32x80x128xi32, #tpu.memory_space<hbm>> -> memref<1x16x128xi32, #tpu.memory_space<hbm>>
        %dma_wait3A_42 = tpu.memref_squeeze %dma_wait3A_41 : memref<1x16x128xi32, #tpu.memory_space<hbm>> -> memref<16x128xi32, #tpu.memory_space<hbm>>
        %dma_wait3A_43 = arith.constant 0 : i32
        %dma_wait3A_44 = tpu.memref_slice %arg3[%add3A, %mul3A_30, %dma_wait3A_43] : memref<32x80x128xi32, #tpu.memory_space<hbm>> -> memref<1x16x128xi32, #tpu.memory_space<hbm>>
        %dma_wait3A_45 = tpu.memref_squeeze %dma_wait3A_44 : memref<1x16x128xi32, #tpu.memory_space<hbm>> -> memref<16x128xi32, #tpu.memory_space<hbm>>
        tpu.wait_dma2 semaphore(%run_scoped3A : memref<!tpu.dma_semaphore, #tpu.memory_space<semaphore_mem>>) src(%dma_wait3A_45 : memref<16x128xi32, #tpu.memory_space<hbm>>) dst(%arg7 : memref<16x128xi32, #tpu.memory_space<vmem>>)
        tpu.yield
      }) : () -> ()
      "tpu.region"() ({
        %run_scoped3A = tpu.sem_alloc : memref<!tpu.dma_semaphore, #tpu.memory_space<semaphore_mem>>
        %dma_start3A = arith.constant 0 : i32
        %dma_start3A_36 = tpu.memref_slice %arg4[%add3A, %mul3A_30, %dma_start3A] : memref<32x80x128xi32, #tpu.memory_space<hbm>> -> memref<1x16x128xi32, #tpu.memory_space<hbm>>
        %dma_start3A_37 = tpu.memref_squeeze %dma_start3A_36 : memref<1x16x128xi32, #tpu.memory_space<hbm>> -> memref<16x128xi32, #tpu.memory_space<hbm>>
        %dma_start3A_38 = arith.constant 0 : i32
        %dma_start3A_39 = tpu.memref_slice %arg4[%add3A, %mul3A_30, %dma_start3A_38] : memref<32x80x128xi32, #tpu.memory_space<hbm>> -> memref<1x16x128xi32, #tpu.memory_space<hbm>>
        %dma_start3A_40 = tpu.memref_squeeze %dma_start3A_39 : memref<1x16x128xi32, #tpu.memory_space<hbm>> -> memref<16x128xi32, #tpu.memory_space<hbm>>
        tpu.enqueue_dma source(%dma_start3A_40 : memref<16x128xi32, #tpu.memory_space<hbm>>) target(%arg8 : memref<16x128xi32, #tpu.memory_space<vmem>>) target_semaphore(%run_scoped3A : memref<!tpu.dma_semaphore, #tpu.memory_space<semaphore_mem>>)
        %dma_wait3A = arith.constant 0 : i32
        %dma_wait3A_41 = tpu.memref_slice %arg4[%add3A, %mul3A_30, %dma_wait3A] : memref<32x80x128xi32, #tpu.memory_space<hbm>> -> memref<1x16x128xi32, #tpu.memory_space<hbm>>
        %dma_wait3A_42 = tpu.memref_squeeze %dma_wait3A_41 : memref<1x16x128xi32, #tpu.memory_space<hbm>> -> memref<16x128xi32, #tpu.memory_space<hbm>>
        %dma_wait3A_43 = arith.constant 0 : i32
        %dma_wait3A_44 = tpu.memref_slice %arg4[%add3A, %mul3A_30, %dma_wait3A_43] : memref<32x80x128xi32, #tpu.memory_space<hbm>> -> memref<1x16x128xi32, #tpu.memory_space<hbm>>
        %dma_wait3A_45 = tpu.memref_squeeze %dma_wait3A_44 : memref<1x16x128xi32, #tpu.memory_space<hbm>> -> memref<16x128xi32, #tpu.memory_space<hbm>>
        tpu.wait_dma2 semaphore(%run_scoped3A : memref<!tpu.dma_semaphore, #tpu.memory_space<semaphore_mem>>) src(%dma_wait3A_45 : memref<16x128xi32, #tpu.memory_space<hbm>>) dst(%arg8 : memref<16x128xi32, #tpu.memory_space<vmem>>)
        tpu.yield
      }) : () -> ()
      %scan3A_31 = arith.constant 0 : i32
      %scan3A_32 = arith.constant 16 : i32
      %scan3A_33 = arith.addi %scan3A_31, %scan3A_32 : i32
      %scan3A_34 = arith.constant 1 : i32
      scf.for %scan3A_36 = %scan3A_31 to %scan3A_33 step %scan3A_34  : i32 {
        %dma_start3A = arith.constant 0 : i32
        %dma_start3A_37 = tpu.memref_slice %arg7[%scan3A_36, %dma_start3A] : memref<16x128xi32, #tpu.memory_space<vmem>> -> memref<1x128xi32, #tpu.memory_space<vmem>>
        %dma_start3A_38 = tpu.memref_squeeze %dma_start3A_37 : memref<1x128xi32, #tpu.memory_space<vmem>> -> memref<128xi32, #tpu.memory_space<vmem>>
        %dma_start3A_39 = arith.constant 0 : i32
        %dma_start3A_40 = arith.constant 0 : i32
        %dma_start3A_41 = tpu.memref_slice %arg2[%dma_start3A_39, %dma_start3A_40] : memref<10000x128xf32, #tpu.memory_space<hbm>> -> memref<10000x128xf32, #tpu.memory_space<hbm>>
        tpu.enqueue_indirect_dma source(%dma_start3A_41 : memref<10000x128xf32, #tpu.memory_space<hbm>>) target(%arg9 : memref<128x128xf32, #tpu.memory_space<vmem>>) offsets(%dma_start3A_38 : memref<128xi32, #tpu.memory_space<vmem>>) semaphore(%arg12 : memref<!tpu.dma_semaphore, #tpu.memory_space<semaphore_mem>>)
        %dma_wait3A = arith.constant 0 : i32
        %dma_wait3A_42 = tpu.memref_slice %arg7[%scan3A_36, %dma_wait3A] : memref<16x128xi32, #tpu.memory_space<vmem>> -> memref<1x128xi32, #tpu.memory_space<vmem>>
        %dma_wait3A_43 = tpu.memref_squeeze %dma_wait3A_42 : memref<1x128xi32, #tpu.memory_space<vmem>> -> memref<128xi32, #tpu.memory_space<vmem>>
        %dma_wait3A_44 = arith.constant 0 : i32
        %dma_wait3A_45 = arith.constant 0 : i32
        %dma_wait3A_46 = tpu.memref_slice %arg2[%dma_wait3A_44, %dma_wait3A_45] : memref<10000x128xf32, #tpu.memory_space<hbm>> -> memref<10000x128xf32, #tpu.memory_space<hbm>>
        tpu.wait_indirect_dma semaphore(%arg12 : memref<!tpu.dma_semaphore, #tpu.memory_space<semaphore_mem>>) src(%dma_wait3A_46 : memref<10000x128xf32, #tpu.memory_space<hbm>>) dst(%arg9 : memref<128x128xf32, #tpu.memory_space<vmem>>)
        "tpu.region"() ({
          %run_scoped3A = tpu.sem_alloc : memref<!tpu.dma_semaphore, #tpu.memory_space<semaphore_mem>>
          %dma_start3A_47 = arith.constant 0 : i32
          %dma_start3A_48 = tpu.memref_slice %arg8[%scan3A_36, %dma_start3A_47] : memref<16x128xi32, #tpu.memory_space<vmem>> -> memref<1x128xi32, #tpu.memory_space<vmem>>
          %dma_start3A_49 = tpu.memref_squeeze %dma_start3A_48 : memref<1x128xi32, #tpu.memory_space<vmem>> -> memref<128xi32, #tpu.memory_space<vmem>>
          %dma_start3A_50 = arith.constant 0 : i32
          %dma_start3A_51 = arith.constant 0 : i32
          %dma_start3A_52 = tpu.memref_slice %arg11[%dma_start3A_50, %dma_start3A_51] : memref<10240x128xf32, #tpu.memory_space<vmem_shared>> -> memref<10240x128xf32, #tpu.memory_space<vmem_shared>>
          tpu.enqueue_indirect_dma source(%arg9 : memref<128x128xf32, #tpu.memory_space<vmem>>) target(%dma_start3A_52 : memref<10240x128xf32, #tpu.memory_space<vmem_shared>>) offsets(%dma_start3A_49 : memref<128xi32, #tpu.memory_space<vmem>>) semaphore(%run_scoped3A : memref<!tpu.dma_semaphore, #tpu.memory_space<semaphore_mem>>) {add = true}
          %dma_wait3A_53 = arith.constant 0 : i32
          %dma_wait3A_54 = tpu.memref_slice %arg8[%scan3A_36, %dma_wait3A_53] : memref<16x128xi32, #tpu.memory_space<vmem>> -> memref<1x128xi32, #tpu.memory_space<vmem>>
          %dma_wait3A_55 = tpu.memref_squeeze %dma_wait3A_54 : memref<1x128xi32, #tpu.memory_space<vmem>> -> memref<128xi32, #tpu.memory_space<vmem>>
          %dma_wait3A_56 = arith.constant 0 : i32
          %dma_wait3A_57 = arith.constant 0 : i32
          %dma_wait3A_58 = tpu.memref_slice %arg11[%dma_wait3A_56, %dma_wait3A_57] : memref<10240x128xf32, #tpu.memory_space<vmem_shared>> -> memref<10240x128xf32, #tpu.memory_space<vmem_shared>>
          tpu.wait_indirect_dma semaphore(%run_scoped3A : memref<!tpu.dma_semaphore, #tpu.memory_space<semaphore_mem>>) src(%arg9 : memref<128x128xf32, #tpu.memory_space<vmem>>) dst(%dma_wait3A_58 : memref<10240x128xf32, #tpu.memory_space<vmem_shared>>)
          tpu.yield
        }) : () -> ()
      }
      %scan3A_35 = arith.constant 16 : i32
    }
    %scan3A_16 = arith.constant 5 : i32
    %barrier3A_17 = arith.constant 0 : index
    tpu.barrier barrier_id(%barrier3A_17)
    %add3A_18 = arith.constant 0 : i32
    %add3A_19 = arith.addi %mul3A_2, %add3A_18 : i32
    "tpu.region"() ({
      %run_scoped3A = tpu.sem_alloc : memref<!tpu.dma_semaphore, #tpu.memory_space<semaphore_mem>>
      %dma_start3A = arith.constant 0 : i32
      %dma_start3A_28 = tpu.memref_slice %arg11[%add3A_19, %dma_start3A] : memref<10240x128xf32, #tpu.memory_space<vmem_shared>> -> memref<128x128xf32, #tpu.memory_space<vmem_shared>>
      %dma_start3A_29 = arith.constant 0 : i32
      %dma_start3A_30 = tpu.memref_slice %arg11[%add3A_19, %dma_start3A_29] : memref<10240x128xf32, #tpu.memory_space<vmem_shared>> -> memref<128x128xf32, #tpu.memory_space<vmem_shared>>
      tpu.enqueue_dma source(%dma_start3A_30 : memref<128x128xf32, #tpu.memory_space<vmem_shared>>) target(%arg9 : memref<128x128xf32, #tpu.memory_space<vmem>>) target_semaphore(%run_scoped3A : memref<!tpu.dma_semaphore, #tpu.memory_space<semaphore_mem>>)
      %dma_wait3A = arith.constant 0 : i32
      %dma_wait3A_31 = tpu.memref_slice %arg11[%add3A_19, %dma_wait3A] : memref<10240x128xf32, #tpu.memory_space<vmem_shared>> -> memref<128x128xf32, #tpu.memory_space<vmem_shared>>
      %dma_wait3A_32 = arith.constant 0 : i32
      %dma_wait3A_33 = tpu.memref_slice %arg11[%add3A_19, %dma_wait3A_32] : memref<10240x128xf32, #tpu.memory_space<vmem_shared>> -> memref<128x128xf32, #tpu.memory_space<vmem_shared>>
      tpu.wait_dma2 semaphore(%run_scoped3A : memref<!tpu.dma_semaphore, #tpu.memory_space<semaphore_mem>>) src(%dma_wait3A_33 : memref<128x128xf32, #tpu.memory_space<vmem_shared>>) dst(%arg9 : memref<128x128xf32, #tpu.memory_space<vmem>>)
      tpu.yield
    }) : () -> ()
    "tpu.region"() ({
      %run_scoped3A = tpu.sem_alloc : memref<!tpu.dma_semaphore, #tpu.memory_space<semaphore_mem>>
      %dma_start3A = arith.constant 0 : i32
      %dma_start3A_28 = tpu.memref_slice %arg6[%arg0, %add3A_19, %dma_start3A] : memref<2x10240x128xf32, #tpu.memory_space<hbm>> -> memref<1x128x128xf32, #tpu.memory_space<hbm>>
      %dma_start3A_29 = tpu.memref_squeeze %dma_start3A_28 : memref<1x128x128xf32, #tpu.memory_space<hbm>> -> memref<128x128xf32, #tpu.memory_space<hbm>>
      %dma_start3A_30 = arith.constant 0 : i32
      %dma_start3A_31 = tpu.memref_slice %arg6[%arg0, %add3A_19, %dma_start3A_30] : memref<2x10240x128xf32, #tpu.memory_space<hbm>> -> memref<1x128x128xf32, #tpu.memory_space<hbm>>
      %dma_start3A_32 = tpu.memref_squeeze %dma_start3A_31 : memref<1x128x128xf32, #tpu.memory_space<hbm>> -> memref<128x128xf32, #tpu.memory_space<hbm>>
      tpu.enqueue_dma source(%arg9 : memref<128x128xf32, #tpu.memory_space<vmem>>) target(%dma_start3A_32 : memref<128x128xf32, #tpu.memory_space<hbm>>) target_semaphore(%run_scoped3A : memref<!tpu.dma_semaphore, #tpu.memory_space<semaphore_mem>>)
      %dma_wait3A = arith.constant 0 : i32
      %dma_wait3A_33 = tpu.memref_slice %arg6[%arg0, %add3A_19, %dma_wait3A] : memref<2x10240x128xf32, #tpu.memory_space<hbm>> -> memref<1x128x128xf32, #tpu.memory_space<hbm>>
      %dma_wait3A_34 = tpu.memref_squeeze %dma_wait3A_33 : memref<1x128x128xf32, #tpu.memory_space<hbm>> -> memref<128x128xf32, #tpu.memory_space<hbm>>
      %dma_wait3A_35 = arith.constant 0 : i32
      %dma_wait3A_36 = tpu.memref_slice %arg6[%arg0, %add3A_19, %dma_wait3A_35] : memref<2x10240x128xf32, #tpu.memory_space<hbm>> -> memref<1x128x128xf32, #tpu.memory_space<hbm>>
      %dma_wait3A_37 = tpu.memref_squeeze %dma_wait3A_36 : memref<1x128x128xf32, #tpu.memory_space<hbm>> -> memref<128x128xf32, #tpu.memory_space<hbm>>
      tpu.wait_dma2 semaphore(%run_scoped3A : memref<!tpu.dma_semaphore, #tpu.memory_space<semaphore_mem>>) src(%arg9 : memref<128x128xf32, #tpu.memory_space<vmem>>) dst(%dma_wait3A_37 : memref<128x128xf32, #tpu.memory_space<hbm>>)
      tpu.yield
    }) : () -> ()
    %add3A_20 = arith.constant 128 : i32
    %add3A_21 = arith.addi %mul3A_2, %add3A_20 : i32
    "tpu.region"() ({
      %run_scoped3A = tpu.sem_alloc : memref<!tpu.dma_semaphore, #tpu.memory_space<semaphore_mem>>
      %dma_start3A = arith.constant 0 : i32
      %dma_start3A_28 = tpu.memref_slice %arg11[%add3A_21, %dma_start3A] : memref<10240x128xf32, #tpu.memory_space<vmem_shared>> -> memref<128x128xf32, #tpu.memory_space<vmem_shared>>
      %dma_start3A_29 = arith.constant 0 : i32
      %dma_start3A_30 = tpu.memref_slice %arg11[%add3A_21, %dma_start3A_29] : memref<10240x128xf32, #tpu.memory_space<vmem_shared>> -> memref<128x128xf32, #tpu.memory_space<vmem_shared>>
      tpu.enqueue_dma source(%dma_start3A_30 : memref<128x128xf32, #tpu.memory_space<vmem_shared>>) target(%arg9 : memref<128x128xf32, #tpu.memory_space<vmem>>) target_semaphore(%run_scoped3A : memref<!tpu.dma_semaphore, #tpu.memory_space<semaphore_mem>>)
      %dma_wait3A = arith.constant 0 : i32
      %dma_wait3A_31 = tpu.memref_slice %arg11[%add3A_21, %dma_wait3A] : memref<10240x128xf32, #tpu.memory_space<vmem_shared>> -> memref<128x128xf32, #tpu.memory_space<vmem_shared>>
      %dma_wait3A_32 = arith.constant 0 : i32
      %dma_wait3A_33 = tpu.memref_slice %arg11[%add3A_21, %dma_wait3A_32] : memref<10240x128xf32, #tpu.memory_space<vmem_shared>> -> memref<128x128xf32, #tpu.memory_space<vmem_shared>>
      tpu.wait_dma2 semaphore(%run_scoped3A : memref<!tpu.dma_semaphore, #tpu.memory_space<semaphore_mem>>) src(%dma_wait3A_33 : memref<128x128xf32, #tpu.memory_space<vmem_shared>>) dst(%arg9 : memref<128x128xf32, #tpu.memory_space<vmem>>)
      tpu.yield
    }) : () -> ()
    "tpu.region"() ({
      %run_scoped3A = tpu.sem_alloc : memref<!tpu.dma_semaphore, #tpu.memory_space<semaphore_mem>>
      %dma_start3A = arith.constant 0 : i32
      %dma_start3A_28 = tpu.memref_slice %arg6[%arg0, %add3A_21, %dma_start3A] : memref<2x10240x128xf32, #tpu.memory_space<hbm>> -> memref<1x128x128xf32, #tpu.memory_space<hbm>>
      %dma_start3A_29 = tpu.memref_squeeze %dma_start3A_28 : memref<1x128x128xf32, #tpu.memory_space<hbm>> -> memref<128x128xf32, #tpu.memory_space<hbm>>
      %dma_start3A_30 = arith.constant 0 : i32
      %dma_start3A_31 = tpu.memref_slice %arg6[%arg0, %add3A_21, %dma_start3A_30] : memref<2x10240x128xf32, #tpu.memory_space<hbm>> -> memref<1x128x128xf32, #tpu.memory_space<hbm>>
      %dma_start3A_32 = tpu.memref_squeeze %dma_start3A_31 : memref<1x128x128xf32, #tpu.memory_space<hbm>> -> memref<128x128xf32, #tpu.memory_space<hbm>>
      tpu.enqueue_dma source(%arg9 : memref<128x128xf32, #tpu.memory_space<vmem>>) target(%dma_start3A_32 : memref<128x128xf32, #tpu.memory_space<hbm>>) target_semaphore(%run_scoped3A : memref<!tpu.dma_semaphore, #tpu.memory_space<semaphore_mem>>)
      %dma_wait3A = arith.constant 0 : i32
      %dma_wait3A_33 = tpu.memref_slice %arg6[%arg0, %add3A_21, %dma_wait3A] : memref<2x10240x128xf32, #tpu.memory_space<hbm>> -> memref<1x128x128xf32, #tpu.memory_space<hbm>>
      %dma_wait3A_34 = tpu.memref_squeeze %dma_wait3A_33 : memref<1x128x128xf32, #tpu.memory_space<hbm>> -> memref<128x128xf32, #tpu.memory_space<hbm>>
      %dma_wait3A_35 = arith.constant 0 : i32
      %dma_wait3A_36 = tpu.memref_slice %arg6[%arg0, %add3A_21, %dma_wait3A_35] : memref<2x10240x128xf32, #tpu.memory_space<hbm>> -> memref<1x128x128xf32, #tpu.memory_space<hbm>>
      %dma_wait3A_37 = tpu.memref_squeeze %dma_wait3A_36 : memref<1x128x128xf32, #tpu.memory_space<hbm>> -> memref<128x128xf32, #tpu.memory_space<hbm>>
      tpu.wait_dma2 semaphore(%run_scoped3A : memref<!tpu.dma_semaphore, #tpu.memory_space<semaphore_mem>>) src(%arg9 : memref<128x128xf32, #tpu.memory_space<vmem>>) dst(%dma_wait3A_37 : memref<128x128xf32, #tpu.memory_space<hbm>>)
      tpu.yield
    }) : () -> ()
    %add3A_22 = arith.constant 256 : i32
    %add3A_23 = arith.addi %mul3A_2, %add3A_22 : i32
    "tpu.region"() ({
      %run_scoped3A = tpu.sem_alloc : memref<!tpu.dma_semaphore, #tpu.memory_space<semaphore_mem>>
      %dma_start3A = arith.constant 0 : i32
      %dma_start3A_28 = tpu.memref_slice %arg11[%add3A_23, %dma_start3A] : memref<10240x128xf32, #tpu.memory_space<vmem_shared>> -> memref<128x128xf32, #tpu.memory_space<vmem_shared>>
      %dma_start3A_29 = arith.constant 0 : i32
      %dma_start3A_30 = tpu.memref_slice %arg11[%add3A_23, %dma_start3A_29] : memref<10240x128xf32, #tpu.memory_space<vmem_shared>> -> memref<128x128xf32, #tpu.memory_space<vmem_shared>>
      tpu.enqueue_dma source(%dma_start3A_30 : memref<128x128xf32, #tpu.memory_space<vmem_shared>>) target(%arg9 : memref<128x128xf32, #tpu.memory_space<vmem>>) target_semaphore(%run_scoped3A : memref<!tpu.dma_semaphore, #tpu.memory_space<semaphore_mem>>)
      %dma_wait3A = arith.constant 0 : i32
      %dma_wait3A_31 = tpu.memref_slice %arg11[%add3A_23, %dma_wait3A] : memref<10240x128xf32, #tpu.memory_space<vmem_shared>> -> memref<128x128xf32, #tpu.memory_space<vmem_shared>>
      %dma_wait3A_32 = arith.constant 0 : i32
      %dma_wait3A_33 = tpu.memref_slice %arg11[%add3A_23, %dma_wait3A_32] : memref<10240x128xf32, #tpu.memory_space<vmem_shared>> -> memref<128x128xf32, #tpu.memory_space<vmem_shared>>
      tpu.wait_dma2 semaphore(%run_scoped3A : memref<!tpu.dma_semaphore, #tpu.memory_space<semaphore_mem>>) src(%dma_wait3A_33 : memref<128x128xf32, #tpu.memory_space<vmem_shared>>) dst(%arg9 : memref<128x128xf32, #tpu.memory_space<vmem>>)
      tpu.yield
    }) : () -> ()
    "tpu.region"() ({
      %run_scoped3A = tpu.sem_alloc : memref<!tpu.dma_semaphore, #tpu.memory_space<semaphore_mem>>
      %dma_start3A = arith.constant 0 : i32
      %dma_start3A_28 = tpu.memref_slice %arg6[%arg0, %add3A_23, %dma_start3A] : memref<2x10240x128xf32, #tpu.memory_space<hbm>> -> memref<1x128x128xf32, #tpu.memory_space<hbm>>
      %dma_start3A_29 = tpu.memref_squeeze %dma_start3A_28 : memref<1x128x128xf32, #tpu.memory_space<hbm>> -> memref<128x128xf32, #tpu.memory_space<hbm>>
      %dma_start3A_30 = arith.constant 0 : i32
      %dma_start3A_31 = tpu.memref_slice %arg6[%arg0, %add3A_23, %dma_start3A_30] : memref<2x10240x128xf32, #tpu.memory_space<hbm>> -> memref<1x128x128xf32, #tpu.memory_space<hbm>>
      %dma_start3A_32 = tpu.memref_squeeze %dma_start3A_31 : memref<1x128x128xf32, #tpu.memory_space<hbm>> -> memref<128x128xf32, #tpu.memory_space<hbm>>
      tpu.enqueue_dma source(%arg9 : memref<128x128xf32, #tpu.memory_space<vmem>>) target(%dma_start3A_32 : memref<128x128xf32, #tpu.memory_space<hbm>>) target_semaphore(%run_scoped3A : memref<!tpu.dma_semaphore, #tpu.memory_space<semaphore_mem>>)
      %dma_wait3A = arith.constant 0 : i32
      %dma_wait3A_33 = tpu.memref_slice %arg6[%arg0, %add3A_23, %dma_wait3A] : memref<2x10240x128xf32, #tpu.memory_space<hbm>> -> memref<1x128x128xf32, #tpu.memory_space<hbm>>
      %dma_wait3A_34 = tpu.memref_squeeze %dma_wait3A_33 : memref<1x128x128xf32, #tpu.memory_space<hbm>> -> memref<128x128xf32, #tpu.memory_space<hbm>>
      %dma_wait3A_35 = arith.constant 0 : i32
      %dma_wait3A_36 = tpu.memref_slice %arg6[%arg0, %add3A_23, %dma_wait3A_35] : memref<2x10240x128xf32, #tpu.memory_space<hbm>> -> memref<1x128x128xf32, #tpu.memory_space<hbm>>
      %dma_wait3A_37 = tpu.memref_squeeze %dma_wait3A_36 : memref<1x128x128xf32, #tpu.memory_space<hbm>> -> memref<128x128xf32, #tpu.memory_space<hbm>>
      tpu.wait_dma2 semaphore(%run_scoped3A : memref<!tpu.dma_semaphore, #tpu.memory_space<semaphore_mem>>) src(%arg9 : memref<128x128xf32, #tpu.memory_space<vmem>>) dst(%dma_wait3A_37 : memref<128x128xf32, #tpu.memory_space<hbm>>)
      tpu.yield
    }) : () -> ()
    %add3A_24 = arith.constant 384 : i32
    %add3A_25 = arith.addi %mul3A_2, %add3A_24 : i32
    "tpu.region"() ({
      %run_scoped3A = tpu.sem_alloc : memref<!tpu.dma_semaphore, #tpu.memory_space<semaphore_mem>>
      %dma_start3A = arith.constant 0 : i32
      %dma_start3A_28 = tpu.memref_slice %arg11[%add3A_25, %dma_start3A] : memref<10240x128xf32, #tpu.memory_space<vmem_shared>> -> memref<128x128xf32, #tpu.memory_space<vmem_shared>>
      %dma_start3A_29 = arith.constant 0 : i32
      %dma_start3A_30 = tpu.memref_slice %arg11[%add3A_25, %dma_start3A_29] : memref<10240x128xf32, #tpu.memory_space<vmem_shared>> -> memref<128x128xf32, #tpu.memory_space<vmem_shared>>
      tpu.enqueue_dma source(%dma_start3A_30 : memref<128x128xf32, #tpu.memory_space<vmem_shared>>) target(%arg9 : memref<128x128xf32, #tpu.memory_space<vmem>>) target_semaphore(%run_scoped3A : memref<!tpu.dma_semaphore, #tpu.memory_space<semaphore_mem>>)
      %dma_wait3A = arith.constant 0 : i32
      %dma_wait3A_31 = tpu.memref_slice %arg11[%add3A_25, %dma_wait3A] : memref<10240x128xf32, #tpu.memory_space<vmem_shared>> -> memref<128x128xf32, #tpu.memory_space<vmem_shared>>
      %dma_wait3A_32 = arith.constant 0 : i32
      %dma_wait3A_33 = tpu.memref_slice %arg11[%add3A_25, %dma_wait3A_32] : memref<10240x128xf32, #tpu.memory_space<vmem_shared>> -> memref<128x128xf32, #tpu.memory_space<vmem_shared>>
      tpu.wait_dma2 semaphore(%run_scoped3A : memref<!tpu.dma_semaphore, #tpu.memory_space<semaphore_mem>>) src(%dma_wait3A_33 : memref<128x128xf32, #tpu.memory_space<vmem_shared>>) dst(%arg9 : memref<128x128xf32, #tpu.memory_space<vmem>>)
      tpu.yield
    }) : () -> ()
    "tpu.region"() ({
      %run_scoped3A = tpu.sem_alloc : memref<!tpu.dma_semaphore, #tpu.memory_space<semaphore_mem>>
      %dma_start3A = arith.constant 0 : i32
      %dma_start3A_28 = tpu.memref_slice %arg6[%arg0, %add3A_25, %dma_start3A] : memref<2x10240x128xf32, #tpu.memory_space<hbm>> -> memref<1x128x128xf32, #tpu.memory_space<hbm>>
      %dma_start3A_29 = tpu.memref_squeeze %dma_start3A_28 : memref<1x128x128xf32, #tpu.memory_space<hbm>> -> memref<128x128xf32, #tpu.memory_space<hbm>>
      %dma_start3A_30 = arith.constant 0 : i32
      %dma_start3A_31 = tpu.memref_slice %arg6[%arg0, %add3A_25, %dma_start3A_30] : memref<2x10240x128xf32, #tpu.memory_space<hbm>> -> memref<1x128x128xf32, #tpu.memory_space<hbm>>
      %dma_start3A_32 = tpu.memref_squeeze %dma_start3A_31 : memref<1x128x128xf32, #tpu.memory_space<hbm>> -> memref<128x128xf32, #tpu.memory_space<hbm>>
      tpu.enqueue_dma source(%arg9 : memref<128x128xf32, #tpu.memory_space<vmem>>) target(%dma_start3A_32 : memref<128x128xf32, #tpu.memory_space<hbm>>) target_semaphore(%run_scoped3A : memref<!tpu.dma_semaphore, #tpu.memory_space<semaphore_mem>>)
      %dma_wait3A = arith.constant 0 : i32
      %dma_wait3A_33 = tpu.memref_slice %arg6[%arg0, %add3A_25, %dma_wait3A] : memref<2x10240x128xf32, #tpu.memory_space<hbm>> -> memref<1x128x128xf32, #tpu.memory_space<hbm>>
      %dma_wait3A_34 = tpu.memref_squeeze %dma_wait3A_33 : memref<1x128x128xf32, #tpu.memory_space<hbm>> -> memref<128x128xf32, #tpu.memory_space<hbm>>
      %dma_wait3A_35 = arith.constant 0 : i32
      %dma_wait3A_36 = tpu.memref_slice %arg6[%arg0, %add3A_25, %dma_wait3A_35] : memref<2x10240x128xf32, #tpu.memory_space<hbm>> -> memref<1x128x128xf32, #tpu.memory_space<hbm>>
      %dma_wait3A_37 = tpu.memref_squeeze %dma_wait3A_36 : memref<1x128x128xf32, #tpu.memory_space<hbm>> -> memref<128x128xf32, #tpu.memory_space<hbm>>
      tpu.wait_dma2 semaphore(%run_scoped3A : memref<!tpu.dma_semaphore, #tpu.memory_space<semaphore_mem>>) src(%arg9 : memref<128x128xf32, #tpu.memory_space<vmem>>) dst(%dma_wait3A_37 : memref<128x128xf32, #tpu.memory_space<hbm>>)
      tpu.yield
    }) : () -> ()
    %add3A_26 = arith.constant 512 : i32
    %add3A_27 = arith.addi %mul3A_2, %add3A_26 : i32
    "tpu.region"() ({
      %run_scoped3A = tpu.sem_alloc : memref<!tpu.dma_semaphore, #tpu.memory_space<semaphore_mem>>
      %dma_start3A = arith.constant 0 : i32
      %dma_start3A_28 = tpu.memref_slice %arg11[%add3A_27, %dma_start3A] : memref<10240x128xf32, #tpu.memory_space<vmem_shared>> -> memref<128x128xf32, #tpu.memory_space<vmem_shared>>
      %dma_start3A_29 = arith.constant 0 : i32
      %dma_start3A_30 = tpu.memref_slice %arg11[%add3A_27, %dma_start3A_29] : memref<10240x128xf32, #tpu.memory_space<vmem_shared>> -> memref<128x128xf32, #tpu.memory_space<vmem_shared>>
      tpu.enqueue_dma source(%dma_start3A_30 : memref<128x128xf32, #tpu.memory_space<vmem_shared>>) target(%arg9 : memref<128x128xf32, #tpu.memory_space<vmem>>) target_semaphore(%run_scoped3A : memref<!tpu.dma_semaphore, #tpu.memory_space<semaphore_mem>>)
      %dma_wait3A = arith.constant 0 : i32
      %dma_wait3A_31 = tpu.memref_slice %arg11[%add3A_27, %dma_wait3A] : memref<10240x128xf32, #tpu.memory_space<vmem_shared>> -> memref<128x128xf32, #tpu.memory_space<vmem_shared>>
      %dma_wait3A_32 = arith.constant 0 : i32
      %dma_wait3A_33 = tpu.memref_slice %arg11[%add3A_27, %dma_wait3A_32] : memref<10240x128xf32, #tpu.memory_space<vmem_shared>> -> memref<128x128xf32, #tpu.memory_space<vmem_shared>>
      tpu.wait_dma2 semaphore(%run_scoped3A : memref<!tpu.dma_semaphore, #tpu.memory_space<semaphore_mem>>) src(%dma_wait3A_33 : memref<128x128xf32, #tpu.memory_space<vmem_shared>>) dst(%arg9 : memref<128x128xf32, #tpu.memory_space<vmem>>)
      tpu.yield
    }) : () -> ()
    "tpu.region"() ({
      %run_scoped3A = tpu.sem_alloc : memref<!tpu.dma_semaphore, #tpu.memory_space<semaphore_mem>>
      %dma_start3A = arith.constant 0 : i32
      %dma_start3A_28 = tpu.memref_slice %arg6[%arg0, %add3A_27, %dma_start3A] : memref<2x10240x128xf32, #tpu.memory_space<hbm>> -> memref<1x128x128xf32, #tpu.memory_space<hbm>>
      %dma_start3A_29 = tpu.memref_squeeze %dma_start3A_28 : memref<1x128x128xf32, #tpu.memory_space<hbm>> -> memref<128x128xf32, #tpu.memory_space<hbm>>
      %dma_start3A_30 = arith.constant 0 : i32
      %dma_start3A_31 = tpu.memref_slice %arg6[%arg0, %add3A_27, %dma_start3A_30] : memref<2x10240x128xf32, #tpu.memory_space<hbm>> -> memref<1x128x128xf32, #tpu.memory_space<hbm>>
      %dma_start3A_32 = tpu.memref_squeeze %dma_start3A_31 : memref<1x128x128xf32, #tpu.memory_space<hbm>> -> memref<128x128xf32, #tpu.memory_space<hbm>>
      tpu.enqueue_dma source(%arg9 : memref<128x128xf32, #tpu.memory_space<vmem>>) target(%dma_start3A_32 : memref<128x128xf32, #tpu.memory_space<hbm>>) target_semaphore(%run_scoped3A : memref<!tpu.dma_semaphore, #tpu.memory_space<semaphore_mem>>)
      %dma_wait3A = arith.constant 0 : i32
      %dma_wait3A_33 = tpu.memref_slice %arg6[%arg0, %add3A_27, %dma_wait3A] : memref<2x10240x128xf32, #tpu.memory_space<hbm>> -> memref<1x128x128xf32, #tpu.memory_space<hbm>>
      %dma_wait3A_34 = tpu.memref_squeeze %dma_wait3A_33 : memref<1x128x128xf32, #tpu.memory_space<hbm>> -> memref<128x128xf32, #tpu.memory_space<hbm>>
      %dma_wait3A_35 = arith.constant 0 : i32
      %dma_wait3A_36 = tpu.memref_slice %arg6[%arg0, %add3A_27, %dma_wait3A_35] : memref<2x10240x128xf32, #tpu.memory_space<hbm>> -> memref<1x128x128xf32, #tpu.memory_space<hbm>>
      %dma_wait3A_37 = tpu.memref_squeeze %dma_wait3A_36 : memref<1x128x128xf32, #tpu.memory_space<hbm>> -> memref<128x128xf32, #tpu.memory_space<hbm>>
      tpu.wait_dma2 semaphore(%run_scoped3A : memref<!tpu.dma_semaphore, #tpu.memory_space<semaphore_mem>>) src(%arg9 : memref<128x128xf32, #tpu.memory_space<vmem>>) dst(%dma_wait3A_37 : memref<128x128xf32, #tpu.memory_space<hbm>>)
      tpu.yield
    }) : () -> ()
    return
  }
}

#map = affine_map<(d0, d1) -> (0, 0)>
#map1 = affine_map<(d0, d1) -> (0, 0, 0)>
module attributes {stable_mosaic.version = 14 : i64} {
  func.func @_sc_agg_body(%arg0: i32, %arg1: i32, %arg2: memref<10000x128xf32, #tpu.memory_space<hbm>>, %arg3: memref<32x80x128xi32, #tpu.memory_space<hbm>>, %arg4: memref<32x80x128xi32, #tpu.memory_space<hbm>>, %arg5: memref<128x128xf32, #tpu.memory_space<hbm>>, %arg6: memref<2x10240x128xf32, #tpu.memory_space<hbm>>, %arg7: memref<2x10240xf32, #tpu.memory_space<hbm>>, %arg8: memref<16x128xi32, #tpu.memory_space<vmem>>, %arg9: memref<16x128xi32, #tpu.memory_space<vmem>>, %arg10: memref<128x128xf32, #tpu.memory_space<vmem>>, %arg11: memref<128x128xf32, #tpu.memory_space<vmem>>, %arg12: memref<128xf32, #tpu.memory_space<vmem>>, %arg13: memref<640xf32, #tpu.memory_space<vmem>>, %arg14: memref<10240x128xf32, #tpu.memory_space<vmem_shared>>, %arg15: memref<10240xf32, #tpu.memory_space<vmem_shared>>, %arg16: memref<!tpu.dma_semaphore, #tpu.memory_space<semaphore_mem>>, %arg17: memref<!tpu.dma_semaphore, #tpu.memory_space<semaphore_mem>>) attributes {dimension_semantics = [#tpu.dimension_semantics<core_parallel>, #tpu.dimension_semantics<subcore_parallel>], iteration_bounds = array<i64: 2, 16>, scalar_prefetch = 0 : i64, scratch_operands = 10 : i64, tpu.core_type = #tpu.core_type<sc_vector_subcore>, window_params = [{transform_indices = #map}, {transform_indices = #map1}, {transform_indices = #map1}, {transform_indices = #map}, {transform_indices = #map1}, {transform_indices = #map}]} {
    %mul3A = arith.constant 16 : i32
    %mul3A_0 = arith.muli %arg0, %mul3A : i32
    %add3A = arith.addi %mul3A_0, %arg1 : i32
    %mul3A_1 = arith.constant 640 : i32
    %mul3A_2 = arith.muli %arg1, %mul3A_1 : i32
    "tpu.region"() ({
      %run_scoped3A = tpu.sem_alloc : memref<!tpu.dma_semaphore, #tpu.memory_space<semaphore_mem>>
      tpu.enqueue_dma source(%arg5 : memref<128x128xf32, #tpu.memory_space<hbm>>) target(%arg10 : memref<128x128xf32, #tpu.memory_space<vmem>>) target_semaphore(%run_scoped3A : memref<!tpu.dma_semaphore, #tpu.memory_space<semaphore_mem>>)
      tpu.wait_dma2 semaphore(%run_scoped3A : memref<!tpu.dma_semaphore, #tpu.memory_space<semaphore_mem>>) src(%arg5 : memref<128x128xf32, #tpu.memory_space<hbm>>) dst(%arg10 : memref<128x128xf32, #tpu.memory_space<vmem>>)
      tpu.yield
    }) : () -> ()
    %add3A_3 = arith.constant 0 : i32
    %add3A_4 = arith.addi %mul3A_2, %add3A_3 : i32
    "tpu.region"() ({
      %run_scoped3A = tpu.sem_alloc : memref<!tpu.dma_semaphore, #tpu.memory_space<semaphore_mem>>
      %dma_start3A = arith.constant 0 : i32
      %dma_start3A_314 = tpu.memref_slice %arg14[%add3A_4, %dma_start3A] : memref<10240x128xf32, #tpu.memory_space<vmem_shared>> -> memref<128x128xf32, #tpu.memory_space<vmem_shared>>
      %dma_start3A_315 = arith.constant 0 : i32
      %dma_start3A_316 = tpu.memref_slice %arg14[%add3A_4, %dma_start3A_315] : memref<10240x128xf32, #tpu.memory_space<vmem_shared>> -> memref<128x128xf32, #tpu.memory_space<vmem_shared>>
      tpu.enqueue_dma source(%arg10 : memref<128x128xf32, #tpu.memory_space<vmem>>) target(%dma_start3A_316 : memref<128x128xf32, #tpu.memory_space<vmem_shared>>) target_semaphore(%run_scoped3A : memref<!tpu.dma_semaphore, #tpu.memory_space<semaphore_mem>>)
      %dma_wait3A = arith.constant 0 : i32
      %dma_wait3A_317 = tpu.memref_slice %arg14[%add3A_4, %dma_wait3A] : memref<10240x128xf32, #tpu.memory_space<vmem_shared>> -> memref<128x128xf32, #tpu.memory_space<vmem_shared>>
      %dma_wait3A_318 = arith.constant 0 : i32
      %dma_wait3A_319 = tpu.memref_slice %arg14[%add3A_4, %dma_wait3A_318] : memref<10240x128xf32, #tpu.memory_space<vmem_shared>> -> memref<128x128xf32, #tpu.memory_space<vmem_shared>>
      tpu.wait_dma2 semaphore(%run_scoped3A : memref<!tpu.dma_semaphore, #tpu.memory_space<semaphore_mem>>) src(%arg10 : memref<128x128xf32, #tpu.memory_space<vmem>>) dst(%dma_wait3A_319 : memref<128x128xf32, #tpu.memory_space<vmem_shared>>)
      tpu.yield
    }) : () -> ()
    %add3A_5 = arith.constant 128 : i32
    %add3A_6 = arith.addi %mul3A_2, %add3A_5 : i32
    "tpu.region"() ({
      %run_scoped3A = tpu.sem_alloc : memref<!tpu.dma_semaphore, #tpu.memory_space<semaphore_mem>>
      %dma_start3A = arith.constant 0 : i32
      %dma_start3A_314 = tpu.memref_slice %arg14[%add3A_6, %dma_start3A] : memref<10240x128xf32, #tpu.memory_space<vmem_shared>> -> memref<128x128xf32, #tpu.memory_space<vmem_shared>>
      %dma_start3A_315 = arith.constant 0 : i32
      %dma_start3A_316 = tpu.memref_slice %arg14[%add3A_6, %dma_start3A_315] : memref<10240x128xf32, #tpu.memory_space<vmem_shared>> -> memref<128x128xf32, #tpu.memory_space<vmem_shared>>
      tpu.enqueue_dma source(%arg10 : memref<128x128xf32, #tpu.memory_space<vmem>>) target(%dma_start3A_316 : memref<128x128xf32, #tpu.memory_space<vmem_shared>>) target_semaphore(%run_scoped3A : memref<!tpu.dma_semaphore, #tpu.memory_space<semaphore_mem>>)
      %dma_wait3A = arith.constant 0 : i32
      %dma_wait3A_317 = tpu.memref_slice %arg14[%add3A_6, %dma_wait3A] : memref<10240x128xf32, #tpu.memory_space<vmem_shared>> -> memref<128x128xf32, #tpu.memory_space<vmem_shared>>
      %dma_wait3A_318 = arith.constant 0 : i32
      %dma_wait3A_319 = tpu.memref_slice %arg14[%add3A_6, %dma_wait3A_318] : memref<10240x128xf32, #tpu.memory_space<vmem_shared>> -> memref<128x128xf32, #tpu.memory_space<vmem_shared>>
      tpu.wait_dma2 semaphore(%run_scoped3A : memref<!tpu.dma_semaphore, #tpu.memory_space<semaphore_mem>>) src(%arg10 : memref<128x128xf32, #tpu.memory_space<vmem>>) dst(%dma_wait3A_319 : memref<128x128xf32, #tpu.memory_space<vmem_shared>>)
      tpu.yield
    }) : () -> ()
    %add3A_7 = arith.constant 256 : i32
    %add3A_8 = arith.addi %mul3A_2, %add3A_7 : i32
    "tpu.region"() ({
      %run_scoped3A = tpu.sem_alloc : memref<!tpu.dma_semaphore, #tpu.memory_space<semaphore_mem>>
      %dma_start3A = arith.constant 0 : i32
      %dma_start3A_314 = tpu.memref_slice %arg14[%add3A_8, %dma_start3A] : memref<10240x128xf32, #tpu.memory_space<vmem_shared>> -> memref<128x128xf32, #tpu.memory_space<vmem_shared>>
      %dma_start3A_315 = arith.constant 0 : i32
      %dma_start3A_316 = tpu.memref_slice %arg14[%add3A_8, %dma_start3A_315] : memref<10240x128xf32, #tpu.memory_space<vmem_shared>> -> memref<128x128xf32, #tpu.memory_space<vmem_shared>>
      tpu.enqueue_dma source(%arg10 : memref<128x128xf32, #tpu.memory_space<vmem>>) target(%dma_start3A_316 : memref<128x128xf32, #tpu.memory_space<vmem_shared>>) target_semaphore(%run_scoped3A : memref<!tpu.dma_semaphore, #tpu.memory_space<semaphore_mem>>)
      %dma_wait3A = arith.constant 0 : i32
      %dma_wait3A_317 = tpu.memref_slice %arg14[%add3A_8, %dma_wait3A] : memref<10240x128xf32, #tpu.memory_space<vmem_shared>> -> memref<128x128xf32, #tpu.memory_space<vmem_shared>>
      %dma_wait3A_318 = arith.constant 0 : i32
      %dma_wait3A_319 = tpu.memref_slice %arg14[%add3A_8, %dma_wait3A_318] : memref<10240x128xf32, #tpu.memory_space<vmem_shared>> -> memref<128x128xf32, #tpu.memory_space<vmem_shared>>
      tpu.wait_dma2 semaphore(%run_scoped3A : memref<!tpu.dma_semaphore, #tpu.memory_space<semaphore_mem>>) src(%arg10 : memref<128x128xf32, #tpu.memory_space<vmem>>) dst(%dma_wait3A_319 : memref<128x128xf32, #tpu.memory_space<vmem_shared>>)
      tpu.yield
    }) : () -> ()
    %add3A_9 = arith.constant 384 : i32
    %add3A_10 = arith.addi %mul3A_2, %add3A_9 : i32
    "tpu.region"() ({
      %run_scoped3A = tpu.sem_alloc : memref<!tpu.dma_semaphore, #tpu.memory_space<semaphore_mem>>
      %dma_start3A = arith.constant 0 : i32
      %dma_start3A_314 = tpu.memref_slice %arg14[%add3A_10, %dma_start3A] : memref<10240x128xf32, #tpu.memory_space<vmem_shared>> -> memref<128x128xf32, #tpu.memory_space<vmem_shared>>
      %dma_start3A_315 = arith.constant 0 : i32
      %dma_start3A_316 = tpu.memref_slice %arg14[%add3A_10, %dma_start3A_315] : memref<10240x128xf32, #tpu.memory_space<vmem_shared>> -> memref<128x128xf32, #tpu.memory_space<vmem_shared>>
      tpu.enqueue_dma source(%arg10 : memref<128x128xf32, #tpu.memory_space<vmem>>) target(%dma_start3A_316 : memref<128x128xf32, #tpu.memory_space<vmem_shared>>) target_semaphore(%run_scoped3A : memref<!tpu.dma_semaphore, #tpu.memory_space<semaphore_mem>>)
      %dma_wait3A = arith.constant 0 : i32
      %dma_wait3A_317 = tpu.memref_slice %arg14[%add3A_10, %dma_wait3A] : memref<10240x128xf32, #tpu.memory_space<vmem_shared>> -> memref<128x128xf32, #tpu.memory_space<vmem_shared>>
      %dma_wait3A_318 = arith.constant 0 : i32
      %dma_wait3A_319 = tpu.memref_slice %arg14[%add3A_10, %dma_wait3A_318] : memref<10240x128xf32, #tpu.memory_space<vmem_shared>> -> memref<128x128xf32, #tpu.memory_space<vmem_shared>>
      tpu.wait_dma2 semaphore(%run_scoped3A : memref<!tpu.dma_semaphore, #tpu.memory_space<semaphore_mem>>) src(%arg10 : memref<128x128xf32, #tpu.memory_space<vmem>>) dst(%dma_wait3A_319 : memref<128x128xf32, #tpu.memory_space<vmem_shared>>)
      tpu.yield
    }) : () -> ()
    %add3A_11 = arith.constant 512 : i32
    %add3A_12 = arith.addi %mul3A_2, %add3A_11 : i32
    "tpu.region"() ({
      %run_scoped3A = tpu.sem_alloc : memref<!tpu.dma_semaphore, #tpu.memory_space<semaphore_mem>>
      %dma_start3A = arith.constant 0 : i32
      %dma_start3A_314 = tpu.memref_slice %arg14[%add3A_12, %dma_start3A] : memref<10240x128xf32, #tpu.memory_space<vmem_shared>> -> memref<128x128xf32, #tpu.memory_space<vmem_shared>>
      %dma_start3A_315 = arith.constant 0 : i32
      %dma_start3A_316 = tpu.memref_slice %arg14[%add3A_12, %dma_start3A_315] : memref<10240x128xf32, #tpu.memory_space<vmem_shared>> -> memref<128x128xf32, #tpu.memory_space<vmem_shared>>
      tpu.enqueue_dma source(%arg10 : memref<128x128xf32, #tpu.memory_space<vmem>>) target(%dma_start3A_316 : memref<128x128xf32, #tpu.memory_space<vmem_shared>>) target_semaphore(%run_scoped3A : memref<!tpu.dma_semaphore, #tpu.memory_space<semaphore_mem>>)
      %dma_wait3A = arith.constant 0 : i32
      %dma_wait3A_317 = tpu.memref_slice %arg14[%add3A_12, %dma_wait3A] : memref<10240x128xf32, #tpu.memory_space<vmem_shared>> -> memref<128x128xf32, #tpu.memory_space<vmem_shared>>
      %dma_wait3A_318 = arith.constant 0 : i32
      %dma_wait3A_319 = tpu.memref_slice %arg14[%add3A_12, %dma_wait3A_318] : memref<10240x128xf32, #tpu.memory_space<vmem_shared>> -> memref<128x128xf32, #tpu.memory_space<vmem_shared>>
      tpu.wait_dma2 semaphore(%run_scoped3A : memref<!tpu.dma_semaphore, #tpu.memory_space<semaphore_mem>>) src(%arg10 : memref<128x128xf32, #tpu.memory_space<vmem>>) dst(%dma_wait3A_319 : memref<128x128xf32, #tpu.memory_space<vmem_shared>>)
      tpu.yield
    }) : () -> ()
    %broadcast_in_dim3A = arith.constant 0.000000e+00 : f32
    %broadcast_in_dim3A_13 = vector.broadcast %broadcast_in_dim3A : f32 to vector<16xf32>
    %swap3A = arith.constant 0 : index
    %swap3A_14 = tpu.vector_load %arg13[%swap3A] {strides = array<i32>} : memref<640xf32, #tpu.memory_space<vmem>>, vector<16xf32>,
    %swap3A_15 = vector.shape_cast %swap3A_14 : vector<16xf32> to vector<16xf32>
    %swap3A_16 = vector.shape_cast %broadcast_in_dim3A_13 : vector<16xf32> to vector<16xf32>
    tpu.vector_store %arg13[%swap3A], %swap3A_16 {strides = array<i32>} : memref<640xf32, #tpu.memory_space<vmem>>, vector<16xf32>,
    %broadcast_in_dim3A_17 = arith.constant 0.000000e+00 : f32
    %broadcast_in_dim3A_18 = vector.broadcast %broadcast_in_dim3A_17 : f32 to vector<16xf32>
    %swap3A_19 = arith.constant 16 : index
    %swap3A_20 = tpu.vector_load %arg13[%swap3A_19] {strides = array<i32>} : memref<640xf32, #tpu.memory_space<vmem>>, vector<16xf32>,
    %swap3A_21 = vector.shape_cast %swap3A_20 : vector<16xf32> to vector<16xf32>
    %swap3A_22 = vector.shape_cast %broadcast_in_dim3A_18 : vector<16xf32> to vector<16xf32>
    tpu.vector_store %arg13[%swap3A_19], %swap3A_22 {strides = array<i32>} : memref<640xf32, #tpu.memory_space<vmem>>, vector<16xf32>,
    %broadcast_in_dim3A_23 = arith.constant 0.000000e+00 : f32
    %broadcast_in_dim3A_24 = vector.broadcast %broadcast_in_dim3A_23 : f32 to vector<16xf32>
    %swap3A_25 = arith.constant 32 : index
    %swap3A_26 = tpu.vector_load %arg13[%swap3A_25] {strides = array<i32>} : memref<640xf32, #tpu.memory_space<vmem>>, vector<16xf32>,
    %swap3A_27 = vector.shape_cast %swap3A_26 : vector<16xf32> to vector<16xf32>
    %swap3A_28 = vector.shape_cast %broadcast_in_dim3A_24 : vector<16xf32> to vector<16xf32>
    tpu.vector_store %arg13[%swap3A_25], %swap3A_28 {strides = array<i32>} : memref<640xf32, #tpu.memory_space<vmem>>, vector<16xf32>,
    %broadcast_in_dim3A_29 = arith.constant 0.000000e+00 : f32
    %broadcast_in_dim3A_30 = vector.broadcast %broadcast_in_dim3A_29 : f32 to vector<16xf32>
    %swap3A_31 = arith.constant 48 : index
    %swap3A_32 = tpu.vector_load %arg13[%swap3A_31] {strides = array<i32>} : memref<640xf32, #tpu.memory_space<vmem>>, vector<16xf32>,
    %swap3A_33 = vector.shape_cast %swap3A_32 : vector<16xf32> to vector<16xf32>
    %swap3A_34 = vector.shape_cast %broadcast_in_dim3A_30 : vector<16xf32> to vector<16xf32>
    tpu.vector_store %arg13[%swap3A_31], %swap3A_34 {strides = array<i32>} : memref<640xf32, #tpu.memory_space<vmem>>, vector<16xf32>,
    %broadcast_in_dim3A_35 = arith.constant 0.000000e+00 : f32
    %broadcast_in_dim3A_36 = vector.broadcast %broadcast_in_dim3A_35 : f32 to vector<16xf32>
    %swap3A_37 = arith.constant 64 : index
    %swap3A_38 = tpu.vector_load %arg13[%swap3A_37] {strides = array<i32>} : memref<640xf32, #tpu.memory_space<vmem>>, vector<16xf32>,
    %swap3A_39 = vector.shape_cast %swap3A_38 : vector<16xf32> to vector<16xf32>
    %swap3A_40 = vector.shape_cast %broadcast_in_dim3A_36 : vector<16xf32> to vector<16xf32>
    tpu.vector_store %arg13[%swap3A_37], %swap3A_40 {strides = array<i32>} : memref<640xf32, #tpu.memory_space<vmem>>, vector<16xf32>,
    %broadcast_in_dim3A_41 = arith.constant 0.000000e+00 : f32
    %broadcast_in_dim3A_42 = vector.broadcast %broadcast_in_dim3A_41 : f32 to vector<16xf32>
    %swap3A_43 = arith.constant 80 : index
    %swap3A_44 = tpu.vector_load %arg13[%swap3A_43] {strides = array<i32>} : memref<640xf32, #tpu.memory_space<vmem>>, vector<16xf32>,
    %swap3A_45 = vector.shape_cast %swap3A_44 : vector<16xf32> to vector<16xf32>
    %swap3A_46 = vector.shape_cast %broadcast_in_dim3A_42 : vector<16xf32> to vector<16xf32>
    tpu.vector_store %arg13[%swap3A_43], %swap3A_46 {strides = array<i32>} : memref<640xf32, #tpu.memory_space<vmem>>, vector<16xf32>,
    %broadcast_in_dim3A_47 = arith.constant 0.000000e+00 : f32
    %broadcast_in_dim3A_48 = vector.broadcast %broadcast_in_dim3A_47 : f32 to vector<16xf32>
    %swap3A_49 = arith.constant 96 : index
    %swap3A_50 = tpu.vector_load %arg13[%swap3A_49] {strides = array<i32>} : memref<640xf32, #tpu.memory_space<vmem>>, vector<16xf32>,
    %swap3A_51 = vector.shape_cast %swap3A_50 : vector<16xf32> to vector<16xf32>
    %swap3A_52 = vector.shape_cast %broadcast_in_dim3A_48 : vector<16xf32> to vector<16xf32>
    tpu.vector_store %arg13[%swap3A_49], %swap3A_52 {strides = array<i32>} : memref<640xf32, #tpu.memory_space<vmem>>, vector<16xf32>,
    %broadcast_in_dim3A_53 = arith.constant 0.000000e+00 : f32
    %broadcast_in_dim3A_54 = vector.broadcast %broadcast_in_dim3A_53 : f32 to vector<16xf32>
    %swap3A_55 = arith.constant 112 : index
    %swap3A_56 = tpu.vector_load %arg13[%swap3A_55] {strides = array<i32>} : memref<640xf32, #tpu.memory_space<vmem>>, vector<16xf32>,
    %swap3A_57 = vector.shape_cast %swap3A_56 : vector<16xf32> to vector<16xf32>
    %swap3A_58 = vector.shape_cast %broadcast_in_dim3A_54 : vector<16xf32> to vector<16xf32>
    tpu.vector_store %arg13[%swap3A_55], %swap3A_58 {strides = array<i32>} : memref<640xf32, #tpu.memory_space<vmem>>, vector<16xf32>,
    %broadcast_in_dim3A_59 = arith.constant 0.000000e+00 : f32
    %broadcast_in_dim3A_60 = vector.broadcast %broadcast_in_dim3A_59 : f32 to vector<16xf32>
    %swap3A_61 = arith.constant 128 : index
    %swap3A_62 = tpu.vector_load %arg13[%swap3A_61] {strides = array<i32>} : memref<640xf32, #tpu.memory_space<vmem>>, vector<16xf32>,
    %swap3A_63 = vector.shape_cast %swap3A_62 : vector<16xf32> to vector<16xf32>
    %swap3A_64 = vector.shape_cast %broadcast_in_dim3A_60 : vector<16xf32> to vector<16xf32>
    tpu.vector_store %arg13[%swap3A_61], %swap3A_64 {strides = array<i32>} : memref<640xf32, #tpu.memory_space<vmem>>, vector<16xf32>,
    %broadcast_in_dim3A_65 = arith.constant 0.000000e+00 : f32
    %broadcast_in_dim3A_66 = vector.broadcast %broadcast_in_dim3A_65 : f32 to vector<16xf32>
    %swap3A_67 = arith.constant 144 : index
    %swap3A_68 = tpu.vector_load %arg13[%swap3A_67] {strides = array<i32>} : memref<640xf32, #tpu.memory_space<vmem>>, vector<16xf32>,
    %swap3A_69 = vector.shape_cast %swap3A_68 : vector<16xf32> to vector<16xf32>
    %swap3A_70 = vector.shape_cast %broadcast_in_dim3A_66 : vector<16xf32> to vector<16xf32>
    tpu.vector_store %arg13[%swap3A_67], %swap3A_70 {strides = array<i32>} : memref<640xf32, #tpu.memory_space<vmem>>, vector<16xf32>,
    %broadcast_in_dim3A_71 = arith.constant 0.000000e+00 : f32
    %broadcast_in_dim3A_72 = vector.broadcast %broadcast_in_dim3A_71 : f32 to vector<16xf32>
    %swap3A_73 = arith.constant 160 : index
    %swap3A_74 = tpu.vector_load %arg13[%swap3A_73] {strides = array<i32>} : memref<640xf32, #tpu.memory_space<vmem>>, vector<16xf32>,
    %swap3A_75 = vector.shape_cast %swap3A_74 : vector<16xf32> to vector<16xf32>
    %swap3A_76 = vector.shape_cast %broadcast_in_dim3A_72 : vector<16xf32> to vector<16xf32>
    tpu.vector_store %arg13[%swap3A_73], %swap3A_76 {strides = array<i32>} : memref<640xf32, #tpu.memory_space<vmem>>, vector<16xf32>,
    %broadcast_in_dim3A_77 = arith.constant 0.000000e+00 : f32
    %broadcast_in_dim3A_78 = vector.broadcast %broadcast_in_dim3A_77 : f32 to vector<16xf32>
    %swap3A_79 = arith.constant 176 : index
    %swap3A_80 = tpu.vector_load %arg13[%swap3A_79] {strides = array<i32>} : memref<640xf32, #tpu.memory_space<vmem>>, vector<16xf32>,
    %swap3A_81 = vector.shape_cast %swap3A_80 : vector<16xf32> to vector<16xf32>
    %swap3A_82 = vector.shape_cast %broadcast_in_dim3A_78 : vector<16xf32> to vector<16xf32>
    tpu.vector_store %arg13[%swap3A_79], %swap3A_82 {strides = array<i32>} : memref<640xf32, #tpu.memory_space<vmem>>, vector<16xf32>,
    %broadcast_in_dim3A_83 = arith.constant 0.000000e+00 : f32
    %broadcast_in_dim3A_84 = vector.broadcast %broadcast_in_dim3A_83 : f32 to vector<16xf32>
    %swap3A_85 = arith.constant 192 : index
    %swap3A_86 = tpu.vector_load %arg13[%swap3A_85] {strides = array<i32>} : memref<640xf32, #tpu.memory_space<vmem>>, vector<16xf32>,
    %swap3A_87 = vector.shape_cast %swap3A_86 : vector<16xf32> to vector<16xf32>
    %swap3A_88 = vector.shape_cast %broadcast_in_dim3A_84 : vector<16xf32> to vector<16xf32>
    tpu.vector_store %arg13[%swap3A_85], %swap3A_88 {strides = array<i32>} : memref<640xf32, #tpu.memory_space<vmem>>, vector<16xf32>,
    %broadcast_in_dim3A_89 = arith.constant 0.000000e+00 : f32
    %broadcast_in_dim3A_90 = vector.broadcast %broadcast_in_dim3A_89 : f32 to vector<16xf32>
    %swap3A_91 = arith.constant 208 : index
    %swap3A_92 = tpu.vector_load %arg13[%swap3A_91] {strides = array<i32>} : memref<640xf32, #tpu.memory_space<vmem>>, vector<16xf32>,
    %swap3A_93 = vector.shape_cast %swap3A_92 : vector<16xf32> to vector<16xf32>
    %swap3A_94 = vector.shape_cast %broadcast_in_dim3A_90 : vector<16xf32> to vector<16xf32>
    tpu.vector_store %arg13[%swap3A_91], %swap3A_94 {strides = array<i32>} : memref<640xf32, #tpu.memory_space<vmem>>, vector<16xf32>,
    %broadcast_in_dim3A_95 = arith.constant 0.000000e+00 : f32
    %broadcast_in_dim3A_96 = vector.broadcast %broadcast_in_dim3A_95 : f32 to vector<16xf32>
    %swap3A_97 = arith.constant 224 : index
    %swap3A_98 = tpu.vector_load %arg13[%swap3A_97] {strides = array<i32>} : memref<640xf32, #tpu.memory_space<vmem>>, vector<16xf32>,
    %swap3A_99 = vector.shape_cast %swap3A_98 : vector<16xf32> to vector<16xf32>
    %swap3A_100 = vector.shape_cast %broadcast_in_dim3A_96 : vector<16xf32> to vector<16xf32>
    tpu.vector_store %arg13[%swap3A_97], %swap3A_100 {strides = array<i32>} : memref<640xf32, #tpu.memory_space<vmem>>, vector<16xf32>,
    %broadcast_in_dim3A_101 = arith.constant 0.000000e+00 : f32
    %broadcast_in_dim3A_102 = vector.broadcast %broadcast_in_dim3A_101 : f32 to vector<16xf32>
    %swap3A_103 = arith.constant 240 : index
    %swap3A_104 = tpu.vector_load %arg13[%swap3A_103] {strides = array<i32>} : memref<640xf32, #tpu.memory_space<vmem>>, vector<16xf32>,
    %swap3A_105 = vector.shape_cast %swap3A_104 : vector<16xf32> to vector<16xf32>
    %swap3A_106 = vector.shape_cast %broadcast_in_dim3A_102 : vector<16xf32> to vector<16xf32>
    tpu.vector_store %arg13[%swap3A_103], %swap3A_106 {strides = array<i32>} : memref<640xf32, #tpu.memory_space<vmem>>, vector<16xf32>,
    %broadcast_in_dim3A_107 = arith.constant 0.000000e+00 : f32
    %broadcast_in_dim3A_108 = vector.broadcast %broadcast_in_dim3A_107 : f32 to vector<16xf32>
    %swap3A_109 = arith.constant 256 : index
    %swap3A_110 = tpu.vector_load %arg13[%swap3A_109] {strides = array<i32>} : memref<640xf32, #tpu.memory_space<vmem>>, vector<16xf32>,
    %swap3A_111 = vector.shape_cast %swap3A_110 : vector<16xf32> to vector<16xf32>
    %swap3A_112 = vector.shape_cast %broadcast_in_dim3A_108 : vector<16xf32> to vector<16xf32>
    tpu.vector_store %arg13[%swap3A_109], %swap3A_112 {strides = array<i32>} : memref<640xf32, #tpu.memory_space<vmem>>, vector<16xf32>,
    %broadcast_in_dim3A_113 = arith.constant 0.000000e+00 : f32
    %broadcast_in_dim3A_114 = vector.broadcast %broadcast_in_dim3A_113 : f32 to vector<16xf32>
    %swap3A_115 = arith.constant 272 : index
    %swap3A_116 = tpu.vector_load %arg13[%swap3A_115] {strides = array<i32>} : memref<640xf32, #tpu.memory_space<vmem>>, vector<16xf32>,
    %swap3A_117 = vector.shape_cast %swap3A_116 : vector<16xf32> to vector<16xf32>
    %swap3A_118 = vector.shape_cast %broadcast_in_dim3A_114 : vector<16xf32> to vector<16xf32>
    tpu.vector_store %arg13[%swap3A_115], %swap3A_118 {strides = array<i32>} : memref<640xf32, #tpu.memory_space<vmem>>, vector<16xf32>,
    %broadcast_in_dim3A_119 = arith.constant 0.000000e+00 : f32
    %broadcast_in_dim3A_120 = vector.broadcast %broadcast_in_dim3A_119 : f32 to vector<16xf32>
    %swap3A_121 = arith.constant 288 : index
    %swap3A_122 = tpu.vector_load %arg13[%swap3A_121] {strides = array<i32>} : memref<640xf32, #tpu.memory_space<vmem>>, vector<16xf32>,
    %swap3A_123 = vector.shape_cast %swap3A_122 : vector<16xf32> to vector<16xf32>
    %swap3A_124 = vector.shape_cast %broadcast_in_dim3A_120 : vector<16xf32> to vector<16xf32>
    tpu.vector_store %arg13[%swap3A_121], %swap3A_124 {strides = array<i32>} : memref<640xf32, #tpu.memory_space<vmem>>, vector<16xf32>,
    %broadcast_in_dim3A_125 = arith.constant 0.000000e+00 : f32
    %broadcast_in_dim3A_126 = vector.broadcast %broadcast_in_dim3A_125 : f32 to vector<16xf32>
    %swap3A_127 = arith.constant 304 : index
    %swap3A_128 = tpu.vector_load %arg13[%swap3A_127] {strides = array<i32>} : memref<640xf32, #tpu.memory_space<vmem>>, vector<16xf32>,
    %swap3A_129 = vector.shape_cast %swap3A_128 : vector<16xf32> to vector<16xf32>
    %swap3A_130 = vector.shape_cast %broadcast_in_dim3A_126 : vector<16xf32> to vector<16xf32>
    tpu.vector_store %arg13[%swap3A_127], %swap3A_130 {strides = array<i32>} : memref<640xf32, #tpu.memory_space<vmem>>, vector<16xf32>,
    %broadcast_in_dim3A_131 = arith.constant 0.000000e+00 : f32
    %broadcast_in_dim3A_132 = vector.broadcast %broadcast_in_dim3A_131 : f32 to vector<16xf32>
    %swap3A_133 = arith.constant 320 : index
    %swap3A_134 = tpu.vector_load %arg13[%swap3A_133] {strides = array<i32>} : memref<640xf32, #tpu.memory_space<vmem>>, vector<16xf32>,
    %swap3A_135 = vector.shape_cast %swap3A_134 : vector<16xf32> to vector<16xf32>
    %swap3A_136 = vector.shape_cast %broadcast_in_dim3A_132 : vector<16xf32> to vector<16xf32>
    tpu.vector_store %arg13[%swap3A_133], %swap3A_136 {strides = array<i32>} : memref<640xf32, #tpu.memory_space<vmem>>, vector<16xf32>,
    %broadcast_in_dim3A_137 = arith.constant 0.000000e+00 : f32
    %broadcast_in_dim3A_138 = vector.broadcast %broadcast_in_dim3A_137 : f32 to vector<16xf32>
    %swap3A_139 = arith.constant 336 : index
    %swap3A_140 = tpu.vector_load %arg13[%swap3A_139] {strides = array<i32>} : memref<640xf32, #tpu.memory_space<vmem>>, vector<16xf32>,
    %swap3A_141 = vector.shape_cast %swap3A_140 : vector<16xf32> to vector<16xf32>
    %swap3A_142 = vector.shape_cast %broadcast_in_dim3A_138 : vector<16xf32> to vector<16xf32>
    tpu.vector_store %arg13[%swap3A_139], %swap3A_142 {strides = array<i32>} : memref<640xf32, #tpu.memory_space<vmem>>, vector<16xf32>,
    %broadcast_in_dim3A_143 = arith.constant 0.000000e+00 : f32
    %broadcast_in_dim3A_144 = vector.broadcast %broadcast_in_dim3A_143 : f32 to vector<16xf32>
    %swap3A_145 = arith.constant 352 : index
    %swap3A_146 = tpu.vector_load %arg13[%swap3A_145] {strides = array<i32>} : memref<640xf32, #tpu.memory_space<vmem>>, vector<16xf32>,
    %swap3A_147 = vector.shape_cast %swap3A_146 : vector<16xf32> to vector<16xf32>
    %swap3A_148 = vector.shape_cast %broadcast_in_dim3A_144 : vector<16xf32> to vector<16xf32>
    tpu.vector_store %arg13[%swap3A_145], %swap3A_148 {strides = array<i32>} : memref<640xf32, #tpu.memory_space<vmem>>, vector<16xf32>,
    %broadcast_in_dim3A_149 = arith.constant 0.000000e+00 : f32
    %broadcast_in_dim3A_150 = vector.broadcast %broadcast_in_dim3A_149 : f32 to vector<16xf32>
    %swap3A_151 = arith.constant 368 : index
    %swap3A_152 = tpu.vector_load %arg13[%swap3A_151] {strides = array<i32>} : memref<640xf32, #tpu.memory_space<vmem>>, vector<16xf32>,
    %swap3A_153 = vector.shape_cast %swap3A_152 : vector<16xf32> to vector<16xf32>
    %swap3A_154 = vector.shape_cast %broadcast_in_dim3A_150 : vector<16xf32> to vector<16xf32>
    tpu.vector_store %arg13[%swap3A_151], %swap3A_154 {strides = array<i32>} : memref<640xf32, #tpu.memory_space<vmem>>, vector<16xf32>,
    %broadcast_in_dim3A_155 = arith.constant 0.000000e+00 : f32
    %broadcast_in_dim3A_156 = vector.broadcast %broadcast_in_dim3A_155 : f32 to vector<16xf32>
    %swap3A_157 = arith.constant 384 : index
    %swap3A_158 = tpu.vector_load %arg13[%swap3A_157] {strides = array<i32>} : memref<640xf32, #tpu.memory_space<vmem>>, vector<16xf32>,
    %swap3A_159 = vector.shape_cast %swap3A_158 : vector<16xf32> to vector<16xf32>
    %swap3A_160 = vector.shape_cast %broadcast_in_dim3A_156 : vector<16xf32> to vector<16xf32>
    tpu.vector_store %arg13[%swap3A_157], %swap3A_160 {strides = array<i32>} : memref<640xf32, #tpu.memory_space<vmem>>, vector<16xf32>,
    %broadcast_in_dim3A_161 = arith.constant 0.000000e+00 : f32
    %broadcast_in_dim3A_162 = vector.broadcast %broadcast_in_dim3A_161 : f32 to vector<16xf32>
    %swap3A_163 = arith.constant 400 : index
    %swap3A_164 = tpu.vector_load %arg13[%swap3A_163] {strides = array<i32>} : memref<640xf32, #tpu.memory_space<vmem>>, vector<16xf32>,
    %swap3A_165 = vector.shape_cast %swap3A_164 : vector<16xf32> to vector<16xf32>
    %swap3A_166 = vector.shape_cast %broadcast_in_dim3A_162 : vector<16xf32> to vector<16xf32>
    tpu.vector_store %arg13[%swap3A_163], %swap3A_166 {strides = array<i32>} : memref<640xf32, #tpu.memory_space<vmem>>, vector<16xf32>,
    %broadcast_in_dim3A_167 = arith.constant 0.000000e+00 : f32
    %broadcast_in_dim3A_168 = vector.broadcast %broadcast_in_dim3A_167 : f32 to vector<16xf32>
    %swap3A_169 = arith.constant 416 : index
    %swap3A_170 = tpu.vector_load %arg13[%swap3A_169] {strides = array<i32>} : memref<640xf32, #tpu.memory_space<vmem>>, vector<16xf32>,
    %swap3A_171 = vector.shape_cast %swap3A_170 : vector<16xf32> to vector<16xf32>
    %swap3A_172 = vector.shape_cast %broadcast_in_dim3A_168 : vector<16xf32> to vector<16xf32>
    tpu.vector_store %arg13[%swap3A_169], %swap3A_172 {strides = array<i32>} : memref<640xf32, #tpu.memory_space<vmem>>, vector<16xf32>,
    %broadcast_in_dim3A_173 = arith.constant 0.000000e+00 : f32
    %broadcast_in_dim3A_174 = vector.broadcast %broadcast_in_dim3A_173 : f32 to vector<16xf32>
    %swap3A_175 = arith.constant 432 : index
    %swap3A_176 = tpu.vector_load %arg13[%swap3A_175] {strides = array<i32>} : memref<640xf32, #tpu.memory_space<vmem>>, vector<16xf32>,
    %swap3A_177 = vector.shape_cast %swap3A_176 : vector<16xf32> to vector<16xf32>
    %swap3A_178 = vector.shape_cast %broadcast_in_dim3A_174 : vector<16xf32> to vector<16xf32>
    tpu.vector_store %arg13[%swap3A_175], %swap3A_178 {strides = array<i32>} : memref<640xf32, #tpu.memory_space<vmem>>, vector<16xf32>,
    %broadcast_in_dim3A_179 = arith.constant 0.000000e+00 : f32
    %broadcast_in_dim3A_180 = vector.broadcast %broadcast_in_dim3A_179 : f32 to vector<16xf32>
    %swap3A_181 = arith.constant 448 : index
    %swap3A_182 = tpu.vector_load %arg13[%swap3A_181] {strides = array<i32>} : memref<640xf32, #tpu.memory_space<vmem>>, vector<16xf32>,
    %swap3A_183 = vector.shape_cast %swap3A_182 : vector<16xf32> to vector<16xf32>
    %swap3A_184 = vector.shape_cast %broadcast_in_dim3A_180 : vector<16xf32> to vector<16xf32>
    tpu.vector_store %arg13[%swap3A_181], %swap3A_184 {strides = array<i32>} : memref<640xf32, #tpu.memory_space<vmem>>, vector<16xf32>,
    %broadcast_in_dim3A_185 = arith.constant 0.000000e+00 : f32
    %broadcast_in_dim3A_186 = vector.broadcast %broadcast_in_dim3A_185 : f32 to vector<16xf32>
    %swap3A_187 = arith.constant 464 : index
    %swap3A_188 = tpu.vector_load %arg13[%swap3A_187] {strides = array<i32>} : memref<640xf32, #tpu.memory_space<vmem>>, vector<16xf32>,
    %swap3A_189 = vector.shape_cast %swap3A_188 : vector<16xf32> to vector<16xf32>
    %swap3A_190 = vector.shape_cast %broadcast_in_dim3A_186 : vector<16xf32> to vector<16xf32>
    tpu.vector_store %arg13[%swap3A_187], %swap3A_190 {strides = array<i32>} : memref<640xf32, #tpu.memory_space<vmem>>, vector<16xf32>,
    %broadcast_in_dim3A_191 = arith.constant 0.000000e+00 : f32
    %broadcast_in_dim3A_192 = vector.broadcast %broadcast_in_dim3A_191 : f32 to vector<16xf32>
    %swap3A_193 = arith.constant 480 : index
    %swap3A_194 = tpu.vector_load %arg13[%swap3A_193] {strides = array<i32>} : memref<640xf32, #tpu.memory_space<vmem>>, vector<16xf32>,
    %swap3A_195 = vector.shape_cast %swap3A_194 : vector<16xf32> to vector<16xf32>
    %swap3A_196 = vector.shape_cast %broadcast_in_dim3A_192 : vector<16xf32> to vector<16xf32>
    tpu.vector_store %arg13[%swap3A_193], %swap3A_196 {strides = array<i32>} : memref<640xf32, #tpu.memory_space<vmem>>, vector<16xf32>,
    %broadcast_in_dim3A_197 = arith.constant 0.000000e+00 : f32
    %broadcast_in_dim3A_198 = vector.broadcast %broadcast_in_dim3A_197 : f32 to vector<16xf32>
    %swap3A_199 = arith.constant 496 : index
    %swap3A_200 = tpu.vector_load %arg13[%swap3A_199] {strides = array<i32>} : memref<640xf32, #tpu.memory_space<vmem>>, vector<16xf32>,
    %swap3A_201 = vector.shape_cast %swap3A_200 : vector<16xf32> to vector<16xf32>
    %swap3A_202 = vector.shape_cast %broadcast_in_dim3A_198 : vector<16xf32> to vector<16xf32>
    tpu.vector_store %arg13[%swap3A_199], %swap3A_202 {strides = array<i32>} : memref<640xf32, #tpu.memory_space<vmem>>, vector<16xf32>,
    %broadcast_in_dim3A_203 = arith.constant 0.000000e+00 : f32
    %broadcast_in_dim3A_204 = vector.broadcast %broadcast_in_dim3A_203 : f32 to vector<16xf32>
    %swap3A_205 = arith.constant 512 : index
    %swap3A_206 = tpu.vector_load %arg13[%swap3A_205] {strides = array<i32>} : memref<640xf32, #tpu.memory_space<vmem>>, vector<16xf32>,
    %swap3A_207 = vector.shape_cast %swap3A_206 : vector<16xf32> to vector<16xf32>
    %swap3A_208 = vector.shape_cast %broadcast_in_dim3A_204 : vector<16xf32> to vector<16xf32>
    tpu.vector_store %arg13[%swap3A_205], %swap3A_208 {strides = array<i32>} : memref<640xf32, #tpu.memory_space<vmem>>, vector<16xf32>,
    %broadcast_in_dim3A_209 = arith.constant 0.000000e+00 : f32
    %broadcast_in_dim3A_210 = vector.broadcast %broadcast_in_dim3A_209 : f32 to vector<16xf32>
    %swap3A_211 = arith.constant 528 : index
    %swap3A_212 = tpu.vector_load %arg13[%swap3A_211] {strides = array<i32>} : memref<640xf32, #tpu.memory_space<vmem>>, vector<16xf32>,
    %swap3A_213 = vector.shape_cast %swap3A_212 : vector<16xf32> to vector<16xf32>
    %swap3A_214 = vector.shape_cast %broadcast_in_dim3A_210 : vector<16xf32> to vector<16xf32>
    tpu.vector_store %arg13[%swap3A_211], %swap3A_214 {strides = array<i32>} : memref<640xf32, #tpu.memory_space<vmem>>, vector<16xf32>,
    %broadcast_in_dim3A_215 = arith.constant 0.000000e+00 : f32
    %broadcast_in_dim3A_216 = vector.broadcast %broadcast_in_dim3A_215 : f32 to vector<16xf32>
    %swap3A_217 = arith.constant 544 : index
    %swap3A_218 = tpu.vector_load %arg13[%swap3A_217] {strides = array<i32>} : memref<640xf32, #tpu.memory_space<vmem>>, vector<16xf32>,
    %swap3A_219 = vector.shape_cast %swap3A_218 : vector<16xf32> to vector<16xf32>
    %swap3A_220 = vector.shape_cast %broadcast_in_dim3A_216 : vector<16xf32> to vector<16xf32>
    tpu.vector_store %arg13[%swap3A_217], %swap3A_220 {strides = array<i32>} : memref<640xf32, #tpu.memory_space<vmem>>, vector<16xf32>,
    %broadcast_in_dim3A_221 = arith.constant 0.000000e+00 : f32
    %broadcast_in_dim3A_222 = vector.broadcast %broadcast_in_dim3A_221 : f32 to vector<16xf32>
    %swap3A_223 = arith.constant 560 : index
    %swap3A_224 = tpu.vector_load %arg13[%swap3A_223] {strides = array<i32>} : memref<640xf32, #tpu.memory_space<vmem>>, vector<16xf32>,
    %swap3A_225 = vector.shape_cast %swap3A_224 : vector<16xf32> to vector<16xf32>
    %swap3A_226 = vector.shape_cast %broadcast_in_dim3A_222 : vector<16xf32> to vector<16xf32>
    tpu.vector_store %arg13[%swap3A_223], %swap3A_226 {strides = array<i32>} : memref<640xf32, #tpu.memory_space<vmem>>, vector<16xf32>,
    %broadcast_in_dim3A_227 = arith.constant 0.000000e+00 : f32
    %broadcast_in_dim3A_228 = vector.broadcast %broadcast_in_dim3A_227 : f32 to vector<16xf32>
    %swap3A_229 = arith.constant 576 : index
    %swap3A_230 = tpu.vector_load %arg13[%swap3A_229] {strides = array<i32>} : memref<640xf32, #tpu.memory_space<vmem>>, vector<16xf32>,
    %swap3A_231 = vector.shape_cast %swap3A_230 : vector<16xf32> to vector<16xf32>
    %swap3A_232 = vector.shape_cast %broadcast_in_dim3A_228 : vector<16xf32> to vector<16xf32>
    tpu.vector_store %arg13[%swap3A_229], %swap3A_232 {strides = array<i32>} : memref<640xf32, #tpu.memory_space<vmem>>, vector<16xf32>,
    %broadcast_in_dim3A_233 = arith.constant 0.000000e+00 : f32
    %broadcast_in_dim3A_234 = vector.broadcast %broadcast_in_dim3A_233 : f32 to vector<16xf32>
    %swap3A_235 = arith.constant 592 : index
    %swap3A_236 = tpu.vector_load %arg13[%swap3A_235] {strides = array<i32>} : memref<640xf32, #tpu.memory_space<vmem>>, vector<16xf32>,
    %swap3A_237 = vector.shape_cast %swap3A_236 : vector<16xf32> to vector<16xf32>
    %swap3A_238 = vector.shape_cast %broadcast_in_dim3A_234 : vector<16xf32> to vector<16xf32>
    tpu.vector_store %arg13[%swap3A_235], %swap3A_238 {strides = array<i32>} : memref<640xf32, #tpu.memory_space<vmem>>, vector<16xf32>,
    %broadcast_in_dim3A_239 = arith.constant 0.000000e+00 : f32
    %broadcast_in_dim3A_240 = vector.broadcast %broadcast_in_dim3A_239 : f32 to vector<16xf32>
    %swap3A_241 = arith.constant 608 : index
    %swap3A_242 = tpu.vector_load %arg13[%swap3A_241] {strides = array<i32>} : memref<640xf32, #tpu.memory_space<vmem>>, vector<16xf32>,
    %swap3A_243 = vector.shape_cast %swap3A_242 : vector<16xf32> to vector<16xf32>
    %swap3A_244 = vector.shape_cast %broadcast_in_dim3A_240 : vector<16xf32> to vector<16xf32>
    tpu.vector_store %arg13[%swap3A_241], %swap3A_244 {strides = array<i32>} : memref<640xf32, #tpu.memory_space<vmem>>, vector<16xf32>,
    %broadcast_in_dim3A_245 = arith.constant 0.000000e+00 : f32
    %broadcast_in_dim3A_246 = vector.broadcast %broadcast_in_dim3A_245 : f32 to vector<16xf32>
    %swap3A_247 = arith.constant 624 : index
    %swap3A_248 = tpu.vector_load %arg13[%swap3A_247] {strides = array<i32>} : memref<640xf32, #tpu.memory_space<vmem>>, vector<16xf32>,
    %swap3A_249 = vector.shape_cast %swap3A_248 : vector<16xf32> to vector<16xf32>
    %swap3A_250 = vector.shape_cast %broadcast_in_dim3A_246 : vector<16xf32> to vector<16xf32>
    tpu.vector_store %arg13[%swap3A_247], %swap3A_250 {strides = array<i32>} : memref<640xf32, #tpu.memory_space<vmem>>, vector<16xf32>,
    "tpu.region"() ({
      %run_scoped3A = tpu.sem_alloc : memref<!tpu.dma_semaphore, #tpu.memory_space<semaphore_mem>>
      %dma_start3A = tpu.memref_slice %arg15[%mul3A_2] : memref<10240xf32, #tpu.memory_space<vmem_shared>> -> memref<640xf32, #tpu.memory_space<vmem_shared>>
      %dma_start3A_314 = tpu.memref_slice %arg15[%mul3A_2] : memref<10240xf32, #tpu.memory_space<vmem_shared>> -> memref<640xf32, #tpu.memory_space<vmem_shared>>
      tpu.enqueue_dma source(%arg13 : memref<640xf32, #tpu.memory_space<vmem>>) target(%dma_start3A_314 : memref<640xf32, #tpu.memory_space<vmem_shared>>) target_semaphore(%run_scoped3A : memref<!tpu.dma_semaphore, #tpu.memory_space<semaphore_mem>>)
      %dma_wait3A = tpu.memref_slice %arg15[%mul3A_2] : memref<10240xf32, #tpu.memory_space<vmem_shared>> -> memref<640xf32, #tpu.memory_space<vmem_shared>>
      %dma_wait3A_315 = tpu.memref_slice %arg15[%mul3A_2] : memref<10240xf32, #tpu.memory_space<vmem_shared>> -> memref<640xf32, #tpu.memory_space<vmem_shared>>
      tpu.wait_dma2 semaphore(%run_scoped3A : memref<!tpu.dma_semaphore, #tpu.memory_space<semaphore_mem>>) src(%arg13 : memref<640xf32, #tpu.memory_space<vmem>>) dst(%dma_wait3A_315 : memref<640xf32, #tpu.memory_space<vmem_shared>>)
      tpu.yield
    }) : () -> ()
    %broadcast_in_dim3A_251 = arith.constant 1.000000e+00 : f32
    %broadcast_in_dim3A_252 = vector.broadcast %broadcast_in_dim3A_251 : f32 to vector<16xf32>
    %swap3A_253 = arith.constant 0 : index
    %swap3A_254 = tpu.vector_load %arg12[%swap3A_253] {strides = array<i32>} : memref<128xf32, #tpu.memory_space<vmem>>, vector<16xf32>,
    %swap3A_255 = vector.shape_cast %swap3A_254 : vector<16xf32> to vector<16xf32>
    %swap3A_256 = vector.shape_cast %broadcast_in_dim3A_252 : vector<16xf32> to vector<16xf32>
    tpu.vector_store %arg12[%swap3A_253], %swap3A_256 {strides = array<i32>} : memref<128xf32, #tpu.memory_space<vmem>>, vector<16xf32>,
    %broadcast_in_dim3A_257 = arith.constant 1.000000e+00 : f32
    %broadcast_in_dim3A_258 = vector.broadcast %broadcast_in_dim3A_257 : f32 to vector<16xf32>
    %swap3A_259 = arith.constant 16 : index
    %swap3A_260 = tpu.vector_load %arg12[%swap3A_259] {strides = array<i32>} : memref<128xf32, #tpu.memory_space<vmem>>, vector<16xf32>,
    %swap3A_261 = vector.shape_cast %swap3A_260 : vector<16xf32> to vector<16xf32>
    %swap3A_262 = vector.shape_cast %broadcast_in_dim3A_258 : vector<16xf32> to vector<16xf32>
    tpu.vector_store %arg12[%swap3A_259], %swap3A_262 {strides = array<i32>} : memref<128xf32, #tpu.memory_space<vmem>>, vector<16xf32>,
    %broadcast_in_dim3A_263 = arith.constant 1.000000e+00 : f32
    %broadcast_in_dim3A_264 = vector.broadcast %broadcast_in_dim3A_263 : f32 to vector<16xf32>
    %swap3A_265 = arith.constant 32 : index
    %swap3A_266 = tpu.vector_load %arg12[%swap3A_265] {strides = array<i32>} : memref<128xf32, #tpu.memory_space<vmem>>, vector<16xf32>,
    %swap3A_267 = vector.shape_cast %swap3A_266 : vector<16xf32> to vector<16xf32>
    %swap3A_268 = vector.shape_cast %broadcast_in_dim3A_264 : vector<16xf32> to vector<16xf32>
    tpu.vector_store %arg12[%swap3A_265], %swap3A_268 {strides = array<i32>} : memref<128xf32, #tpu.memory_space<vmem>>, vector<16xf32>,
    %broadcast_in_dim3A_269 = arith.constant 1.000000e+00 : f32
    %broadcast_in_dim3A_270 = vector.broadcast %broadcast_in_dim3A_269 : f32 to vector<16xf32>
    %swap3A_271 = arith.constant 48 : index
    %swap3A_272 = tpu.vector_load %arg12[%swap3A_271] {strides = array<i32>} : memref<128xf32, #tpu.memory_space<vmem>>, vector<16xf32>,
    %swap3A_273 = vector.shape_cast %swap3A_272 : vector<16xf32> to vector<16xf32>
    %swap3A_274 = vector.shape_cast %broadcast_in_dim3A_270 : vector<16xf32> to vector<16xf32>
    tpu.vector_store %arg12[%swap3A_271], %swap3A_274 {strides = array<i32>} : memref<128xf32, #tpu.memory_space<vmem>>, vector<16xf32>,
    %broadcast_in_dim3A_275 = arith.constant 1.000000e+00 : f32
    %broadcast_in_dim3A_276 = vector.broadcast %broadcast_in_dim3A_275 : f32 to vector<16xf32>
    %swap3A_277 = arith.constant 64 : index
    %swap3A_278 = tpu.vector_load %arg12[%swap3A_277] {strides = array<i32>} : memref<128xf32, #tpu.memory_space<vmem>>, vector<16xf32>,
    %swap3A_279 = vector.shape_cast %swap3A_278 : vector<16xf32> to vector<16xf32>
    %swap3A_280 = vector.shape_cast %broadcast_in_dim3A_276 : vector<16xf32> to vector<16xf32>
    tpu.vector_store %arg12[%swap3A_277], %swap3A_280 {strides = array<i32>} : memref<128xf32, #tpu.memory_space<vmem>>, vector<16xf32>,
    %broadcast_in_dim3A_281 = arith.constant 1.000000e+00 : f32
    %broadcast_in_dim3A_282 = vector.broadcast %broadcast_in_dim3A_281 : f32 to vector<16xf32>
    %swap3A_283 = arith.constant 80 : index
    %swap3A_284 = tpu.vector_load %arg12[%swap3A_283] {strides = array<i32>} : memref<128xf32, #tpu.memory_space<vmem>>, vector<16xf32>,
    %swap3A_285 = vector.shape_cast %swap3A_284 : vector<16xf32> to vector<16xf32>
    %swap3A_286 = vector.shape_cast %broadcast_in_dim3A_282 : vector<16xf32> to vector<16xf32>
    tpu.vector_store %arg12[%swap3A_283], %swap3A_286 {strides = array<i32>} : memref<128xf32, #tpu.memory_space<vmem>>, vector<16xf32>,
    %broadcast_in_dim3A_287 = arith.constant 1.000000e+00 : f32
    %broadcast_in_dim3A_288 = vector.broadcast %broadcast_in_dim3A_287 : f32 to vector<16xf32>
    %swap3A_289 = arith.constant 96 : index
    %swap3A_290 = tpu.vector_load %arg12[%swap3A_289] {strides = array<i32>} : memref<128xf32, #tpu.memory_space<vmem>>, vector<16xf32>,
    %swap3A_291 = vector.shape_cast %swap3A_290 : vector<16xf32> to vector<16xf32>
    %swap3A_292 = vector.shape_cast %broadcast_in_dim3A_288 : vector<16xf32> to vector<16xf32>
    tpu.vector_store %arg12[%swap3A_289], %swap3A_292 {strides = array<i32>} : memref<128xf32, #tpu.memory_space<vmem>>, vector<16xf32>,
    %broadcast_in_dim3A_293 = arith.constant 1.000000e+00 : f32
    %broadcast_in_dim3A_294 = vector.broadcast %broadcast_in_dim3A_293 : f32 to vector<16xf32>
    %swap3A_295 = arith.constant 112 : index
    %swap3A_296 = tpu.vector_load %arg12[%swap3A_295] {strides = array<i32>} : memref<128xf32, #tpu.memory_space<vmem>>, vector<16xf32>,
    %swap3A_297 = vector.shape_cast %swap3A_296 : vector<16xf32> to vector<16xf32>
    %swap3A_298 = vector.shape_cast %broadcast_in_dim3A_294 : vector<16xf32> to vector<16xf32>
    tpu.vector_store %arg12[%swap3A_295], %swap3A_298 {strides = array<i32>} : memref<128xf32, #tpu.memory_space<vmem>>, vector<16xf32>,
    %barrier3A = arith.constant 0 : index
    tpu.barrier barrier_id(%barrier3A)
    %scan3A = arith.constant 0 : i32
    %scan3A_299 = arith.constant 5 : i32
    %scan3A_300 = arith.addi %scan3A, %scan3A_299 : i32
    %scan3A_301 = arith.constant 1 : i32
    scf.for %scan3A_314 = %scan3A to %scan3A_300 step %scan3A_301  : i32 {
      %mul3A_315 = arith.constant 16 : i32
      %mul3A_316 = arith.muli %scan3A_314, %mul3A_315 : i32
      "tpu.region"() ({
        %run_scoped3A = tpu.sem_alloc : memref<!tpu.dma_semaphore, #tpu.memory_space<semaphore_mem>>
        %dma_start3A = arith.constant 0 : i32
        %dma_start3A_322 = tpu.memref_slice %arg3[%add3A, %mul3A_316, %dma_start3A] : memref<32x80x128xi32, #tpu.memory_space<hbm>> -> memref<1x16x128xi32, #tpu.memory_space<hbm>>
        %dma_start3A_323 = tpu.memref_squeeze %dma_start3A_322 : memref<1x16x128xi32, #tpu.memory_space<hbm>> -> memref<16x128xi32, #tpu.memory_space<hbm>>
        %dma_start3A_324 = arith.constant 0 : i32
        %dma_start3A_325 = tpu.memref_slice %arg3[%add3A, %mul3A_316, %dma_start3A_324] : memref<32x80x128xi32, #tpu.memory_space<hbm>> -> memref<1x16x128xi32, #tpu.memory_space<hbm>>
        %dma_start3A_326 = tpu.memref_squeeze %dma_start3A_325 : memref<1x16x128xi32, #tpu.memory_space<hbm>> -> memref<16x128xi32, #tpu.memory_space<hbm>>
        tpu.enqueue_dma source(%dma_start3A_326 : memref<16x128xi32, #tpu.memory_space<hbm>>) target(%arg8 : memref<16x128xi32, #tpu.memory_space<vmem>>) target_semaphore(%run_scoped3A : memref<!tpu.dma_semaphore, #tpu.memory_space<semaphore_mem>>)
        %dma_wait3A = arith.constant 0 : i32
        %dma_wait3A_327 = tpu.memref_slice %arg3[%add3A, %mul3A_316, %dma_wait3A] : memref<32x80x128xi32, #tpu.memory_space<hbm>> -> memref<1x16x128xi32, #tpu.memory_space<hbm>>
        %dma_wait3A_328 = tpu.memref_squeeze %dma_wait3A_327 : memref<1x16x128xi32, #tpu.memory_space<hbm>> -> memref<16x128xi32, #tpu.memory_space<hbm>>
        %dma_wait3A_329 = arith.constant 0 : i32
        %dma_wait3A_330 = tpu.memref_slice %arg3[%add3A, %mul3A_316, %dma_wait3A_329] : memref<32x80x128xi32, #tpu.memory_space<hbm>> -> memref<1x16x128xi32, #tpu.memory_space<hbm>>
        %dma_wait3A_331 = tpu.memref_squeeze %dma_wait3A_330 : memref<1x16x128xi32, #tpu.memory_space<hbm>> -> memref<16x128xi32, #tpu.memory_space<hbm>>
        tpu.wait_dma2 semaphore(%run_scoped3A : memref<!tpu.dma_semaphore, #tpu.memory_space<semaphore_mem>>) src(%dma_wait3A_331 : memref<16x128xi32, #tpu.memory_space<hbm>>) dst(%arg8 : memref<16x128xi32, #tpu.memory_space<vmem>>)
        tpu.yield
      }) : () -> ()
      "tpu.region"() ({
        %run_scoped3A = tpu.sem_alloc : memref<!tpu.dma_semaphore, #tpu.memory_space<semaphore_mem>>
        %dma_start3A = arith.constant 0 : i32
        %dma_start3A_322 = tpu.memref_slice %arg4[%add3A, %mul3A_316, %dma_start3A] : memref<32x80x128xi32, #tpu.memory_space<hbm>> -> memref<1x16x128xi32, #tpu.memory_space<hbm>>
        %dma_start3A_323 = tpu.memref_squeeze %dma_start3A_322 : memref<1x16x128xi32, #tpu.memory_space<hbm>> -> memref<16x128xi32, #tpu.memory_space<hbm>>
        %dma_start3A_324 = arith.constant 0 : i32
        %dma_start3A_325 = tpu.memref_slice %arg4[%add3A, %mul3A_316, %dma_start3A_324] : memref<32x80x128xi32, #tpu.memory_space<hbm>> -> memref<1x16x128xi32, #tpu.memory_space<hbm>>
        %dma_start3A_326 = tpu.memref_squeeze %dma_start3A_325 : memref<1x16x128xi32, #tpu.memory_space<hbm>> -> memref<16x128xi32, #tpu.memory_space<hbm>>
        tpu.enqueue_dma source(%dma_start3A_326 : memref<16x128xi32, #tpu.memory_space<hbm>>) target(%arg9 : memref<16x128xi32, #tpu.memory_space<vmem>>) target_semaphore(%run_scoped3A : memref<!tpu.dma_semaphore, #tpu.memory_space<semaphore_mem>>)
        %dma_wait3A = arith.constant 0 : i32
        %dma_wait3A_327 = tpu.memref_slice %arg4[%add3A, %mul3A_316, %dma_wait3A] : memref<32x80x128xi32, #tpu.memory_space<hbm>> -> memref<1x16x128xi32, #tpu.memory_space<hbm>>
        %dma_wait3A_328 = tpu.memref_squeeze %dma_wait3A_327 : memref<1x16x128xi32, #tpu.memory_space<hbm>> -> memref<16x128xi32, #tpu.memory_space<hbm>>
        %dma_wait3A_329 = arith.constant 0 : i32
        %dma_wait3A_330 = tpu.memref_slice %arg4[%add3A, %mul3A_316, %dma_wait3A_329] : memref<32x80x128xi32, #tpu.memory_space<hbm>> -> memref<1x16x128xi32, #tpu.memory_space<hbm>>
        %dma_wait3A_331 = tpu.memref_squeeze %dma_wait3A_330 : memref<1x16x128xi32, #tpu.memory_space<hbm>> -> memref<16x128xi32, #tpu.memory_space<hbm>>
        tpu.wait_dma2 semaphore(%run_scoped3A : memref<!tpu.dma_semaphore, #tpu.memory_space<semaphore_mem>>) src(%dma_wait3A_331 : memref<16x128xi32, #tpu.memory_space<hbm>>) dst(%arg9 : memref<16x128xi32, #tpu.memory_space<vmem>>)
        tpu.yield
      }) : () -> ()
      %scan3A_317 = arith.constant 0 : i32
      %scan3A_318 = arith.constant 16 : i32
      %scan3A_319 = arith.addi %scan3A_317, %scan3A_318 : i32
      %scan3A_320 = arith.constant 1 : i32
      scf.for %scan3A_322 = %scan3A_317 to %scan3A_319 step %scan3A_320  : i32 {
        %dma_start3A = arith.constant 0 : i32
        %dma_start3A_323 = tpu.memref_slice %arg8[%scan3A_322, %dma_start3A] : memref<16x128xi32, #tpu.memory_space<vmem>> -> memref<1x128xi32, #tpu.memory_space<vmem>>
        %dma_start3A_324 = tpu.memref_squeeze %dma_start3A_323 : memref<1x128xi32, #tpu.memory_space<vmem>> -> memref<128xi32, #tpu.memory_space<vmem>>
        %dma_start3A_325 = arith.constant 0 : i32
        %dma_start3A_326 = arith.constant 0 : i32
        %dma_start3A_327 = tpu.memref_slice %arg2[%dma_start3A_325, %dma_start3A_326] : memref<10000x128xf32, #tpu.memory_space<hbm>> -> memref<10000x128xf32, #tpu.memory_space<hbm>>
        tpu.enqueue_indirect_dma source(%dma_start3A_327 : memref<10000x128xf32, #tpu.memory_space<hbm>>) target(%arg10 : memref<128x128xf32, #tpu.memory_space<vmem>>) offsets(%dma_start3A_324 : memref<128xi32, #tpu.memory_space<vmem>>) semaphore(%arg16 : memref<!tpu.dma_semaphore, #tpu.memory_space<semaphore_mem>>)
        %dma_wait3A = arith.constant 0 : i32
        %dma_wait3A_328 = tpu.memref_slice %arg8[%scan3A_322, %dma_wait3A] : memref<16x128xi32, #tpu.memory_space<vmem>> -> memref<1x128xi32, #tpu.memory_space<vmem>>
        %dma_wait3A_329 = tpu.memref_squeeze %dma_wait3A_328 : memref<1x128xi32, #tpu.memory_space<vmem>> -> memref<128xi32, #tpu.memory_space<vmem>>
        %dma_wait3A_330 = arith.constant 0 : i32
        %dma_wait3A_331 = arith.constant 0 : i32
        %dma_wait3A_332 = tpu.memref_slice %arg2[%dma_wait3A_330, %dma_wait3A_331] : memref<10000x128xf32, #tpu.memory_space<hbm>> -> memref<10000x128xf32, #tpu.memory_space<hbm>>
        tpu.wait_indirect_dma semaphore(%arg16 : memref<!tpu.dma_semaphore, #tpu.memory_space<semaphore_mem>>) src(%dma_wait3A_332 : memref<10000x128xf32, #tpu.memory_space<hbm>>) dst(%arg10 : memref<128x128xf32, #tpu.memory_space<vmem>>)
        "tpu.region"() ({
          %run_scoped3A = tpu.sem_alloc : memref<!tpu.dma_semaphore, #tpu.memory_space<semaphore_mem>>
          %dma_start3A_333 = arith.constant 0 : i32
          %dma_start3A_334 = tpu.memref_slice %arg9[%scan3A_322, %dma_start3A_333] : memref<16x128xi32, #tpu.memory_space<vmem>> -> memref<1x128xi32, #tpu.memory_space<vmem>>
          %dma_start3A_335 = tpu.memref_squeeze %dma_start3A_334 : memref<1x128xi32, #tpu.memory_space<vmem>> -> memref<128xi32, #tpu.memory_space<vmem>>
          %dma_start3A_336 = arith.constant 0 : i32
          %dma_start3A_337 = arith.constant 0 : i32
          %dma_start3A_338 = tpu.memref_slice %arg14[%dma_start3A_336, %dma_start3A_337] : memref<10240x128xf32, #tpu.memory_space<vmem_shared>> -> memref<10240x128xf32, #tpu.memory_space<vmem_shared>>
          tpu.enqueue_indirect_dma source(%arg10 : memref<128x128xf32, #tpu.memory_space<vmem>>) target(%dma_start3A_338 : memref<10240x128xf32, #tpu.memory_space<vmem_shared>>) offsets(%dma_start3A_335 : memref<128xi32, #tpu.memory_space<vmem>>) semaphore(%run_scoped3A : memref<!tpu.dma_semaphore, #tpu.memory_space<semaphore_mem>>) {add = true}
          %dma_wait3A_339 = arith.constant 0 : i32
          %dma_wait3A_340 = tpu.memref_slice %arg9[%scan3A_322, %dma_wait3A_339] : memref<16x128xi32, #tpu.memory_space<vmem>> -> memref<1x128xi32, #tpu.memory_space<vmem>>
          %dma_wait3A_341 = tpu.memref_squeeze %dma_wait3A_340 : memref<1x128xi32, #tpu.memory_space<vmem>> -> memref<128xi32, #tpu.memory_space<vmem>>
          %dma_wait3A_342 = arith.constant 0 : i32
          %dma_wait3A_343 = arith.constant 0 : i32
          %dma_wait3A_344 = tpu.memref_slice %arg14[%dma_wait3A_342, %dma_wait3A_343] : memref<10240x128xf32, #tpu.memory_space<vmem_shared>> -> memref<10240x128xf32, #tpu.memory_space<vmem_shared>>
          tpu.wait_indirect_dma semaphore(%run_scoped3A : memref<!tpu.dma_semaphore, #tpu.memory_space<semaphore_mem>>) src(%arg10 : memref<128x128xf32, #tpu.memory_space<vmem>>) dst(%dma_wait3A_344 : memref<10240x128xf32, #tpu.memory_space<vmem_shared>>)
          tpu.yield
        }) : () -> ()
        "tpu.region"() ({
          %run_scoped3A = tpu.sem_alloc : memref<!tpu.dma_semaphore, #tpu.memory_space<semaphore_mem>>
          %dma_start3A_333 = arith.constant 0 : i32
          %dma_start3A_334 = tpu.memref_slice %arg9[%scan3A_322, %dma_start3A_333] : memref<16x128xi32, #tpu.memory_space<vmem>> -> memref<1x128xi32, #tpu.memory_space<vmem>>
          %dma_start3A_335 = tpu.memref_squeeze %dma_start3A_334 : memref<1x128xi32, #tpu.memory_space<vmem>> -> memref<128xi32, #tpu.memory_space<vmem>>
          %dma_start3A_336 = arith.constant 0 : i32
          %dma_start3A_337 = tpu.memref_slice %arg15[%dma_start3A_336] : memref<10240xf32, #tpu.memory_space<vmem_shared>> -> memref<10240xf32, #tpu.memory_space<vmem_shared>>
          tpu.enqueue_indirect_dma source(%arg12 : memref<128xf32, #tpu.memory_space<vmem>>) target(%dma_start3A_337 : memref<10240xf32, #tpu.memory_space<vmem_shared>>) offsets(%dma_start3A_335 : memref<128xi32, #tpu.memory_space<vmem>>) semaphore(%run_scoped3A : memref<!tpu.dma_semaphore, #tpu.memory_space<semaphore_mem>>) {add = true}
          %dma_wait3A_338 = arith.constant 0 : i32
          %dma_wait3A_339 = tpu.memref_slice %arg9[%scan3A_322, %dma_wait3A_338] : memref<16x128xi32, #tpu.memory_space<vmem>> -> memref<1x128xi32, #tpu.memory_space<vmem>>
          %dma_wait3A_340 = tpu.memref_squeeze %dma_wait3A_339 : memref<1x128xi32, #tpu.memory_space<vmem>> -> memref<128xi32, #tpu.memory_space<vmem>>
          %dma_wait3A_341 = arith.constant 0 : i32
          %dma_wait3A_342 = tpu.memref_slice %arg15[%dma_wait3A_341] : memref<10240xf32, #tpu.memory_space<vmem_shared>> -> memref<10240xf32, #tpu.memory_space<vmem_shared>>
          tpu.wait_indirect_dma semaphore(%run_scoped3A : memref<!tpu.dma_semaphore, #tpu.memory_space<semaphore_mem>>) src(%arg12 : memref<128xf32, #tpu.memory_space<vmem>>) dst(%dma_wait3A_342 : memref<10240xf32, #tpu.memory_space<vmem_shared>>)
          tpu.yield
        }) : () -> ()
      }
      %scan3A_321 = arith.constant 16 : i32
    }
    %scan3A_302 = arith.constant 5 : i32
    %barrier3A_303 = arith.constant 0 : index
    tpu.barrier barrier_id(%barrier3A_303)
    %add3A_304 = arith.constant 0 : i32
    %add3A_305 = arith.addi %mul3A_2, %add3A_304 : i32
    "tpu.region"() ({
      %run_scoped3A = tpu.sem_alloc : memref<!tpu.dma_semaphore, #tpu.memory_space<semaphore_mem>>
      %dma_start3A = arith.constant 0 : i32
      %dma_start3A_314 = tpu.memref_slice %arg14[%add3A_305, %dma_start3A] : memref<10240x128xf32, #tpu.memory_space<vmem_shared>> -> memref<128x128xf32, #tpu.memory_space<vmem_shared>>
      %dma_start3A_315 = arith.constant 0 : i32
      %dma_start3A_316 = tpu.memref_slice %arg14[%add3A_305, %dma_start3A_315] : memref<10240x128xf32, #tpu.memory_space<vmem_shared>> -> memref<128x128xf32, #tpu.memory_space<vmem_shared>>
      tpu.enqueue_dma source(%dma_start3A_316 : memref<128x128xf32, #tpu.memory_space<vmem_shared>>) target(%arg10 : memref<128x128xf32, #tpu.memory_space<vmem>>) target_semaphore(%run_scoped3A : memref<!tpu.dma_semaphore, #tpu.memory_space<semaphore_mem>>)
      %dma_wait3A = arith.constant 0 : i32
      %dma_wait3A_317 = tpu.memref_slice %arg14[%add3A_305, %dma_wait3A] : memref<10240x128xf32, #tpu.memory_space<vmem_shared>> -> memref<128x128xf32, #tpu.memory_space<vmem_shared>>
      %dma_wait3A_318 = arith.constant 0 : i32
      %dma_wait3A_319 = tpu.memref_slice %arg14[%add3A_305, %dma_wait3A_318] : memref<10240x128xf32, #tpu.memory_space<vmem_shared>> -> memref<128x128xf32, #tpu.memory_space<vmem_shared>>
      tpu.wait_dma2 semaphore(%run_scoped3A : memref<!tpu.dma_semaphore, #tpu.memory_space<semaphore_mem>>) src(%dma_wait3A_319 : memref<128x128xf32, #tpu.memory_space<vmem_shared>>) dst(%arg10 : memref<128x128xf32, #tpu.memory_space<vmem>>)
      tpu.yield
    }) : () -> ()
    "tpu.region"() ({
      %run_scoped3A = tpu.sem_alloc : memref<!tpu.dma_semaphore, #tpu.memory_space<semaphore_mem>>
      %dma_start3A = arith.constant 0 : i32
      %dma_start3A_314 = tpu.memref_slice %arg6[%arg0, %add3A_305, %dma_start3A] : memref<2x10240x128xf32, #tpu.memory_space<hbm>> -> memref<1x128x128xf32, #tpu.memory_space<hbm>>
      %dma_start3A_315 = tpu.memref_squeeze %dma_start3A_314 : memref<1x128x128xf32, #tpu.memory_space<hbm>> -> memref<128x128xf32, #tpu.memory_space<hbm>>
      %dma_start3A_316 = arith.constant 0 : i32
      %dma_start3A_317 = tpu.memref_slice %arg6[%arg0, %add3A_305, %dma_start3A_316] : memref<2x10240x128xf32, #tpu.memory_space<hbm>> -> memref<1x128x128xf32, #tpu.memory_space<hbm>>
      %dma_start3A_318 = tpu.memref_squeeze %dma_start3A_317 : memref<1x128x128xf32, #tpu.memory_space<hbm>> -> memref<128x128xf32, #tpu.memory_space<hbm>>
      tpu.enqueue_dma source(%arg10 : memref<128x128xf32, #tpu.memory_space<vmem>>) target(%dma_start3A_318 : memref<128x128xf32, #tpu.memory_space<hbm>>) target_semaphore(%run_scoped3A : memref<!tpu.dma_semaphore, #tpu.memory_space<semaphore_mem>>)
      %dma_wait3A = arith.constant 0 : i32
      %dma_wait3A_319 = tpu.memref_slice %arg6[%arg0, %add3A_305, %dma_wait3A] : memref<2x10240x128xf32, #tpu.memory_space<hbm>> -> memref<1x128x128xf32, #tpu.memory_space<hbm>>
      %dma_wait3A_320 = tpu.memref_squeeze %dma_wait3A_319 : memref<1x128x128xf32, #tpu.memory_space<hbm>> -> memref<128x128xf32, #tpu.memory_space<hbm>>
      %dma_wait3A_321 = arith.constant 0 : i32
      %dma_wait3A_322 = tpu.memref_slice %arg6[%arg0, %add3A_305, %dma_wait3A_321] : memref<2x10240x128xf32, #tpu.memory_space<hbm>> -> memref<1x128x128xf32, #tpu.memory_space<hbm>>
      %dma_wait3A_323 = tpu.memref_squeeze %dma_wait3A_322 : memref<1x128x128xf32, #tpu.memory_space<hbm>> -> memref<128x128xf32, #tpu.memory_space<hbm>>
      tpu.wait_dma2 semaphore(%run_scoped3A : memref<!tpu.dma_semaphore, #tpu.memory_space<semaphore_mem>>) src(%arg10 : memref<128x128xf32, #tpu.memory_space<vmem>>) dst(%dma_wait3A_323 : memref<128x128xf32, #tpu.memory_space<hbm>>)
      tpu.yield
    }) : () -> ()
    %add3A_306 = arith.constant 128 : i32
    %add3A_307 = arith.addi %mul3A_2, %add3A_306 : i32
    "tpu.region"() ({
      %run_scoped3A = tpu.sem_alloc : memref<!tpu.dma_semaphore, #tpu.memory_space<semaphore_mem>>
      %dma_start3A = arith.constant 0 : i32
      %dma_start3A_314 = tpu.memref_slice %arg14[%add3A_307, %dma_start3A] : memref<10240x128xf32, #tpu.memory_space<vmem_shared>> -> memref<128x128xf32, #tpu.memory_space<vmem_shared>>
      %dma_start3A_315 = arith.constant 0 : i32
      %dma_start3A_316 = tpu.memref_slice %arg14[%add3A_307, %dma_start3A_315] : memref<10240x128xf32, #tpu.memory_space<vmem_shared>> -> memref<128x128xf32, #tpu.memory_space<vmem_shared>>
      tpu.enqueue_dma source(%dma_start3A_316 : memref<128x128xf32, #tpu.memory_space<vmem_shared>>) target(%arg10 : memref<128x128xf32, #tpu.memory_space<vmem>>) target_semaphore(%run_scoped3A : memref<!tpu.dma_semaphore, #tpu.memory_space<semaphore_mem>>)
      %dma_wait3A = arith.constant 0 : i32
      %dma_wait3A_317 = tpu.memref_slice %arg14[%add3A_307, %dma_wait3A] : memref<10240x128xf32, #tpu.memory_space<vmem_shared>> -> memref<128x128xf32, #tpu.memory_space<vmem_shared>>
      %dma_wait3A_318 = arith.constant 0 : i32
      %dma_wait3A_319 = tpu.memref_slice %arg14[%add3A_307, %dma_wait3A_318] : memref<10240x128xf32, #tpu.memory_space<vmem_shared>> -> memref<128x128xf32, #tpu.memory_space<vmem_shared>>
      tpu.wait_dma2 semaphore(%run_scoped3A : memref<!tpu.dma_semaphore, #tpu.memory_space<semaphore_mem>>) src(%dma_wait3A_319 : memref<128x128xf32, #tpu.memory_space<vmem_shared>>) dst(%arg10 : memref<128x128xf32, #tpu.memory_space<vmem>>)
      tpu.yield
    }) : () -> ()
    "tpu.region"() ({
      %run_scoped3A = tpu.sem_alloc : memref<!tpu.dma_semaphore, #tpu.memory_space<semaphore_mem>>
      %dma_start3A = arith.constant 0 : i32
      %dma_start3A_314 = tpu.memref_slice %arg6[%arg0, %add3A_307, %dma_start3A] : memref<2x10240x128xf32, #tpu.memory_space<hbm>> -> memref<1x128x128xf32, #tpu.memory_space<hbm>>
      %dma_start3A_315 = tpu.memref_squeeze %dma_start3A_314 : memref<1x128x128xf32, #tpu.memory_space<hbm>> -> memref<128x128xf32, #tpu.memory_space<hbm>>
      %dma_start3A_316 = arith.constant 0 : i32
      %dma_start3A_317 = tpu.memref_slice %arg6[%arg0, %add3A_307, %dma_start3A_316] : memref<2x10240x128xf32, #tpu.memory_space<hbm>> -> memref<1x128x128xf32, #tpu.memory_space<hbm>>
      %dma_start3A_318 = tpu.memref_squeeze %dma_start3A_317 : memref<1x128x128xf32, #tpu.memory_space<hbm>> -> memref<128x128xf32, #tpu.memory_space<hbm>>
      tpu.enqueue_dma source(%arg10 : memref<128x128xf32, #tpu.memory_space<vmem>>) target(%dma_start3A_318 : memref<128x128xf32, #tpu.memory_space<hbm>>) target_semaphore(%run_scoped3A : memref<!tpu.dma_semaphore, #tpu.memory_space<semaphore_mem>>)
      %dma_wait3A = arith.constant 0 : i32
      %dma_wait3A_319 = tpu.memref_slice %arg6[%arg0, %add3A_307, %dma_wait3A] : memref<2x10240x128xf32, #tpu.memory_space<hbm>> -> memref<1x128x128xf32, #tpu.memory_space<hbm>>
      %dma_wait3A_320 = tpu.memref_squeeze %dma_wait3A_319 : memref<1x128x128xf32, #tpu.memory_space<hbm>> -> memref<128x128xf32, #tpu.memory_space<hbm>>
      %dma_wait3A_321 = arith.constant 0 : i32
      %dma_wait3A_322 = tpu.memref_slice %arg6[%arg0, %add3A_307, %dma_wait3A_321] : memref<2x10240x128xf32, #tpu.memory_space<hbm>> -> memref<1x128x128xf32, #tpu.memory_space<hbm>>
      %dma_wait3A_323 = tpu.memref_squeeze %dma_wait3A_322 : memref<1x128x128xf32, #tpu.memory_space<hbm>> -> memref<128x128xf32, #tpu.memory_space<hbm>>
      tpu.wait_dma2 semaphore(%run_scoped3A : memref<!tpu.dma_semaphore, #tpu.memory_space<semaphore_mem>>) src(%arg10 : memref<128x128xf32, #tpu.memory_space<vmem>>) dst(%dma_wait3A_323 : memref<128x128xf32, #tpu.memory_space<hbm>>)
      tpu.yield
    }) : () -> ()
    %add3A_308 = arith.constant 256 : i32
    %add3A_309 = arith.addi %mul3A_2, %add3A_308 : i32
    "tpu.region"() ({
      %run_scoped3A = tpu.sem_alloc : memref<!tpu.dma_semaphore, #tpu.memory_space<semaphore_mem>>
      %dma_start3A = arith.constant 0 : i32
      %dma_start3A_314 = tpu.memref_slice %arg14[%add3A_309, %dma_start3A] : memref<10240x128xf32, #tpu.memory_space<vmem_shared>> -> memref<128x128xf32, #tpu.memory_space<vmem_shared>>
      %dma_start3A_315 = arith.constant 0 : i32
      %dma_start3A_316 = tpu.memref_slice %arg14[%add3A_309, %dma_start3A_315] : memref<10240x128xf32, #tpu.memory_space<vmem_shared>> -> memref<128x128xf32, #tpu.memory_space<vmem_shared>>
      tpu.enqueue_dma source(%dma_start3A_316 : memref<128x128xf32, #tpu.memory_space<vmem_shared>>) target(%arg10 : memref<128x128xf32, #tpu.memory_space<vmem>>) target_semaphore(%run_scoped3A : memref<!tpu.dma_semaphore, #tpu.memory_space<semaphore_mem>>)
      %dma_wait3A = arith.constant 0 : i32
      %dma_wait3A_317 = tpu.memref_slice %arg14[%add3A_309, %dma_wait3A] : memref<10240x128xf32, #tpu.memory_space<vmem_shared>> -> memref<128x128xf32, #tpu.memory_space<vmem_shared>>
      %dma_wait3A_318 = arith.constant 0 : i32
      %dma_wait3A_319 = tpu.memref_slice %arg14[%add3A_309, %dma_wait3A_318] : memref<10240x128xf32, #tpu.memory_space<vmem_shared>> -> memref<128x128xf32, #tpu.memory_space<vmem_shared>>
      tpu.wait_dma2 semaphore(%run_scoped3A : memref<!tpu.dma_semaphore, #tpu.memory_space<semaphore_mem>>) src(%dma_wait3A_319 : memref<128x128xf32, #tpu.memory_space<vmem_shared>>) dst(%arg10 : memref<128x128xf32, #tpu.memory_space<vmem>>)
      tpu.yield
    }) : () -> ()
    "tpu.region"() ({
      %run_scoped3A = tpu.sem_alloc : memref<!tpu.dma_semaphore, #tpu.memory_space<semaphore_mem>>
      %dma_start3A = arith.constant 0 : i32
      %dma_start3A_314 = tpu.memref_slice %arg6[%arg0, %add3A_309, %dma_start3A] : memref<2x10240x128xf32, #tpu.memory_space<hbm>> -> memref<1x128x128xf32, #tpu.memory_space<hbm>>
      %dma_start3A_315 = tpu.memref_squeeze %dma_start3A_314 : memref<1x128x128xf32, #tpu.memory_space<hbm>> -> memref<128x128xf32, #tpu.memory_space<hbm>>
      %dma_start3A_316 = arith.constant 0 : i32
      %dma_start3A_317 = tpu.memref_slice %arg6[%arg0, %add3A_309, %dma_start3A_316] : memref<2x10240x128xf32, #tpu.memory_space<hbm>> -> memref<1x128x128xf32, #tpu.memory_space<hbm>>
      %dma_start3A_318 = tpu.memref_squeeze %dma_start3A_317 : memref<1x128x128xf32, #tpu.memory_space<hbm>> -> memref<128x128xf32, #tpu.memory_space<hbm>>
      tpu.enqueue_dma source(%arg10 : memref<128x128xf32, #tpu.memory_space<vmem>>) target(%dma_start3A_318 : memref<128x128xf32, #tpu.memory_space<hbm>>) target_semaphore(%run_scoped3A : memref<!tpu.dma_semaphore, #tpu.memory_space<semaphore_mem>>)
      %dma_wait3A = arith.constant 0 : i32
      %dma_wait3A_319 = tpu.memref_slice %arg6[%arg0, %add3A_309, %dma_wait3A] : memref<2x10240x128xf32, #tpu.memory_space<hbm>> -> memref<1x128x128xf32, #tpu.memory_space<hbm>>
      %dma_wait3A_320 = tpu.memref_squeeze %dma_wait3A_319 : memref<1x128x128xf32, #tpu.memory_space<hbm>> -> memref<128x128xf32, #tpu.memory_space<hbm>>
      %dma_wait3A_321 = arith.constant 0 : i32
      %dma_wait3A_322 = tpu.memref_slice %arg6[%arg0, %add3A_309, %dma_wait3A_321] : memref<2x10240x128xf32, #tpu.memory_space<hbm>> -> memref<1x128x128xf32, #tpu.memory_space<hbm>>
      %dma_wait3A_323 = tpu.memref_squeeze %dma_wait3A_322 : memref<1x128x128xf32, #tpu.memory_space<hbm>> -> memref<128x128xf32, #tpu.memory_space<hbm>>
      tpu.wait_dma2 semaphore(%run_scoped3A : memref<!tpu.dma_semaphore, #tpu.memory_space<semaphore_mem>>) src(%arg10 : memref<128x128xf32, #tpu.memory_space<vmem>>) dst(%dma_wait3A_323 : memref<128x128xf32, #tpu.memory_space<hbm>>)
      tpu.yield
    }) : () -> ()
    %add3A_310 = arith.constant 384 : i32
    %add3A_311 = arith.addi %mul3A_2, %add3A_310 : i32
    "tpu.region"() ({
      %run_scoped3A = tpu.sem_alloc : memref<!tpu.dma_semaphore, #tpu.memory_space<semaphore_mem>>
      %dma_start3A = arith.constant 0 : i32
      %dma_start3A_314 = tpu.memref_slice %arg14[%add3A_311, %dma_start3A] : memref<10240x128xf32, #tpu.memory_space<vmem_shared>> -> memref<128x128xf32, #tpu.memory_space<vmem_shared>>
      %dma_start3A_315 = arith.constant 0 : i32
      %dma_start3A_316 = tpu.memref_slice %arg14[%add3A_311, %dma_start3A_315] : memref<10240x128xf32, #tpu.memory_space<vmem_shared>> -> memref<128x128xf32, #tpu.memory_space<vmem_shared>>
      tpu.enqueue_dma source(%dma_start3A_316 : memref<128x128xf32, #tpu.memory_space<vmem_shared>>) target(%arg10 : memref<128x128xf32, #tpu.memory_space<vmem>>) target_semaphore(%run_scoped3A : memref<!tpu.dma_semaphore, #tpu.memory_space<semaphore_mem>>)
      %dma_wait3A = arith.constant 0 : i32
      %dma_wait3A_317 = tpu.memref_slice %arg14[%add3A_311, %dma_wait3A] : memref<10240x128xf32, #tpu.memory_space<vmem_shared>> -> memref<128x128xf32, #tpu.memory_space<vmem_shared>>
      %dma_wait3A_318 = arith.constant 0 : i32
      %dma_wait3A_319 = tpu.memref_slice %arg14[%add3A_311, %dma_wait3A_318] : memref<10240x128xf32, #tpu.memory_space<vmem_shared>> -> memref<128x128xf32, #tpu.memory_space<vmem_shared>>
      tpu.wait_dma2 semaphore(%run_scoped3A : memref<!tpu.dma_semaphore, #tpu.memory_space<semaphore_mem>>) src(%dma_wait3A_319 : memref<128x128xf32, #tpu.memory_space<vmem_shared>>) dst(%arg10 : memref<128x128xf32, #tpu.memory_space<vmem>>)
      tpu.yield
    }) : () -> ()
    "tpu.region"() ({
      %run_scoped3A = tpu.sem_alloc : memref<!tpu.dma_semaphore, #tpu.memory_space<semaphore_mem>>
      %dma_start3A = arith.constant 0 : i32
      %dma_start3A_314 = tpu.memref_slice %arg6[%arg0, %add3A_311, %dma_start3A] : memref<2x10240x128xf32, #tpu.memory_space<hbm>> -> memref<1x128x128xf32, #tpu.memory_space<hbm>>
      %dma_start3A_315 = tpu.memref_squeeze %dma_start3A_314 : memref<1x128x128xf32, #tpu.memory_space<hbm>> -> memref<128x128xf32, #tpu.memory_space<hbm>>
      %dma_start3A_316 = arith.constant 0 : i32
      %dma_start3A_317 = tpu.memref_slice %arg6[%arg0, %add3A_311, %dma_start3A_316] : memref<2x10240x128xf32, #tpu.memory_space<hbm>> -> memref<1x128x128xf32, #tpu.memory_space<hbm>>
      %dma_start3A_318 = tpu.memref_squeeze %dma_start3A_317 : memref<1x128x128xf32, #tpu.memory_space<hbm>> -> memref<128x128xf32, #tpu.memory_space<hbm>>
      tpu.enqueue_dma source(%arg10 : memref<128x128xf32, #tpu.memory_space<vmem>>) target(%dma_start3A_318 : memref<128x128xf32, #tpu.memory_space<hbm>>) target_semaphore(%run_scoped3A : memref<!tpu.dma_semaphore, #tpu.memory_space<semaphore_mem>>)
      %dma_wait3A = arith.constant 0 : i32
      %dma_wait3A_319 = tpu.memref_slice %arg6[%arg0, %add3A_311, %dma_wait3A] : memref<2x10240x128xf32, #tpu.memory_space<hbm>> -> memref<1x128x128xf32, #tpu.memory_space<hbm>>
      %dma_wait3A_320 = tpu.memref_squeeze %dma_wait3A_319 : memref<1x128x128xf32, #tpu.memory_space<hbm>> -> memref<128x128xf32, #tpu.memory_space<hbm>>
      %dma_wait3A_321 = arith.constant 0 : i32
      %dma_wait3A_322 = tpu.memref_slice %arg6[%arg0, %add3A_311, %dma_wait3A_321] : memref<2x10240x128xf32, #tpu.memory_space<hbm>> -> memref<1x128x128xf32, #tpu.memory_space<hbm>>
      %dma_wait3A_323 = tpu.memref_squeeze %dma_wait3A_322 : memref<1x128x128xf32, #tpu.memory_space<hbm>> -> memref<128x128xf32, #tpu.memory_space<hbm>>
      tpu.wait_dma2 semaphore(%run_scoped3A : memref<!tpu.dma_semaphore, #tpu.memory_space<semaphore_mem>>) src(%arg10 : memref<128x128xf32, #tpu.memory_space<vmem>>) dst(%dma_wait3A_323 : memref<128x128xf32, #tpu.memory_space<hbm>>)
      tpu.yield
    }) : () -> ()
    %add3A_312 = arith.constant 512 : i32
    %add3A_313 = arith.addi %mul3A_2, %add3A_312 : i32
    "tpu.region"() ({
      %run_scoped3A = tpu.sem_alloc : memref<!tpu.dma_semaphore, #tpu.memory_space<semaphore_mem>>
      %dma_start3A = arith.constant 0 : i32
      %dma_start3A_314 = tpu.memref_slice %arg14[%add3A_313, %dma_start3A] : memref<10240x128xf32, #tpu.memory_space<vmem_shared>> -> memref<128x128xf32, #tpu.memory_space<vmem_shared>>
      %dma_start3A_315 = arith.constant 0 : i32
      %dma_start3A_316 = tpu.memref_slice %arg14[%add3A_313, %dma_start3A_315] : memref<10240x128xf32, #tpu.memory_space<vmem_shared>> -> memref<128x128xf32, #tpu.memory_space<vmem_shared>>
      tpu.enqueue_dma source(%dma_start3A_316 : memref<128x128xf32, #tpu.memory_space<vmem_shared>>) target(%arg10 : memref<128x128xf32, #tpu.memory_space<vmem>>) target_semaphore(%run_scoped3A : memref<!tpu.dma_semaphore, #tpu.memory_space<semaphore_mem>>)
      %dma_wait3A = arith.constant 0 : i32
      %dma_wait3A_317 = tpu.memref_slice %arg14[%add3A_313, %dma_wait3A] : memref<10240x128xf32, #tpu.memory_space<vmem_shared>> -> memref<128x128xf32, #tpu.memory_space<vmem_shared>>
      %dma_wait3A_318 = arith.constant 0 : i32
      %dma_wait3A_319 = tpu.memref_slice %arg14[%add3A_313, %dma_wait3A_318] : memref<10240x128xf32, #tpu.memory_space<vmem_shared>> -> memref<128x128xf32, #tpu.memory_space<vmem_shared>>
      tpu.wait_dma2 semaphore(%run_scoped3A : memref<!tpu.dma_semaphore, #tpu.memory_space<semaphore_mem>>) src(%dma_wait3A_319 : memref<128x128xf32, #tpu.memory_space<vmem_shared>>) dst(%arg10 : memref<128x128xf32, #tpu.memory_space<vmem>>)
      tpu.yield
    }) : () -> ()
    "tpu.region"() ({
      %run_scoped3A = tpu.sem_alloc : memref<!tpu.dma_semaphore, #tpu.memory_space<semaphore_mem>>
      %dma_start3A = arith.constant 0 : i32
      %dma_start3A_314 = tpu.memref_slice %arg6[%arg0, %add3A_313, %dma_start3A] : memref<2x10240x128xf32, #tpu.memory_space<hbm>> -> memref<1x128x128xf32, #tpu.memory_space<hbm>>
      %dma_start3A_315 = tpu.memref_squeeze %dma_start3A_314 : memref<1x128x128xf32, #tpu.memory_space<hbm>> -> memref<128x128xf32, #tpu.memory_space<hbm>>
      %dma_start3A_316 = arith.constant 0 : i32
      %dma_start3A_317 = tpu.memref_slice %arg6[%arg0, %add3A_313, %dma_start3A_316] : memref<2x10240x128xf32, #tpu.memory_space<hbm>> -> memref<1x128x128xf32, #tpu.memory_space<hbm>>
      %dma_start3A_318 = tpu.memref_squeeze %dma_start3A_317 : memref<1x128x128xf32, #tpu.memory_space<hbm>> -> memref<128x128xf32, #tpu.memory_space<hbm>>
      tpu.enqueue_dma source(%arg10 : memref<128x128xf32, #tpu.memory_space<vmem>>) target(%dma_start3A_318 : memref<128x128xf32, #tpu.memory_space<hbm>>) target_semaphore(%run_scoped3A : memref<!tpu.dma_semaphore, #tpu.memory_space<semaphore_mem>>)
      %dma_wait3A = arith.constant 0 : i32
      %dma_wait3A_319 = tpu.memref_slice %arg6[%arg0, %add3A_313, %dma_wait3A] : memref<2x10240x128xf32, #tpu.memory_space<hbm>> -> memref<1x128x128xf32, #tpu.memory_space<hbm>>
      %dma_wait3A_320 = tpu.memref_squeeze %dma_wait3A_319 : memref<1x128x128xf32, #tpu.memory_space<hbm>> -> memref<128x128xf32, #tpu.memory_space<hbm>>
      %dma_wait3A_321 = arith.constant 0 : i32
      %dma_wait3A_322 = tpu.memref_slice %arg6[%arg0, %add3A_313, %dma_wait3A_321] : memref<2x10240x128xf32, #tpu.memory_space<hbm>> -> memref<1x128x128xf32, #tpu.memory_space<hbm>>
      %dma_wait3A_323 = tpu.memref_squeeze %dma_wait3A_322 : memref<1x128x128xf32, #tpu.memory_space<hbm>> -> memref<128x128xf32, #tpu.memory_space<hbm>>
      tpu.wait_dma2 semaphore(%run_scoped3A : memref<!tpu.dma_semaphore, #tpu.memory_space<semaphore_mem>>) src(%arg10 : memref<128x128xf32, #tpu.memory_space<vmem>>) dst(%dma_wait3A_323 : memref<128x128xf32, #tpu.memory_space<hbm>>)
      tpu.yield
    }) : () -> ()
    "tpu.region"() ({
      %run_scoped3A = tpu.sem_alloc : memref<!tpu.dma_semaphore, #tpu.memory_space<semaphore_mem>>
      %dma_start3A = tpu.memref_slice %arg15[%mul3A_2] : memref<10240xf32, #tpu.memory_space<vmem_shared>> -> memref<640xf32, #tpu.memory_space<vmem_shared>>
      %dma_start3A_314 = tpu.memref_slice %arg15[%mul3A_2] : memref<10240xf32, #tpu.memory_space<vmem_shared>> -> memref<640xf32, #tpu.memory_space<vmem_shared>>
      tpu.enqueue_dma source(%dma_start3A_314 : memref<640xf32, #tpu.memory_space<vmem_shared>>) target(%arg13 : memref<640xf32, #tpu.memory_space<vmem>>) target_semaphore(%run_scoped3A : memref<!tpu.dma_semaphore, #tpu.memory_space<semaphore_mem>>)
      %dma_wait3A = tpu.memref_slice %arg15[%mul3A_2] : memref<10240xf32, #tpu.memory_space<vmem_shared>> -> memref<640xf32, #tpu.memory_space<vmem_shared>>
      %dma_wait3A_315 = tpu.memref_slice %arg15[%mul3A_2] : memref<10240xf32, #tpu.memory_space<vmem_shared>> -> memref<640xf32, #tpu.memory_space<vmem_shared>>
      tpu.wait_dma2 semaphore(%run_scoped3A : memref<!tpu.dma_semaphore, #tpu.memory_space<semaphore_mem>>) src(%dma_wait3A_315 : memref<640xf32, #tpu.memory_space<vmem_shared>>) dst(%arg13 : memref<640xf32, #tpu.memory_space<vmem>>)
      tpu.yield
    }) : () -> ()
    "tpu.region"() ({
      %run_scoped3A = tpu.sem_alloc : memref<!tpu.dma_semaphore, #tpu.memory_space<semaphore_mem>>
      %dma_start3A = tpu.memref_slice %arg7[%arg0, %mul3A_2] : memref<2x10240xf32, #tpu.memory_space<hbm>> -> memref<1x640xf32, #tpu.memory_space<hbm>>
      %dma_start3A_314 = tpu.memref_squeeze %dma_start3A : memref<1x640xf32, #tpu.memory_space<hbm>> -> memref<640xf32, #tpu.memory_space<hbm>>
      %dma_start3A_315 = tpu.memref_slice %arg7[%arg0, %mul3A_2] : memref<2x10240xf32, #tpu.memory_space<hbm>> -> memref<1x640xf32, #tpu.memory_space<hbm>>
      %dma_start3A_316 = tpu.memref_squeeze %dma_start3A_315 : memref<1x640xf32, #tpu.memory_space<hbm>> -> memref<640xf32, #tpu.memory_space<hbm>>
      tpu.enqueue_dma source(%arg13 : memref<640xf32, #tpu.memory_space<vmem>>) target(%dma_start3A_316 : memref<640xf32, #tpu.memory_space<hbm>>) target_semaphore(%run_scoped3A : memref<!tpu.dma_semaphore, #tpu.memory_space<semaphore_mem>>)
      %dma_wait3A = tpu.memref_slice %arg7[%arg0, %mul3A_2] : memref<2x10240xf32, #tpu.memory_space<hbm>> -> memref<1x640xf32, #tpu.memory_space<hbm>>
      %dma_wait3A_317 = tpu.memref_squeeze %dma_wait3A : memref<1x640xf32, #tpu.memory_space<hbm>> -> memref<640xf32, #tpu.memory_space<hbm>>
      %dma_wait3A_318 = tpu.memref_slice %arg7[%arg0, %mul3A_2] : memref<2x10240xf32, #tpu.memory_space<hbm>> -> memref<1x640xf32, #tpu.memory_space<hbm>>
      %dma_wait3A_319 = tpu.memref_squeeze %dma_wait3A_318 : memref<1x640xf32, #tpu.memory_space<hbm>> -> memref<640xf32, #tpu.memory_space<hbm>>
      tpu.wait_dma2 semaphore(%run_scoped3A : memref<!tpu.dma_semaphore, #tpu.memory_space<semaphore_mem>>) src(%arg13 : memref<640xf32, #tpu.memory_space<vmem>>) dst(%dma_wait3A_319 : memref<640xf32, #tpu.memory_space<hbm>>)
      tpu.yield
    }) : () -> ()
    return
  }
}

#map = affine_map<(d0, d1) -> (0, 0)>
#map1 = affine_map<(d0, d1) -> (0, 0, 0)>
module attributes {stable_mosaic.version = 14 : i64} {
  func.func @_sc_agg_body(%arg0: i32, %arg1: i32, %arg2: memref<10000x128xf32, #tpu.memory_space<hbm>>, %arg3: memref<32x80x128xi32, #tpu.memory_space<hbm>>, %arg4: memref<32x80x128xi32, #tpu.memory_space<hbm>>, %arg5: memref<128x128xf32, #tpu.memory_space<hbm>>, %arg6: memref<2x10240x128xf32, #tpu.memory_space<hbm>>, %arg7: memref<16x128xi32, #tpu.memory_space<vmem>>, %arg8: memref<16x128xi32, #tpu.memory_space<vmem>>, %arg9: memref<128x128xf32, #tpu.memory_space<vmem>>, %arg10: memref<128x128xf32, #tpu.memory_space<vmem>>, %arg11: memref<10240x128xf32, #tpu.memory_space<vmem_shared>>, %arg12: memref<!tpu.dma_semaphore, #tpu.memory_space<semaphore_mem>>, %arg13: memref<!tpu.dma_semaphore, #tpu.memory_space<semaphore_mem>>) attributes {dimension_semantics = [#tpu.dimension_semantics<core_parallel>, #tpu.dimension_semantics<subcore_parallel>], iteration_bounds = array<i64: 2, 16>, scalar_prefetch = 0 : i64, scratch_operands = 7 : i64, tpu.core_type = #tpu.core_type<sc_vector_subcore>, window_params = [{transform_indices = #map}, {transform_indices = #map1}, {transform_indices = #map1}, {transform_indices = #map}, {transform_indices = #map1}]} {
    %mul3A = arith.constant 16 : i32
    %mul3A_0 = arith.muli %arg0, %mul3A : i32
    %add3A = arith.addi %mul3A_0, %arg1 : i32
    %mul3A_1 = arith.constant 640 : i32
    %mul3A_2 = arith.muli %arg1, %mul3A_1 : i32
    "tpu.region"() ({
      %run_scoped3A = tpu.sem_alloc : memref<!tpu.dma_semaphore, #tpu.memory_space<semaphore_mem>>
      tpu.enqueue_dma source(%arg5 : memref<128x128xf32, #tpu.memory_space<hbm>>) target(%arg9 : memref<128x128xf32, #tpu.memory_space<vmem>>) target_semaphore(%run_scoped3A : memref<!tpu.dma_semaphore, #tpu.memory_space<semaphore_mem>>)
      tpu.wait_dma2 semaphore(%run_scoped3A : memref<!tpu.dma_semaphore, #tpu.memory_space<semaphore_mem>>) src(%arg5 : memref<128x128xf32, #tpu.memory_space<hbm>>) dst(%arg9 : memref<128x128xf32, #tpu.memory_space<vmem>>)
      tpu.yield
    }) : () -> ()
    %add3A_3 = arith.constant 0 : i32
    %add3A_4 = arith.addi %mul3A_2, %add3A_3 : i32
    "tpu.region"() ({
      %run_scoped3A = tpu.sem_alloc : memref<!tpu.dma_semaphore, #tpu.memory_space<semaphore_mem>>
      %dma_start3A = arith.constant 0 : i32
      %dma_start3A_28 = tpu.memref_slice %arg11[%add3A_4, %dma_start3A] : memref<10240x128xf32, #tpu.memory_space<vmem_shared>> -> memref<128x128xf32, #tpu.memory_space<vmem_shared>>
      %dma_start3A_29 = arith.constant 0 : i32
      %dma_start3A_30 = tpu.memref_slice %arg11[%add3A_4, %dma_start3A_29] : memref<10240x128xf32, #tpu.memory_space<vmem_shared>> -> memref<128x128xf32, #tpu.memory_space<vmem_shared>>
      tpu.enqueue_dma source(%arg9 : memref<128x128xf32, #tpu.memory_space<vmem>>) target(%dma_start3A_30 : memref<128x128xf32, #tpu.memory_space<vmem_shared>>) target_semaphore(%run_scoped3A : memref<!tpu.dma_semaphore, #tpu.memory_space<semaphore_mem>>)
      %dma_wait3A = arith.constant 0 : i32
      %dma_wait3A_31 = tpu.memref_slice %arg11[%add3A_4, %dma_wait3A] : memref<10240x128xf32, #tpu.memory_space<vmem_shared>> -> memref<128x128xf32, #tpu.memory_space<vmem_shared>>
      %dma_wait3A_32 = arith.constant 0 : i32
      %dma_wait3A_33 = tpu.memref_slice %arg11[%add3A_4, %dma_wait3A_32] : memref<10240x128xf32, #tpu.memory_space<vmem_shared>> -> memref<128x128xf32, #tpu.memory_space<vmem_shared>>
      tpu.wait_dma2 semaphore(%run_scoped3A : memref<!tpu.dma_semaphore, #tpu.memory_space<semaphore_mem>>) src(%arg9 : memref<128x128xf32, #tpu.memory_space<vmem>>) dst(%dma_wait3A_33 : memref<128x128xf32, #tpu.memory_space<vmem_shared>>)
      tpu.yield
    }) : () -> ()
    %add3A_5 = arith.constant 128 : i32
    %add3A_6 = arith.addi %mul3A_2, %add3A_5 : i32
    "tpu.region"() ({
      %run_scoped3A = tpu.sem_alloc : memref<!tpu.dma_semaphore, #tpu.memory_space<semaphore_mem>>
      %dma_start3A = arith.constant 0 : i32
      %dma_start3A_28 = tpu.memref_slice %arg11[%add3A_6, %dma_start3A] : memref<10240x128xf32, #tpu.memory_space<vmem_shared>> -> memref<128x128xf32, #tpu.memory_space<vmem_shared>>
      %dma_start3A_29 = arith.constant 0 : i32
      %dma_start3A_30 = tpu.memref_slice %arg11[%add3A_6, %dma_start3A_29] : memref<10240x128xf32, #tpu.memory_space<vmem_shared>> -> memref<128x128xf32, #tpu.memory_space<vmem_shared>>
      tpu.enqueue_dma source(%arg9 : memref<128x128xf32, #tpu.memory_space<vmem>>) target(%dma_start3A_30 : memref<128x128xf32, #tpu.memory_space<vmem_shared>>) target_semaphore(%run_scoped3A : memref<!tpu.dma_semaphore, #tpu.memory_space<semaphore_mem>>)
      %dma_wait3A = arith.constant 0 : i32
      %dma_wait3A_31 = tpu.memref_slice %arg11[%add3A_6, %dma_wait3A] : memref<10240x128xf32, #tpu.memory_space<vmem_shared>> -> memref<128x128xf32, #tpu.memory_space<vmem_shared>>
      %dma_wait3A_32 = arith.constant 0 : i32
      %dma_wait3A_33 = tpu.memref_slice %arg11[%add3A_6, %dma_wait3A_32] : memref<10240x128xf32, #tpu.memory_space<vmem_shared>> -> memref<128x128xf32, #tpu.memory_space<vmem_shared>>
      tpu.wait_dma2 semaphore(%run_scoped3A : memref<!tpu.dma_semaphore, #tpu.memory_space<semaphore_mem>>) src(%arg9 : memref<128x128xf32, #tpu.memory_space<vmem>>) dst(%dma_wait3A_33 : memref<128x128xf32, #tpu.memory_space<vmem_shared>>)
      tpu.yield
    }) : () -> ()
    %add3A_7 = arith.constant 256 : i32
    %add3A_8 = arith.addi %mul3A_2, %add3A_7 : i32
    "tpu.region"() ({
      %run_scoped3A = tpu.sem_alloc : memref<!tpu.dma_semaphore, #tpu.memory_space<semaphore_mem>>
      %dma_start3A = arith.constant 0 : i32
      %dma_start3A_28 = tpu.memref_slice %arg11[%add3A_8, %dma_start3A] : memref<10240x128xf32, #tpu.memory_space<vmem_shared>> -> memref<128x128xf32, #tpu.memory_space<vmem_shared>>
      %dma_start3A_29 = arith.constant 0 : i32
      %dma_start3A_30 = tpu.memref_slice %arg11[%add3A_8, %dma_start3A_29] : memref<10240x128xf32, #tpu.memory_space<vmem_shared>> -> memref<128x128xf32, #tpu.memory_space<vmem_shared>>
      tpu.enqueue_dma source(%arg9 : memref<128x128xf32, #tpu.memory_space<vmem>>) target(%dma_start3A_30 : memref<128x128xf32, #tpu.memory_space<vmem_shared>>) target_semaphore(%run_scoped3A : memref<!tpu.dma_semaphore, #tpu.memory_space<semaphore_mem>>)
      %dma_wait3A = arith.constant 0 : i32
      %dma_wait3A_31 = tpu.memref_slice %arg11[%add3A_8, %dma_wait3A] : memref<10240x128xf32, #tpu.memory_space<vmem_shared>> -> memref<128x128xf32, #tpu.memory_space<vmem_shared>>
      %dma_wait3A_32 = arith.constant 0 : i32
      %dma_wait3A_33 = tpu.memref_slice %arg11[%add3A_8, %dma_wait3A_32] : memref<10240x128xf32, #tpu.memory_space<vmem_shared>> -> memref<128x128xf32, #tpu.memory_space<vmem_shared>>
      tpu.wait_dma2 semaphore(%run_scoped3A : memref<!tpu.dma_semaphore, #tpu.memory_space<semaphore_mem>>) src(%arg9 : memref<128x128xf32, #tpu.memory_space<vmem>>) dst(%dma_wait3A_33 : memref<128x128xf32, #tpu.memory_space<vmem_shared>>)
      tpu.yield
    }) : () -> ()
    %add3A_9 = arith.constant 384 : i32
    %add3A_10 = arith.addi %mul3A_2, %add3A_9 : i32
    "tpu.region"() ({
      %run_scoped3A = tpu.sem_alloc : memref<!tpu.dma_semaphore, #tpu.memory_space<semaphore_mem>>
      %dma_start3A = arith.constant 0 : i32
      %dma_start3A_28 = tpu.memref_slice %arg11[%add3A_10, %dma_start3A] : memref<10240x128xf32, #tpu.memory_space<vmem_shared>> -> memref<128x128xf32, #tpu.memory_space<vmem_shared>>
      %dma_start3A_29 = arith.constant 0 : i32
      %dma_start3A_30 = tpu.memref_slice %arg11[%add3A_10, %dma_start3A_29] : memref<10240x128xf32, #tpu.memory_space<vmem_shared>> -> memref<128x128xf32, #tpu.memory_space<vmem_shared>>
      tpu.enqueue_dma source(%arg9 : memref<128x128xf32, #tpu.memory_space<vmem>>) target(%dma_start3A_30 : memref<128x128xf32, #tpu.memory_space<vmem_shared>>) target_semaphore(%run_scoped3A : memref<!tpu.dma_semaphore, #tpu.memory_space<semaphore_mem>>)
      %dma_wait3A = arith.constant 0 : i32
      %dma_wait3A_31 = tpu.memref_slice %arg11[%add3A_10, %dma_wait3A] : memref<10240x128xf32, #tpu.memory_space<vmem_shared>> -> memref<128x128xf32, #tpu.memory_space<vmem_shared>>
      %dma_wait3A_32 = arith.constant 0 : i32
      %dma_wait3A_33 = tpu.memref_slice %arg11[%add3A_10, %dma_wait3A_32] : memref<10240x128xf32, #tpu.memory_space<vmem_shared>> -> memref<128x128xf32, #tpu.memory_space<vmem_shared>>
      tpu.wait_dma2 semaphore(%run_scoped3A : memref<!tpu.dma_semaphore, #tpu.memory_space<semaphore_mem>>) src(%arg9 : memref<128x128xf32, #tpu.memory_space<vmem>>) dst(%dma_wait3A_33 : memref<128x128xf32, #tpu.memory_space<vmem_shared>>)
      tpu.yield
    }) : () -> ()
    %add3A_11 = arith.constant 512 : i32
    %add3A_12 = arith.addi %mul3A_2, %add3A_11 : i32
    "tpu.region"() ({
      %run_scoped3A = tpu.sem_alloc : memref<!tpu.dma_semaphore, #tpu.memory_space<semaphore_mem>>
      %dma_start3A = arith.constant 0 : i32
      %dma_start3A_28 = tpu.memref_slice %arg11[%add3A_12, %dma_start3A] : memref<10240x128xf32, #tpu.memory_space<vmem_shared>> -> memref<128x128xf32, #tpu.memory_space<vmem_shared>>
      %dma_start3A_29 = arith.constant 0 : i32
      %dma_start3A_30 = tpu.memref_slice %arg11[%add3A_12, %dma_start3A_29] : memref<10240x128xf32, #tpu.memory_space<vmem_shared>> -> memref<128x128xf32, #tpu.memory_space<vmem_shared>>
      tpu.enqueue_dma source(%arg9 : memref<128x128xf32, #tpu.memory_space<vmem>>) target(%dma_start3A_30 : memref<128x128xf32, #tpu.memory_space<vmem_shared>>) target_semaphore(%run_scoped3A : memref<!tpu.dma_semaphore, #tpu.memory_space<semaphore_mem>>)
      %dma_wait3A = arith.constant 0 : i32
      %dma_wait3A_31 = tpu.memref_slice %arg11[%add3A_12, %dma_wait3A] : memref<10240x128xf32, #tpu.memory_space<vmem_shared>> -> memref<128x128xf32, #tpu.memory_space<vmem_shared>>
      %dma_wait3A_32 = arith.constant 0 : i32
      %dma_wait3A_33 = tpu.memref_slice %arg11[%add3A_12, %dma_wait3A_32] : memref<10240x128xf32, #tpu.memory_space<vmem_shared>> -> memref<128x128xf32, #tpu.memory_space<vmem_shared>>
      tpu.wait_dma2 semaphore(%run_scoped3A : memref<!tpu.dma_semaphore, #tpu.memory_space<semaphore_mem>>) src(%arg9 : memref<128x128xf32, #tpu.memory_space<vmem>>) dst(%dma_wait3A_33 : memref<128x128xf32, #tpu.memory_space<vmem_shared>>)
      tpu.yield
    }) : () -> ()
    %barrier3A = arith.constant 0 : index
    tpu.barrier barrier_id(%barrier3A)
    %scan3A = arith.constant 0 : i32
    %scan3A_13 = arith.constant 5 : i32
    %scan3A_14 = arith.addi %scan3A, %scan3A_13 : i32
    %scan3A_15 = arith.constant 1 : i32
    scf.for %scan3A_28 = %scan3A to %scan3A_14 step %scan3A_15  : i32 {
      %mul3A_29 = arith.constant 16 : i32
      %mul3A_30 = arith.muli %scan3A_28, %mul3A_29 : i32
      "tpu.region"() ({
        %run_scoped3A = tpu.sem_alloc : memref<!tpu.dma_semaphore, #tpu.memory_space<semaphore_mem>>
        %dma_start3A = arith.constant 0 : i32
        %dma_start3A_36 = tpu.memref_slice %arg3[%add3A, %mul3A_30, %dma_start3A] : memref<32x80x128xi32, #tpu.memory_space<hbm>> -> memref<1x16x128xi32, #tpu.memory_space<hbm>>
        %dma_start3A_37 = tpu.memref_squeeze %dma_start3A_36 : memref<1x16x128xi32, #tpu.memory_space<hbm>> -> memref<16x128xi32, #tpu.memory_space<hbm>>
        %dma_start3A_38 = arith.constant 0 : i32
        %dma_start3A_39 = tpu.memref_slice %arg3[%add3A, %mul3A_30, %dma_start3A_38] : memref<32x80x128xi32, #tpu.memory_space<hbm>> -> memref<1x16x128xi32, #tpu.memory_space<hbm>>
        %dma_start3A_40 = tpu.memref_squeeze %dma_start3A_39 : memref<1x16x128xi32, #tpu.memory_space<hbm>> -> memref<16x128xi32, #tpu.memory_space<hbm>>
        tpu.enqueue_dma source(%dma_start3A_40 : memref<16x128xi32, #tpu.memory_space<hbm>>) target(%arg7 : memref<16x128xi32, #tpu.memory_space<vmem>>) target_semaphore(%run_scoped3A : memref<!tpu.dma_semaphore, #tpu.memory_space<semaphore_mem>>)
        %dma_wait3A = arith.constant 0 : i32
        %dma_wait3A_41 = tpu.memref_slice %arg3[%add3A, %mul3A_30, %dma_wait3A] : memref<32x80x128xi32, #tpu.memory_space<hbm>> -> memref<1x16x128xi32, #tpu.memory_space<hbm>>
        %dma_wait3A_42 = tpu.memref_squeeze %dma_wait3A_41 : memref<1x16x128xi32, #tpu.memory_space<hbm>> -> memref<16x128xi32, #tpu.memory_space<hbm>>
        %dma_wait3A_43 = arith.constant 0 : i32
        %dma_wait3A_44 = tpu.memref_slice %arg3[%add3A, %mul3A_30, %dma_wait3A_43] : memref<32x80x128xi32, #tpu.memory_space<hbm>> -> memref<1x16x128xi32, #tpu.memory_space<hbm>>
        %dma_wait3A_45 = tpu.memref_squeeze %dma_wait3A_44 : memref<1x16x128xi32, #tpu.memory_space<hbm>> -> memref<16x128xi32, #tpu.memory_space<hbm>>
        tpu.wait_dma2 semaphore(%run_scoped3A : memref<!tpu.dma_semaphore, #tpu.memory_space<semaphore_mem>>) src(%dma_wait3A_45 : memref<16x128xi32, #tpu.memory_space<hbm>>) dst(%arg7 : memref<16x128xi32, #tpu.memory_space<vmem>>)
        tpu.yield
      }) : () -> ()
      "tpu.region"() ({
        %run_scoped3A = tpu.sem_alloc : memref<!tpu.dma_semaphore, #tpu.memory_space<semaphore_mem>>
        %dma_start3A = arith.constant 0 : i32
        %dma_start3A_36 = tpu.memref_slice %arg4[%add3A, %mul3A_30, %dma_start3A] : memref<32x80x128xi32, #tpu.memory_space<hbm>> -> memref<1x16x128xi32, #tpu.memory_space<hbm>>
        %dma_start3A_37 = tpu.memref_squeeze %dma_start3A_36 : memref<1x16x128xi32, #tpu.memory_space<hbm>> -> memref<16x128xi32, #tpu.memory_space<hbm>>
        %dma_start3A_38 = arith.constant 0 : i32
        %dma_start3A_39 = tpu.memref_slice %arg4[%add3A, %mul3A_30, %dma_start3A_38] : memref<32x80x128xi32, #tpu.memory_space<hbm>> -> memref<1x16x128xi32, #tpu.memory_space<hbm>>
        %dma_start3A_40 = tpu.memref_squeeze %dma_start3A_39 : memref<1x16x128xi32, #tpu.memory_space<hbm>> -> memref<16x128xi32, #tpu.memory_space<hbm>>
        tpu.enqueue_dma source(%dma_start3A_40 : memref<16x128xi32, #tpu.memory_space<hbm>>) target(%arg8 : memref<16x128xi32, #tpu.memory_space<vmem>>) target_semaphore(%run_scoped3A : memref<!tpu.dma_semaphore, #tpu.memory_space<semaphore_mem>>)
        %dma_wait3A = arith.constant 0 : i32
        %dma_wait3A_41 = tpu.memref_slice %arg4[%add3A, %mul3A_30, %dma_wait3A] : memref<32x80x128xi32, #tpu.memory_space<hbm>> -> memref<1x16x128xi32, #tpu.memory_space<hbm>>
        %dma_wait3A_42 = tpu.memref_squeeze %dma_wait3A_41 : memref<1x16x128xi32, #tpu.memory_space<hbm>> -> memref<16x128xi32, #tpu.memory_space<hbm>>
        %dma_wait3A_43 = arith.constant 0 : i32
        %dma_wait3A_44 = tpu.memref_slice %arg4[%add3A, %mul3A_30, %dma_wait3A_43] : memref<32x80x128xi32, #tpu.memory_space<hbm>> -> memref<1x16x128xi32, #tpu.memory_space<hbm>>
        %dma_wait3A_45 = tpu.memref_squeeze %dma_wait3A_44 : memref<1x16x128xi32, #tpu.memory_space<hbm>> -> memref<16x128xi32, #tpu.memory_space<hbm>>
        tpu.wait_dma2 semaphore(%run_scoped3A : memref<!tpu.dma_semaphore, #tpu.memory_space<semaphore_mem>>) src(%dma_wait3A_45 : memref<16x128xi32, #tpu.memory_space<hbm>>) dst(%arg8 : memref<16x128xi32, #tpu.memory_space<vmem>>)
        tpu.yield
      }) : () -> ()
      %scan3A_31 = arith.constant 0 : i32
      %scan3A_32 = arith.constant 16 : i32
      %scan3A_33 = arith.addi %scan3A_31, %scan3A_32 : i32
      %scan3A_34 = arith.constant 1 : i32
      scf.for %scan3A_36 = %scan3A_31 to %scan3A_33 step %scan3A_34  : i32 {
        %dma_start3A = arith.constant 0 : i32
        %dma_start3A_37 = tpu.memref_slice %arg7[%scan3A_36, %dma_start3A] : memref<16x128xi32, #tpu.memory_space<vmem>> -> memref<1x128xi32, #tpu.memory_space<vmem>>
        %dma_start3A_38 = tpu.memref_squeeze %dma_start3A_37 : memref<1x128xi32, #tpu.memory_space<vmem>> -> memref<128xi32, #tpu.memory_space<vmem>>
        %dma_start3A_39 = arith.constant 0 : i32
        %dma_start3A_40 = arith.constant 0 : i32
        %dma_start3A_41 = tpu.memref_slice %arg2[%dma_start3A_39, %dma_start3A_40] : memref<10000x128xf32, #tpu.memory_space<hbm>> -> memref<10000x128xf32, #tpu.memory_space<hbm>>
        tpu.enqueue_indirect_dma source(%dma_start3A_41 : memref<10000x128xf32, #tpu.memory_space<hbm>>) target(%arg9 : memref<128x128xf32, #tpu.memory_space<vmem>>) offsets(%dma_start3A_38 : memref<128xi32, #tpu.memory_space<vmem>>) semaphore(%arg12 : memref<!tpu.dma_semaphore, #tpu.memory_space<semaphore_mem>>)
        %dma_wait3A = arith.constant 0 : i32
        %dma_wait3A_42 = tpu.memref_slice %arg7[%scan3A_36, %dma_wait3A] : memref<16x128xi32, #tpu.memory_space<vmem>> -> memref<1x128xi32, #tpu.memory_space<vmem>>
        %dma_wait3A_43 = tpu.memref_squeeze %dma_wait3A_42 : memref<1x128xi32, #tpu.memory_space<vmem>> -> memref<128xi32, #tpu.memory_space<vmem>>
        %dma_wait3A_44 = arith.constant 0 : i32
        %dma_wait3A_45 = arith.constant 0 : i32
        %dma_wait3A_46 = tpu.memref_slice %arg2[%dma_wait3A_44, %dma_wait3A_45] : memref<10000x128xf32, #tpu.memory_space<hbm>> -> memref<10000x128xf32, #tpu.memory_space<hbm>>
        tpu.wait_indirect_dma semaphore(%arg12 : memref<!tpu.dma_semaphore, #tpu.memory_space<semaphore_mem>>) src(%dma_wait3A_46 : memref<10000x128xf32, #tpu.memory_space<hbm>>) dst(%arg9 : memref<128x128xf32, #tpu.memory_space<vmem>>)
        "tpu.region"() ({
          %run_scoped3A = tpu.sem_alloc : memref<!tpu.dma_semaphore, #tpu.memory_space<semaphore_mem>>
          %dma_start3A_47 = arith.constant 0 : i32
          %dma_start3A_48 = tpu.memref_slice %arg8[%scan3A_36, %dma_start3A_47] : memref<16x128xi32, #tpu.memory_space<vmem>> -> memref<1x128xi32, #tpu.memory_space<vmem>>
          %dma_start3A_49 = tpu.memref_squeeze %dma_start3A_48 : memref<1x128xi32, #tpu.memory_space<vmem>> -> memref<128xi32, #tpu.memory_space<vmem>>
          %dma_start3A_50 = arith.constant 0 : i32
          %dma_start3A_51 = arith.constant 0 : i32
          %dma_start3A_52 = tpu.memref_slice %arg11[%dma_start3A_50, %dma_start3A_51] : memref<10240x128xf32, #tpu.memory_space<vmem_shared>> -> memref<10240x128xf32, #tpu.memory_space<vmem_shared>>
          tpu.enqueue_indirect_dma source(%arg9 : memref<128x128xf32, #tpu.memory_space<vmem>>) target(%dma_start3A_52 : memref<10240x128xf32, #tpu.memory_space<vmem_shared>>) offsets(%dma_start3A_49 : memref<128xi32, #tpu.memory_space<vmem>>) semaphore(%run_scoped3A : memref<!tpu.dma_semaphore, #tpu.memory_space<semaphore_mem>>) {add = true}
          %dma_wait3A_53 = arith.constant 0 : i32
          %dma_wait3A_54 = tpu.memref_slice %arg8[%scan3A_36, %dma_wait3A_53] : memref<16x128xi32, #tpu.memory_space<vmem>> -> memref<1x128xi32, #tpu.memory_space<vmem>>
          %dma_wait3A_55 = tpu.memref_squeeze %dma_wait3A_54 : memref<1x128xi32, #tpu.memory_space<vmem>> -> memref<128xi32, #tpu.memory_space<vmem>>
          %dma_wait3A_56 = arith.constant 0 : i32
          %dma_wait3A_57 = arith.constant 0 : i32
          %dma_wait3A_58 = tpu.memref_slice %arg11[%dma_wait3A_56, %dma_wait3A_57] : memref<10240x128xf32, #tpu.memory_space<vmem_shared>> -> memref<10240x128xf32, #tpu.memory_space<vmem_shared>>
          tpu.wait_indirect_dma semaphore(%run_scoped3A : memref<!tpu.dma_semaphore, #tpu.memory_space<semaphore_mem>>) src(%arg9 : memref<128x128xf32, #tpu.memory_space<vmem>>) dst(%dma_wait3A_58 : memref<10240x128xf32, #tpu.memory_space<vmem_shared>>)
          tpu.yield
        }) : () -> ()
      }
      %scan3A_35 = arith.constant 16 : i32
    }
    %scan3A_16 = arith.constant 5 : i32
    %barrier3A_17 = arith.constant 0 : index
    tpu.barrier barrier_id(%barrier3A_17)
    %add3A_18 = arith.constant 0 : i32
    %add3A_19 = arith.addi %mul3A_2, %add3A_18 : i32
    "tpu.region"() ({
      %run_scoped3A = tpu.sem_alloc : memref<!tpu.dma_semaphore, #tpu.memory_space<semaphore_mem>>
      %dma_start3A = arith.constant 0 : i32
      %dma_start3A_28 = tpu.memref_slice %arg11[%add3A_19, %dma_start3A] : memref<10240x128xf32, #tpu.memory_space<vmem_shared>> -> memref<128x128xf32, #tpu.memory_space<vmem_shared>>
      %dma_start3A_29 = arith.constant 0 : i32
      %dma_start3A_30 = tpu.memref_slice %arg11[%add3A_19, %dma_start3A_29] : memref<10240x128xf32, #tpu.memory_space<vmem_shared>> -> memref<128x128xf32, #tpu.memory_space<vmem_shared>>
      tpu.enqueue_dma source(%dma_start3A_30 : memref<128x128xf32, #tpu.memory_space<vmem_shared>>) target(%arg9 : memref<128x128xf32, #tpu.memory_space<vmem>>) target_semaphore(%run_scoped3A : memref<!tpu.dma_semaphore, #tpu.memory_space<semaphore_mem>>)
      %dma_wait3A = arith.constant 0 : i32
      %dma_wait3A_31 = tpu.memref_slice %arg11[%add3A_19, %dma_wait3A] : memref<10240x128xf32, #tpu.memory_space<vmem_shared>> -> memref<128x128xf32, #tpu.memory_space<vmem_shared>>
      %dma_wait3A_32 = arith.constant 0 : i32
      %dma_wait3A_33 = tpu.memref_slice %arg11[%add3A_19, %dma_wait3A_32] : memref<10240x128xf32, #tpu.memory_space<vmem_shared>> -> memref<128x128xf32, #tpu.memory_space<vmem_shared>>
      tpu.wait_dma2 semaphore(%run_scoped3A : memref<!tpu.dma_semaphore, #tpu.memory_space<semaphore_mem>>) src(%dma_wait3A_33 : memref<128x128xf32, #tpu.memory_space<vmem_shared>>) dst(%arg9 : memref<128x128xf32, #tpu.memory_space<vmem>>)
      tpu.yield
    }) : () -> ()
    "tpu.region"() ({
      %run_scoped3A = tpu.sem_alloc : memref<!tpu.dma_semaphore, #tpu.memory_space<semaphore_mem>>
      %dma_start3A = arith.constant 0 : i32
      %dma_start3A_28 = tpu.memref_slice %arg6[%arg0, %add3A_19, %dma_start3A] : memref<2x10240x128xf32, #tpu.memory_space<hbm>> -> memref<1x128x128xf32, #tpu.memory_space<hbm>>
      %dma_start3A_29 = tpu.memref_squeeze %dma_start3A_28 : memref<1x128x128xf32, #tpu.memory_space<hbm>> -> memref<128x128xf32, #tpu.memory_space<hbm>>
      %dma_start3A_30 = arith.constant 0 : i32
      %dma_start3A_31 = tpu.memref_slice %arg6[%arg0, %add3A_19, %dma_start3A_30] : memref<2x10240x128xf32, #tpu.memory_space<hbm>> -> memref<1x128x128xf32, #tpu.memory_space<hbm>>
      %dma_start3A_32 = tpu.memref_squeeze %dma_start3A_31 : memref<1x128x128xf32, #tpu.memory_space<hbm>> -> memref<128x128xf32, #tpu.memory_space<hbm>>
      tpu.enqueue_dma source(%arg9 : memref<128x128xf32, #tpu.memory_space<vmem>>) target(%dma_start3A_32 : memref<128x128xf32, #tpu.memory_space<hbm>>) target_semaphore(%run_scoped3A : memref<!tpu.dma_semaphore, #tpu.memory_space<semaphore_mem>>)
      %dma_wait3A = arith.constant 0 : i32
      %dma_wait3A_33 = tpu.memref_slice %arg6[%arg0, %add3A_19, %dma_wait3A] : memref<2x10240x128xf32, #tpu.memory_space<hbm>> -> memref<1x128x128xf32, #tpu.memory_space<hbm>>
      %dma_wait3A_34 = tpu.memref_squeeze %dma_wait3A_33 : memref<1x128x128xf32, #tpu.memory_space<hbm>> -> memref<128x128xf32, #tpu.memory_space<hbm>>
      %dma_wait3A_35 = arith.constant 0 : i32
      %dma_wait3A_36 = tpu.memref_slice %arg6[%arg0, %add3A_19, %dma_wait3A_35] : memref<2x10240x128xf32, #tpu.memory_space<hbm>> -> memref<1x128x128xf32, #tpu.memory_space<hbm>>
      %dma_wait3A_37 = tpu.memref_squeeze %dma_wait3A_36 : memref<1x128x128xf32, #tpu.memory_space<hbm>> -> memref<128x128xf32, #tpu.memory_space<hbm>>
      tpu.wait_dma2 semaphore(%run_scoped3A : memref<!tpu.dma_semaphore, #tpu.memory_space<semaphore_mem>>) src(%arg9 : memref<128x128xf32, #tpu.memory_space<vmem>>) dst(%dma_wait3A_37 : memref<128x128xf32, #tpu.memory_space<hbm>>)
      tpu.yield
    }) : () -> ()
    %add3A_20 = arith.constant 128 : i32
    %add3A_21 = arith.addi %mul3A_2, %add3A_20 : i32
    "tpu.region"() ({
      %run_scoped3A = tpu.sem_alloc : memref<!tpu.dma_semaphore, #tpu.memory_space<semaphore_mem>>
      %dma_start3A = arith.constant 0 : i32
      %dma_start3A_28 = tpu.memref_slice %arg11[%add3A_21, %dma_start3A] : memref<10240x128xf32, #tpu.memory_space<vmem_shared>> -> memref<128x128xf32, #tpu.memory_space<vmem_shared>>
      %dma_start3A_29 = arith.constant 0 : i32
      %dma_start3A_30 = tpu.memref_slice %arg11[%add3A_21, %dma_start3A_29] : memref<10240x128xf32, #tpu.memory_space<vmem_shared>> -> memref<128x128xf32, #tpu.memory_space<vmem_shared>>
      tpu.enqueue_dma source(%dma_start3A_30 : memref<128x128xf32, #tpu.memory_space<vmem_shared>>) target(%arg9 : memref<128x128xf32, #tpu.memory_space<vmem>>) target_semaphore(%run_scoped3A : memref<!tpu.dma_semaphore, #tpu.memory_space<semaphore_mem>>)
      %dma_wait3A = arith.constant 0 : i32
      %dma_wait3A_31 = tpu.memref_slice %arg11[%add3A_21, %dma_wait3A] : memref<10240x128xf32, #tpu.memory_space<vmem_shared>> -> memref<128x128xf32, #tpu.memory_space<vmem_shared>>
      %dma_wait3A_32 = arith.constant 0 : i32
      %dma_wait3A_33 = tpu.memref_slice %arg11[%add3A_21, %dma_wait3A_32] : memref<10240x128xf32, #tpu.memory_space<vmem_shared>> -> memref<128x128xf32, #tpu.memory_space<vmem_shared>>
      tpu.wait_dma2 semaphore(%run_scoped3A : memref<!tpu.dma_semaphore, #tpu.memory_space<semaphore_mem>>) src(%dma_wait3A_33 : memref<128x128xf32, #tpu.memory_space<vmem_shared>>) dst(%arg9 : memref<128x128xf32, #tpu.memory_space<vmem>>)
      tpu.yield
    }) : () -> ()
    "tpu.region"() ({
      %run_scoped3A = tpu.sem_alloc : memref<!tpu.dma_semaphore, #tpu.memory_space<semaphore_mem>>
      %dma_start3A = arith.constant 0 : i32
      %dma_start3A_28 = tpu.memref_slice %arg6[%arg0, %add3A_21, %dma_start3A] : memref<2x10240x128xf32, #tpu.memory_space<hbm>> -> memref<1x128x128xf32, #tpu.memory_space<hbm>>
      %dma_start3A_29 = tpu.memref_squeeze %dma_start3A_28 : memref<1x128x128xf32, #tpu.memory_space<hbm>> -> memref<128x128xf32, #tpu.memory_space<hbm>>
      %dma_start3A_30 = arith.constant 0 : i32
      %dma_start3A_31 = tpu.memref_slice %arg6[%arg0, %add3A_21, %dma_start3A_30] : memref<2x10240x128xf32, #tpu.memory_space<hbm>> -> memref<1x128x128xf32, #tpu.memory_space<hbm>>
      %dma_start3A_32 = tpu.memref_squeeze %dma_start3A_31 : memref<1x128x128xf32, #tpu.memory_space<hbm>> -> memref<128x128xf32, #tpu.memory_space<hbm>>
      tpu.enqueue_dma source(%arg9 : memref<128x128xf32, #tpu.memory_space<vmem>>) target(%dma_start3A_32 : memref<128x128xf32, #tpu.memory_space<hbm>>) target_semaphore(%run_scoped3A : memref<!tpu.dma_semaphore, #tpu.memory_space<semaphore_mem>>)
      %dma_wait3A = arith.constant 0 : i32
      %dma_wait3A_33 = tpu.memref_slice %arg6[%arg0, %add3A_21, %dma_wait3A] : memref<2x10240x128xf32, #tpu.memory_space<hbm>> -> memref<1x128x128xf32, #tpu.memory_space<hbm>>
      %dma_wait3A_34 = tpu.memref_squeeze %dma_wait3A_33 : memref<1x128x128xf32, #tpu.memory_space<hbm>> -> memref<128x128xf32, #tpu.memory_space<hbm>>
      %dma_wait3A_35 = arith.constant 0 : i32
      %dma_wait3A_36 = tpu.memref_slice %arg6[%arg0, %add3A_21, %dma_wait3A_35] : memref<2x10240x128xf32, #tpu.memory_space<hbm>> -> memref<1x128x128xf32, #tpu.memory_space<hbm>>
      %dma_wait3A_37 = tpu.memref_squeeze %dma_wait3A_36 : memref<1x128x128xf32, #tpu.memory_space<hbm>> -> memref<128x128xf32, #tpu.memory_space<hbm>>
      tpu.wait_dma2 semaphore(%run_scoped3A : memref<!tpu.dma_semaphore, #tpu.memory_space<semaphore_mem>>) src(%arg9 : memref<128x128xf32, #tpu.memory_space<vmem>>) dst(%dma_wait3A_37 : memref<128x128xf32, #tpu.memory_space<hbm>>)
      tpu.yield
    }) : () -> ()
    %add3A_22 = arith.constant 256 : i32
    %add3A_23 = arith.addi %mul3A_2, %add3A_22 : i32
    "tpu.region"() ({
      %run_scoped3A = tpu.sem_alloc : memref<!tpu.dma_semaphore, #tpu.memory_space<semaphore_mem>>
      %dma_start3A = arith.constant 0 : i32
      %dma_start3A_28 = tpu.memref_slice %arg11[%add3A_23, %dma_start3A] : memref<10240x128xf32, #tpu.memory_space<vmem_shared>> -> memref<128x128xf32, #tpu.memory_space<vmem_shared>>
      %dma_start3A_29 = arith.constant 0 : i32
      %dma_start3A_30 = tpu.memref_slice %arg11[%add3A_23, %dma_start3A_29] : memref<10240x128xf32, #tpu.memory_space<vmem_shared>> -> memref<128x128xf32, #tpu.memory_space<vmem_shared>>
      tpu.enqueue_dma source(%dma_start3A_30 : memref<128x128xf32, #tpu.memory_space<vmem_shared>>) target(%arg9 : memref<128x128xf32, #tpu.memory_space<vmem>>) target_semaphore(%run_scoped3A : memref<!tpu.dma_semaphore, #tpu.memory_space<semaphore_mem>>)
      %dma_wait3A = arith.constant 0 : i32
      %dma_wait3A_31 = tpu.memref_slice %arg11[%add3A_23, %dma_wait3A] : memref<10240x128xf32, #tpu.memory_space<vmem_shared>> -> memref<128x128xf32, #tpu.memory_space<vmem_shared>>
      %dma_wait3A_32 = arith.constant 0 : i32
      %dma_wait3A_33 = tpu.memref_slice %arg11[%add3A_23, %dma_wait3A_32] : memref<10240x128xf32, #tpu.memory_space<vmem_shared>> -> memref<128x128xf32, #tpu.memory_space<vmem_shared>>
      tpu.wait_dma2 semaphore(%run_scoped3A : memref<!tpu.dma_semaphore, #tpu.memory_space<semaphore_mem>>) src(%dma_wait3A_33 : memref<128x128xf32, #tpu.memory_space<vmem_shared>>) dst(%arg9 : memref<128x128xf32, #tpu.memory_space<vmem>>)
      tpu.yield
    }) : () -> ()
    "tpu.region"() ({
      %run_scoped3A = tpu.sem_alloc : memref<!tpu.dma_semaphore, #tpu.memory_space<semaphore_mem>>
      %dma_start3A = arith.constant 0 : i32
      %dma_start3A_28 = tpu.memref_slice %arg6[%arg0, %add3A_23, %dma_start3A] : memref<2x10240x128xf32, #tpu.memory_space<hbm>> -> memref<1x128x128xf32, #tpu.memory_space<hbm>>
      %dma_start3A_29 = tpu.memref_squeeze %dma_start3A_28 : memref<1x128x128xf32, #tpu.memory_space<hbm>> -> memref<128x128xf32, #tpu.memory_space<hbm>>
      %dma_start3A_30 = arith.constant 0 : i32
      %dma_start3A_31 = tpu.memref_slice %arg6[%arg0, %add3A_23, %dma_start3A_30] : memref<2x10240x128xf32, #tpu.memory_space<hbm>> -> memref<1x128x128xf32, #tpu.memory_space<hbm>>
      %dma_start3A_32 = tpu.memref_squeeze %dma_start3A_31 : memref<1x128x128xf32, #tpu.memory_space<hbm>> -> memref<128x128xf32, #tpu.memory_space<hbm>>
      tpu.enqueue_dma source(%arg9 : memref<128x128xf32, #tpu.memory_space<vmem>>) target(%dma_start3A_32 : memref<128x128xf32, #tpu.memory_space<hbm>>) target_semaphore(%run_scoped3A : memref<!tpu.dma_semaphore, #tpu.memory_space<semaphore_mem>>)
      %dma_wait3A = arith.constant 0 : i32
      %dma_wait3A_33 = tpu.memref_slice %arg6[%arg0, %add3A_23, %dma_wait3A] : memref<2x10240x128xf32, #tpu.memory_space<hbm>> -> memref<1x128x128xf32, #tpu.memory_space<hbm>>
      %dma_wait3A_34 = tpu.memref_squeeze %dma_wait3A_33 : memref<1x128x128xf32, #tpu.memory_space<hbm>> -> memref<128x128xf32, #tpu.memory_space<hbm>>
      %dma_wait3A_35 = arith.constant 0 : i32
      %dma_wait3A_36 = tpu.memref_slice %arg6[%arg0, %add3A_23, %dma_wait3A_35] : memref<2x10240x128xf32, #tpu.memory_space<hbm>> -> memref<1x128x128xf32, #tpu.memory_space<hbm>>
      %dma_wait3A_37 = tpu.memref_squeeze %dma_wait3A_36 : memref<1x128x128xf32, #tpu.memory_space<hbm>> -> memref<128x128xf32, #tpu.memory_space<hbm>>
      tpu.wait_dma2 semaphore(%run_scoped3A : memref<!tpu.dma_semaphore, #tpu.memory_space<semaphore_mem>>) src(%arg9 : memref<128x128xf32, #tpu.memory_space<vmem>>) dst(%dma_wait3A_37 : memref<128x128xf32, #tpu.memory_space<hbm>>)
      tpu.yield
    }) : () -> ()
    %add3A_24 = arith.constant 384 : i32
    %add3A_25 = arith.addi %mul3A_2, %add3A_24 : i32
    "tpu.region"() ({
      %run_scoped3A = tpu.sem_alloc : memref<!tpu.dma_semaphore, #tpu.memory_space<semaphore_mem>>
      %dma_start3A = arith.constant 0 : i32
      %dma_start3A_28 = tpu.memref_slice %arg11[%add3A_25, %dma_start3A] : memref<10240x128xf32, #tpu.memory_space<vmem_shared>> -> memref<128x128xf32, #tpu.memory_space<vmem_shared>>
      %dma_start3A_29 = arith.constant 0 : i32
      %dma_start3A_30 = tpu.memref_slice %arg11[%add3A_25, %dma_start3A_29] : memref<10240x128xf32, #tpu.memory_space<vmem_shared>> -> memref<128x128xf32, #tpu.memory_space<vmem_shared>>
      tpu.enqueue_dma source(%dma_start3A_30 : memref<128x128xf32, #tpu.memory_space<vmem_shared>>) target(%arg9 : memref<128x128xf32, #tpu.memory_space<vmem>>) target_semaphore(%run_scoped3A : memref<!tpu.dma_semaphore, #tpu.memory_space<semaphore_mem>>)
      %dma_wait3A = arith.constant 0 : i32
      %dma_wait3A_31 = tpu.memref_slice %arg11[%add3A_25, %dma_wait3A] : memref<10240x128xf32, #tpu.memory_space<vmem_shared>> -> memref<128x128xf32, #tpu.memory_space<vmem_shared>>
      %dma_wait3A_32 = arith.constant 0 : i32
      %dma_wait3A_33 = tpu.memref_slice %arg11[%add3A_25, %dma_wait3A_32] : memref<10240x128xf32, #tpu.memory_space<vmem_shared>> -> memref<128x128xf32, #tpu.memory_space<vmem_shared>>
      tpu.wait_dma2 semaphore(%run_scoped3A : memref<!tpu.dma_semaphore, #tpu.memory_space<semaphore_mem>>) src(%dma_wait3A_33 : memref<128x128xf32, #tpu.memory_space<vmem_shared>>) dst(%arg9 : memref<128x128xf32, #tpu.memory_space<vmem>>)
      tpu.yield
    }) : () -> ()
    "tpu.region"() ({
      %run_scoped3A = tpu.sem_alloc : memref<!tpu.dma_semaphore, #tpu.memory_space<semaphore_mem>>
      %dma_start3A = arith.constant 0 : i32
      %dma_start3A_28 = tpu.memref_slice %arg6[%arg0, %add3A_25, %dma_start3A] : memref<2x10240x128xf32, #tpu.memory_space<hbm>> -> memref<1x128x128xf32, #tpu.memory_space<hbm>>
      %dma_start3A_29 = tpu.memref_squeeze %dma_start3A_28 : memref<1x128x128xf32, #tpu.memory_space<hbm>> -> memref<128x128xf32, #tpu.memory_space<hbm>>
      %dma_start3A_30 = arith.constant 0 : i32
      %dma_start3A_31 = tpu.memref_slice %arg6[%arg0, %add3A_25, %dma_start3A_30] : memref<2x10240x128xf32, #tpu.memory_space<hbm>> -> memref<1x128x128xf32, #tpu.memory_space<hbm>>
      %dma_start3A_32 = tpu.memref_squeeze %dma_start3A_31 : memref<1x128x128xf32, #tpu.memory_space<hbm>> -> memref<128x128xf32, #tpu.memory_space<hbm>>
      tpu.enqueue_dma source(%arg9 : memref<128x128xf32, #tpu.memory_space<vmem>>) target(%dma_start3A_32 : memref<128x128xf32, #tpu.memory_space<hbm>>) target_semaphore(%run_scoped3A : memref<!tpu.dma_semaphore, #tpu.memory_space<semaphore_mem>>)
      %dma_wait3A = arith.constant 0 : i32
      %dma_wait3A_33 = tpu.memref_slice %arg6[%arg0, %add3A_25, %dma_wait3A] : memref<2x10240x128xf32, #tpu.memory_space<hbm>> -> memref<1x128x128xf32, #tpu.memory_space<hbm>>
      %dma_wait3A_34 = tpu.memref_squeeze %dma_wait3A_33 : memref<1x128x128xf32, #tpu.memory_space<hbm>> -> memref<128x128xf32, #tpu.memory_space<hbm>>
      %dma_wait3A_35 = arith.constant 0 : i32
      %dma_wait3A_36 = tpu.memref_slice %arg6[%arg0, %add3A_25, %dma_wait3A_35] : memref<2x10240x128xf32, #tpu.memory_space<hbm>> -> memref<1x128x128xf32, #tpu.memory_space<hbm>>
      %dma_wait3A_37 = tpu.memref_squeeze %dma_wait3A_36 : memref<1x128x128xf32, #tpu.memory_space<hbm>> -> memref<128x128xf32, #tpu.memory_space<hbm>>
      tpu.wait_dma2 semaphore(%run_scoped3A : memref<!tpu.dma_semaphore, #tpu.memory_space<semaphore_mem>>) src(%arg9 : memref<128x128xf32, #tpu.memory_space<vmem>>) dst(%dma_wait3A_37 : memref<128x128xf32, #tpu.memory_space<hbm>>)
      tpu.yield
    }) : () -> ()
    %add3A_26 = arith.constant 512 : i32
    %add3A_27 = arith.addi %mul3A_2, %add3A_26 : i32
    "tpu.region"() ({
      %run_scoped3A = tpu.sem_alloc : memref<!tpu.dma_semaphore, #tpu.memory_space<semaphore_mem>>
      %dma_start3A = arith.constant 0 : i32
      %dma_start3A_28 = tpu.memref_slice %arg11[%add3A_27, %dma_start3A] : memref<10240x128xf32, #tpu.memory_space<vmem_shared>> -> memref<128x128xf32, #tpu.memory_space<vmem_shared>>
      %dma_start3A_29 = arith.constant 0 : i32
      %dma_start3A_30 = tpu.memref_slice %arg11[%add3A_27, %dma_start3A_29] : memref<10240x128xf32, #tpu.memory_space<vmem_shared>> -> memref<128x128xf32, #tpu.memory_space<vmem_shared>>
      tpu.enqueue_dma source(%dma_start3A_30 : memref<128x128xf32, #tpu.memory_space<vmem_shared>>) target(%arg9 : memref<128x128xf32, #tpu.memory_space<vmem>>) target_semaphore(%run_scoped3A : memref<!tpu.dma_semaphore, #tpu.memory_space<semaphore_mem>>)
      %dma_wait3A = arith.constant 0 : i32
      %dma_wait3A_31 = tpu.memref_slice %arg11[%add3A_27, %dma_wait3A] : memref<10240x128xf32, #tpu.memory_space<vmem_shared>> -> memref<128x128xf32, #tpu.memory_space<vmem_shared>>
      %dma_wait3A_32 = arith.constant 0 : i32
      %dma_wait3A_33 = tpu.memref_slice %arg11[%add3A_27, %dma_wait3A_32] : memref<10240x128xf32, #tpu.memory_space<vmem_shared>> -> memref<128x128xf32, #tpu.memory_space<vmem_shared>>
      tpu.wait_dma2 semaphore(%run_scoped3A : memref<!tpu.dma_semaphore, #tpu.memory_space<semaphore_mem>>) src(%dma_wait3A_33 : memref<128x128xf32, #tpu.memory_space<vmem_shared>>) dst(%arg9 : memref<128x128xf32, #tpu.memory_space<vmem>>)
      tpu.yield
    }) : () -> ()
    "tpu.region"() ({
      %run_scoped3A = tpu.sem_alloc : memref<!tpu.dma_semaphore, #tpu.memory_space<semaphore_mem>>
      %dma_start3A = arith.constant 0 : i32
      %dma_start3A_28 = tpu.memref_slice %arg6[%arg0, %add3A_27, %dma_start3A] : memref<2x10240x128xf32, #tpu.memory_space<hbm>> -> memref<1x128x128xf32, #tpu.memory_space<hbm>>
      %dma_start3A_29 = tpu.memref_squeeze %dma_start3A_28 : memref<1x128x128xf32, #tpu.memory_space<hbm>> -> memref<128x128xf32, #tpu.memory_space<hbm>>
      %dma_start3A_30 = arith.constant 0 : i32
      %dma_start3A_31 = tpu.memref_slice %arg6[%arg0, %add3A_27, %dma_start3A_30] : memref<2x10240x128xf32, #tpu.memory_space<hbm>> -> memref<1x128x128xf32, #tpu.memory_space<hbm>>
      %dma_start3A_32 = tpu.memref_squeeze %dma_start3A_31 : memref<1x128x128xf32, #tpu.memory_space<hbm>> -> memref<128x128xf32, #tpu.memory_space<hbm>>
      tpu.enqueue_dma source(%arg9 : memref<128x128xf32, #tpu.memory_space<vmem>>) target(%dma_start3A_32 : memref<128x128xf32, #tpu.memory_space<hbm>>) target_semaphore(%run_scoped3A : memref<!tpu.dma_semaphore, #tpu.memory_space<semaphore_mem>>)
      %dma_wait3A = arith.constant 0 : i32
      %dma_wait3A_33 = tpu.memref_slice %arg6[%arg0, %add3A_27, %dma_wait3A] : memref<2x10240x128xf32, #tpu.memory_space<hbm>> -> memref<1x128x128xf32, #tpu.memory_space<hbm>>
      %dma_wait3A_34 = tpu.memref_squeeze %dma_wait3A_33 : memref<1x128x128xf32, #tpu.memory_space<hbm>> -> memref<128x128xf32, #tpu.memory_space<hbm>>
      %dma_wait3A_35 = arith.constant 0 : i32
      %dma_wait3A_36 = tpu.memref_slice %arg6[%arg0, %add3A_27, %dma_wait3A_35] : memref<2x10240x128xf32, #tpu.memory_space<hbm>> -> memref<1x128x128xf32, #tpu.memory_space<hbm>>
      %dma_wait3A_37 = tpu.memref_squeeze %dma_wait3A_36 : memref<1x128x128xf32, #tpu.memory_space<hbm>> -> memref<128x128xf32, #tpu.memory_space<hbm>>
      tpu.wait_dma2 semaphore(%run_scoped3A : memref<!tpu.dma_semaphore, #tpu.memory_space<semaphore_mem>>) src(%arg9 : memref<128x128xf32, #tpu.memory_space<vmem>>) dst(%dma_wait3A_37 : memref<128x128xf32, #tpu.memory_space<hbm>>)
      tpu.yield
    }) : () -> ()
    return
  }
}

module attributes {stable_mosaic.version = 14 : i64} {
  func.func @_tc_layer_body(%arg0: i32, %arg1: memref<2x400x128xf32, #tpu.memory_space<vmem>>, %arg2: memref<2x400x1xf32, #tpu.memory_space<vmem>>, %arg3: memref<400x128xf32, #tpu.memory_space<vmem>>, %arg4: memref<128x128xf32, #tpu.memory_space<vmem>>, %arg5: memref<1x128xf32, #tpu.memory_space<vmem>>, %arg6: memref<128x128xf32, #tpu.memory_space<vmem>>, %arg7: memref<1x128xf32, #tpu.memory_space<vmem>>, %arg8: memref<1x128xf32, #tpu.memory_space<vmem>>, %arg9: memref<400x128xf32, #tpu.memory_space<vmem>>) attributes {dimension_semantics = [#tpu.dimension_semantics<arbitrary>], iteration_bounds = array<i64: 25>, scalar_prefetch = 0 : i64, scratch_operands = 0 : i64, tpu.core_type = #tpu.core_type<tc>, window_params = [{transform_indices = @transform_0, window_bounds = array<i64: 2, 400, 128>}, {transform_indices = @transform_1, window_bounds = array<i64: 2, 400, 1>}, {transform_indices = @transform_2, window_bounds = array<i64: 400, 128>}, {pipeline_mode = #tpu.pipeline_mode<synchronous>, transform_indices = @transform_3, window_bounds = array<i64: 128, 128>}, {pipeline_mode = #tpu.pipeline_mode<synchronous>, transform_indices = @transform_4, window_bounds = array<i64: 1, 128>}, {pipeline_mode = #tpu.pipeline_mode<synchronous>, transform_indices = @transform_5, window_bounds = array<i64: 128, 128>}, {pipeline_mode = #tpu.pipeline_mode<synchronous>, transform_indices = @transform_6, window_bounds = array<i64: 1, 128>}, {pipeline_mode = #tpu.pipeline_mode<synchronous>, transform_indices = @transform_7, window_bounds = array<i64: 1, 128>}, {transform_indices = @transform_8, window_bounds = array<i64: 400, 128>}]} {
    %get3A = arith.constant 0 : index
    %get3A_0 = arith.constant 0 : index
    %get3A_1 = arith.constant 0 : index
    %get3A_2 = vector.load %arg1[%get3A, %get3A_0, %get3A_1] : memref<2x400x128xf32, #tpu.memory_space<vmem>>, vector<1x400x128xf32>
    %get3A_3 = vector.shape_cast %get3A_2 : vector<1x400x128xf32> to vector<400x128xf32>
    %get3A_4 = arith.constant 1 : index
    %get3A_5 = arith.constant 0 : index
    %get3A_6 = arith.constant 0 : index
    %get3A_7 = vector.load %arg1[%get3A_4, %get3A_5, %get3A_6] : memref<2x400x128xf32, #tpu.memory_space<vmem>>, vector<1x400x128xf32>
    %get3A_8 = vector.shape_cast %get3A_7 : vector<1x400x128xf32> to vector<400x128xf32>
    %add3A = arith.addf %get3A_3, %get3A_8 : vector<400x128xf32>
    %get3A_9 = arith.constant 0 : index
    %get3A_10 = arith.constant 0 : index
    %get3A_11 = arith.constant 0 : index
    %get3A_12 = vector.load %arg2[%get3A_9, %get3A_10, %get3A_11] : memref<2x400x1xf32, #tpu.memory_space<vmem>>, vector<1x400x1xf32>
    %get3A_13 = vector.shape_cast %get3A_12 : vector<1x400x1xf32> to vector<400x1xf32>
    %get3A_14 = arith.constant 1 : index
    %get3A_15 = arith.constant 0 : index
    %get3A_16 = arith.constant 0 : index
    %get3A_17 = vector.load %arg2[%get3A_14, %get3A_15, %get3A_16] : memref<2x400x1xf32, #tpu.memory_space<vmem>>, vector<1x400x1xf32>
    %get3A_18 = vector.shape_cast %get3A_17 : vector<1x400x1xf32> to vector<400x1xf32>
    %add3A_19 = arith.addf %get3A_13, %get3A_18 : vector<400x1xf32>
    %max3A = arith.constant 1.000000e+00 : f32
    %max3A_20 = vector.broadcast %max3A : f32 to vector<400x1xf32>
    %max3A_21 = arith.maximumf %add3A_19, %max3A_20 : vector<400x1xf32>
    %div3A = arith.constant 1.000000e+00 : f32
    %div3A_22 = vector.broadcast %div3A : f32 to vector<400x1xf32>
    %div3A_23 = arith.divf %div3A_22, %max3A_21 : vector<400x1xf32>
    %mul3A = vector.broadcast %div3A_23 : vector<400x1xf32> to vector<400x128xf32>
    %mul3A_24 = arith.mulf %add3A, %mul3A : vector<400x128xf32>
    %get3A_25 = arith.constant 0 : index
    %get3A_26 = arith.constant 0 : index
    %get3A_27 = vector.load %arg3[%get3A_25, %get3A_26] : memref<400x128xf32, #tpu.memory_space<vmem>>, vector<400x128xf32>
    %get3A_28 = arith.constant 0 : index
    %get3A_29 = arith.constant 0 : index
    %get3A_30 = vector.load %arg4[%get3A_28, %get3A_29] : memref<128x128xf32, #tpu.memory_space<vmem>>, vector<128x128xf32>
    %dot_general3A = arith.constant dense<0.000000e+00> : vector<400x128xf32>
    %dot_general3A_31 = tpu.matmul %mul3A_24, %get3A_30, %dot_general3A {dimension_numbers = #tpu.dot_dimension_numbers<[1], [0], [0], [1], [0, 0, 1, 1], [], []>, precision = #tpu.contract_precision<fp32>, transpose_lhs_hint = false} : vector<400x128xf32>, vector<128x128xf32>, vector<400x128xf32> -> vector<400x128xf32>
    %get3A_32 = arith.constant 0 : index
    %get3A_33 = arith.constant 0 : index
    %get3A_34 = vector.load %arg5[%get3A_32, %get3A_33] : memref<1x128xf32, #tpu.memory_space<vmem>>, vector<1x128xf32>
    %add3A_35 = vector.broadcast %get3A_34 : vector<1x128xf32> to vector<400x128xf32>
    %add3A_36 = arith.addf %dot_general3A_31, %add3A_35 : vector<400x128xf32>
    %get3A_37 = arith.constant 0 : index
    %get3A_38 = arith.constant 0 : index
    %get3A_39 = vector.load %arg6[%get3A_37, %get3A_38] : memref<128x128xf32, #tpu.memory_space<vmem>>, vector<128x128xf32>
    %dot_general3A_40 = arith.constant dense<0.000000e+00> : vector<400x128xf32>
    %dot_general3A_41 = tpu.matmul %get3A_27, %get3A_39, %dot_general3A_40 {dimension_numbers = #tpu.dot_dimension_numbers<[1], [0], [0], [1], [0, 0, 1, 1], [], []>, precision = #tpu.contract_precision<fp32>, transpose_lhs_hint = false} : vector<400x128xf32>, vector<128x128xf32>, vector<400x128xf32> -> vector<400x128xf32>
    %add3A_42 = arith.addf %add3A_36, %dot_general3A_41 : vector<400x128xf32>
    %reduce_sum3A = arith.constant dense<0.000000e+00> : vector<400xf32>
    %reduce_sum3A_43 = vector.multi_reduction <add>, %add3A_42, %reduce_sum3A [1] : vector<400x128xf32> to vector<400xf32>
    %broadcast_in_dim3A = vector.shape_cast %reduce_sum3A_43 : vector<400xf32> to vector<400x1xf32>
    %div3A_44 = arith.constant 1.280000e+02 : f32
    %div3A_45 = vector.broadcast %div3A_44 : f32 to vector<400x1xf32>
    %div3A_46 = arith.divf %broadcast_in_dim3A, %div3A_45 : vector<400x1xf32>
    %sub3A = vector.broadcast %div3A_46 : vector<400x1xf32> to vector<400x128xf32>
    %sub3A_47 = arith.subf %add3A_42, %sub3A : vector<400x128xf32>
    %integer_pow3A = arith.mulf %sub3A_47, %sub3A_47 : vector<400x128xf32>
    %reduce_sum3A_48 = arith.constant dense<0.000000e+00> : vector<400xf32>
    %reduce_sum3A_49 = vector.multi_reduction <add>, %integer_pow3A, %reduce_sum3A_48 [1] : vector<400x128xf32> to vector<400xf32>
    %broadcast_in_dim3A_50 = vector.shape_cast %reduce_sum3A_49 : vector<400xf32> to vector<400x1xf32>
    %div3A_51 = arith.constant 1.280000e+02 : f32
    %div3A_52 = vector.broadcast %div3A_51 : f32 to vector<400x1xf32>
    %div3A_53 = arith.divf %broadcast_in_dim3A_50, %div3A_52 : vector<400x1xf32>
    %sub3A_54 = vector.broadcast %div3A_46 : vector<400x1xf32> to vector<400x128xf32>
    %sub3A_55 = arith.subf %add3A_42, %sub3A_54 : vector<400x128xf32>
    %add3A_56 = arith.constant 9.99999974E-6 : f32
    %add3A_57 = vector.broadcast %add3A_56 : f32 to vector<400x1xf32>
    %add3A_58 = arith.addf %div3A_53, %add3A_57 : vector<400x1xf32>
    %sqrt3A = math.sqrt %add3A_58 : vector<400x1xf32>
    %div3A_59 = vector.broadcast %sqrt3A : vector<400x1xf32> to vector<400x128xf32>
    %div3A_60 = arith.divf %sub3A_55, %div3A_59 : vector<400x128xf32>
    %get3A_61 = arith.constant 0 : index
    %get3A_62 = arith.constant 0 : index
    %get3A_63 = vector.load %arg7[%get3A_61, %get3A_62] : memref<1x128xf32, #tpu.memory_space<vmem>>, vector<1x128xf32>
    %mul3A_64 = vector.broadcast %get3A_63 : vector<1x128xf32> to vector<400x128xf32>
    %mul3A_65 = arith.mulf %div3A_60, %mul3A_64 : vector<400x128xf32>
    %get3A_66 = arith.constant 0 : index
    %get3A_67 = arith.constant 0 : index
    %get3A_68 = vector.load %arg8[%get3A_66, %get3A_67] : memref<1x128xf32, #tpu.memory_space<vmem>>, vector<1x128xf32>
    %add3A_69 = vector.broadcast %get3A_68 : vector<1x128xf32> to vector<400x128xf32>
    %add3A_70 = arith.addf %mul3A_65, %add3A_69 : vector<400x128xf32>
    %max3A_71 = arith.constant 0.000000e+00 : f32
    %max3A_72 = vector.broadcast %max3A_71 : f32 to vector<400x128xf32>
    %max3A_73 = arith.maximumf %add3A_70, %max3A_72 : vector<400x128xf32>
    %swap3A = arith.constant 0 : index
    %swap3A_74 = arith.constant 0 : index
    %swap3A_75 = vector.load %arg9[%swap3A, %swap3A_74] : memref<400x128xf32, #tpu.memory_space<vmem>>, vector<400x128xf32>
    tpu.vector_store %arg9[%swap3A, %swap3A_74], %max3A_73 {strides = array<i32>} : memref<400x128xf32, #tpu.memory_space<vmem>>, vector<400x128xf32>,
    return
  }
  func.func @transform_0(%arg0: i32) -> (i32, i32, i32) {
    %c0_i32 = arith.constant 0 : i32
    %c0_i32_0 = arith.constant 0 : i32
    %c0_i32_1 = arith.constant 0 : i32
    return %c0_i32, %arg0, %c0_i32_0 : i32, i32, i32
  }
  func.func @transform_1(%arg0: i32) -> (i32, i32, i32) {
    %c0_i32 = arith.constant 0 : i32
    %c0_i32_0 = arith.constant 0 : i32
    %c0_i32_1 = arith.constant 0 : i32
    return %c0_i32, %arg0, %c0_i32_0 : i32, i32, i32
  }
  func.func @transform_2(%arg0: i32) -> (i32, i32) {
    %c0_i32 = arith.constant 0 : i32
    %c0_i32_0 = arith.constant 0 : i32
    return %arg0, %c0_i32 : i32, i32
  }
  func.func @transform_3(%arg0: i32) -> (i32, i32) {
    %c0_i32 = arith.constant 0 : i32
    %c0_i32_0 = arith.constant 0 : i32
    %c0_i32_1 = arith.constant 0 : i32
    return %c0_i32, %c0_i32_0 : i32, i32
  }
  func.func @transform_4(%arg0: i32) -> (i32, i32) {
    %c0_i32 = arith.constant 0 : i32
    %c0_i32_0 = arith.constant 0 : i32
    %c0_i32_1 = arith.constant 0 : i32
    return %c0_i32, %c0_i32_0 : i32, i32
  }
  func.func @transform_5(%arg0: i32) -> (i32, i32) {
    %c0_i32 = arith.constant 0 : i32
    %c0_i32_0 = arith.constant 0 : i32
    %c0_i32_1 = arith.constant 0 : i32
    return %c0_i32, %c0_i32_0 : i32, i32
  }
  func.func @transform_6(%arg0: i32) -> (i32, i32) {
    %c0_i32 = arith.constant 0 : i32
    %c0_i32_0 = arith.constant 0 : i32
    %c0_i32_1 = arith.constant 0 : i32
    return %c0_i32, %c0_i32_0 : i32, i32
  }
  func.func @transform_7(%arg0: i32) -> (i32, i32) {
    %c0_i32 = arith.constant 0 : i32
    %c0_i32_0 = arith.constant 0 : i32
    %c0_i32_1 = arith.constant 0 : i32
    return %c0_i32, %c0_i32_0 : i32, i32
  }
  func.func @transform_8(%arg0: i32) -> (i32, i32) {
    %c0_i32 = arith.constant 0 : i32
    %c0_i32_0 = arith.constant 0 : i32
    return %arg0, %c0_i32 : i32, i32
  }
}

module attributes {stable_mosaic.version = 14 : i64} {
  func.func @_tc_layer_body(%arg0: i32, %arg1: memref<2x400x128xf32, #tpu.memory_space<vmem>>, %arg2: memref<2x400x1xf32, #tpu.memory_space<vmem>>, %arg3: memref<400x128xf32, #tpu.memory_space<vmem>>, %arg4: memref<128x128xf32, #tpu.memory_space<vmem>>, %arg5: memref<1x128xf32, #tpu.memory_space<vmem>>, %arg6: memref<128x128xf32, #tpu.memory_space<vmem>>, %arg7: memref<1x128xf32, #tpu.memory_space<vmem>>, %arg8: memref<1x128xf32, #tpu.memory_space<vmem>>, %arg9: memref<400x128xf32, #tpu.memory_space<vmem>>) attributes {dimension_semantics = [#tpu.dimension_semantics<arbitrary>], iteration_bounds = array<i64: 25>, scalar_prefetch = 0 : i64, scratch_operands = 0 : i64, tpu.core_type = #tpu.core_type<tc>, window_params = [{transform_indices = @transform_0, window_bounds = array<i64: 2, 400, 128>}, {transform_indices = @transform_1, window_bounds = array<i64: 2, 400, 1>}, {transform_indices = @transform_2, window_bounds = array<i64: 400, 128>}, {pipeline_mode = #tpu.pipeline_mode<synchronous>, transform_indices = @transform_3, window_bounds = array<i64: 128, 128>}, {pipeline_mode = #tpu.pipeline_mode<synchronous>, transform_indices = @transform_4, window_bounds = array<i64: 1, 128>}, {pipeline_mode = #tpu.pipeline_mode<synchronous>, transform_indices = @transform_5, window_bounds = array<i64: 128, 128>}, {pipeline_mode = #tpu.pipeline_mode<synchronous>, transform_indices = @transform_6, window_bounds = array<i64: 1, 128>}, {pipeline_mode = #tpu.pipeline_mode<synchronous>, transform_indices = @transform_7, window_bounds = array<i64: 1, 128>}, {transform_indices = @transform_8, window_bounds = array<i64: 400, 128>}]} {
    %get3A = arith.constant 0 : index
    %get3A_0 = arith.constant 0 : index
    %get3A_1 = arith.constant 0 : index
    %get3A_2 = vector.load %arg1[%get3A, %get3A_0, %get3A_1] : memref<2x400x128xf32, #tpu.memory_space<vmem>>, vector<1x400x128xf32>
    %get3A_3 = vector.shape_cast %get3A_2 : vector<1x400x128xf32> to vector<400x128xf32>
    %get3A_4 = arith.constant 1 : index
    %get3A_5 = arith.constant 0 : index
    %get3A_6 = arith.constant 0 : index
    %get3A_7 = vector.load %arg1[%get3A_4, %get3A_5, %get3A_6] : memref<2x400x128xf32, #tpu.memory_space<vmem>>, vector<1x400x128xf32>
    %get3A_8 = vector.shape_cast %get3A_7 : vector<1x400x128xf32> to vector<400x128xf32>
    %add3A = arith.addf %get3A_3, %get3A_8 : vector<400x128xf32>
    %get3A_9 = arith.constant 0 : index
    %get3A_10 = arith.constant 0 : index
    %get3A_11 = arith.constant 0 : index
    %get3A_12 = vector.load %arg2[%get3A_9, %get3A_10, %get3A_11] : memref<2x400x1xf32, #tpu.memory_space<vmem>>, vector<1x400x1xf32>
    %get3A_13 = vector.shape_cast %get3A_12 : vector<1x400x1xf32> to vector<400x1xf32>
    %get3A_14 = arith.constant 1 : index
    %get3A_15 = arith.constant 0 : index
    %get3A_16 = arith.constant 0 : index
    %get3A_17 = vector.load %arg2[%get3A_14, %get3A_15, %get3A_16] : memref<2x400x1xf32, #tpu.memory_space<vmem>>, vector<1x400x1xf32>
    %get3A_18 = vector.shape_cast %get3A_17 : vector<1x400x1xf32> to vector<400x1xf32>
    %add3A_19 = arith.addf %get3A_13, %get3A_18 : vector<400x1xf32>
    %max3A = arith.constant 1.000000e+00 : f32
    %max3A_20 = vector.broadcast %max3A : f32 to vector<400x1xf32>
    %max3A_21 = arith.maximumf %add3A_19, %max3A_20 : vector<400x1xf32>
    %div3A = arith.constant 1.000000e+00 : f32
    %div3A_22 = vector.broadcast %div3A : f32 to vector<400x1xf32>
    %div3A_23 = arith.divf %div3A_22, %max3A_21 : vector<400x1xf32>
    %mul3A = vector.broadcast %div3A_23 : vector<400x1xf32> to vector<400x128xf32>
    %mul3A_24 = arith.mulf %add3A, %mul3A : vector<400x128xf32>
    %get3A_25 = arith.constant 0 : index
    %get3A_26 = arith.constant 0 : index
    %get3A_27 = vector.load %arg3[%get3A_25, %get3A_26] : memref<400x128xf32, #tpu.memory_space<vmem>>, vector<400x128xf32>
    %get3A_28 = arith.constant 0 : index
    %get3A_29 = arith.constant 0 : index
    %get3A_30 = vector.load %arg4[%get3A_28, %get3A_29] : memref<128x128xf32, #tpu.memory_space<vmem>>, vector<128x128xf32>
    %dot_general3A = arith.constant dense<0.000000e+00> : vector<400x128xf32>
    %dot_general3A_31 = tpu.matmul %mul3A_24, %get3A_30, %dot_general3A {dimension_numbers = #tpu.dot_dimension_numbers<[1], [0], [0], [1], [0, 0, 1, 1], [], []>, precision = #tpu.contract_precision<fp32>, transpose_lhs_hint = false} : vector<400x128xf32>, vector<128x128xf32>, vector<400x128xf32> -> vector<400x128xf32>
    %get3A_32 = arith.constant 0 : index
    %get3A_33 = arith.constant 0 : index
    %get3A_34 = vector.load %arg5[%get3A_32, %get3A_33] : memref<1x128xf32, #tpu.memory_space<vmem>>, vector<1x128xf32>
    %add3A_35 = vector.broadcast %get3A_34 : vector<1x128xf32> to vector<400x128xf32>
    %add3A_36 = arith.addf %dot_general3A_31, %add3A_35 : vector<400x128xf32>
    %get3A_37 = arith.constant 0 : index
    %get3A_38 = arith.constant 0 : index
    %get3A_39 = vector.load %arg6[%get3A_37, %get3A_38] : memref<128x128xf32, #tpu.memory_space<vmem>>, vector<128x128xf32>
    %dot_general3A_40 = arith.constant dense<0.000000e+00> : vector<400x128xf32>
    %dot_general3A_41 = tpu.matmul %get3A_27, %get3A_39, %dot_general3A_40 {dimension_numbers = #tpu.dot_dimension_numbers<[1], [0], [0], [1], [0, 0, 1, 1], [], []>, precision = #tpu.contract_precision<fp32>, transpose_lhs_hint = false} : vector<400x128xf32>, vector<128x128xf32>, vector<400x128xf32> -> vector<400x128xf32>
    %add3A_42 = arith.addf %add3A_36, %dot_general3A_41 : vector<400x128xf32>
    %reduce_sum3A = arith.constant dense<0.000000e+00> : vector<400xf32>
    %reduce_sum3A_43 = vector.multi_reduction <add>, %add3A_42, %reduce_sum3A [1] : vector<400x128xf32> to vector<400xf32>
    %broadcast_in_dim3A = vector.shape_cast %reduce_sum3A_43 : vector<400xf32> to vector<400x1xf32>
    %div3A_44 = arith.constant 1.280000e+02 : f32
    %div3A_45 = vector.broadcast %div3A_44 : f32 to vector<400x1xf32>
    %div3A_46 = arith.divf %broadcast_in_dim3A, %div3A_45 : vector<400x1xf32>
    %sub3A = vector.broadcast %div3A_46 : vector<400x1xf32> to vector<400x128xf32>
    %sub3A_47 = arith.subf %add3A_42, %sub3A : vector<400x128xf32>
    %integer_pow3A = arith.mulf %sub3A_47, %sub3A_47 : vector<400x128xf32>
    %reduce_sum3A_48 = arith.constant dense<0.000000e+00> : vector<400xf32>
    %reduce_sum3A_49 = vector.multi_reduction <add>, %integer_pow3A, %reduce_sum3A_48 [1] : vector<400x128xf32> to vector<400xf32>
    %broadcast_in_dim3A_50 = vector.shape_cast %reduce_sum3A_49 : vector<400xf32> to vector<400x1xf32>
    %div3A_51 = arith.constant 1.280000e+02 : f32
    %div3A_52 = vector.broadcast %div3A_51 : f32 to vector<400x1xf32>
    %div3A_53 = arith.divf %broadcast_in_dim3A_50, %div3A_52 : vector<400x1xf32>
    %sub3A_54 = vector.broadcast %div3A_46 : vector<400x1xf32> to vector<400x128xf32>
    %sub3A_55 = arith.subf %add3A_42, %sub3A_54 : vector<400x128xf32>
    %add3A_56 = arith.constant 9.99999974E-6 : f32
    %add3A_57 = vector.broadcast %add3A_56 : f32 to vector<400x1xf32>
    %add3A_58 = arith.addf %div3A_53, %add3A_57 : vector<400x1xf32>
    %sqrt3A = math.sqrt %add3A_58 : vector<400x1xf32>
    %div3A_59 = vector.broadcast %sqrt3A : vector<400x1xf32> to vector<400x128xf32>
    %div3A_60 = arith.divf %sub3A_55, %div3A_59 : vector<400x128xf32>
    %get3A_61 = arith.constant 0 : index
    %get3A_62 = arith.constant 0 : index
    %get3A_63 = vector.load %arg7[%get3A_61, %get3A_62] : memref<1x128xf32, #tpu.memory_space<vmem>>, vector<1x128xf32>
    %mul3A_64 = vector.broadcast %get3A_63 : vector<1x128xf32> to vector<400x128xf32>
    %mul3A_65 = arith.mulf %div3A_60, %mul3A_64 : vector<400x128xf32>
    %get3A_66 = arith.constant 0 : index
    %get3A_67 = arith.constant 0 : index
    %get3A_68 = vector.load %arg8[%get3A_66, %get3A_67] : memref<1x128xf32, #tpu.memory_space<vmem>>, vector<1x128xf32>
    %add3A_69 = vector.broadcast %get3A_68 : vector<1x128xf32> to vector<400x128xf32>
    %add3A_70 = arith.addf %mul3A_65, %add3A_69 : vector<400x128xf32>
    %max3A_71 = arith.constant 0.000000e+00 : f32
    %max3A_72 = vector.broadcast %max3A_71 : f32 to vector<400x128xf32>
    %max3A_73 = arith.maximumf %add3A_70, %max3A_72 : vector<400x128xf32>
    %add3A_74 = arith.addf %max3A_73, %get3A_27 : vector<400x128xf32>
    %swap3A = arith.constant 0 : index
    %swap3A_75 = arith.constant 0 : index
    %swap3A_76 = vector.load %arg9[%swap3A, %swap3A_75] : memref<400x128xf32, #tpu.memory_space<vmem>>, vector<400x128xf32>
    tpu.vector_store %arg9[%swap3A, %swap3A_75], %add3A_74 {strides = array<i32>} : memref<400x128xf32, #tpu.memory_space<vmem>>, vector<400x128xf32>,
    return
  }
  func.func @transform_0(%arg0: i32) -> (i32, i32, i32) {
    %c0_i32 = arith.constant 0 : i32
    %c0_i32_0 = arith.constant 0 : i32
    %c0_i32_1 = arith.constant 0 : i32
    return %c0_i32, %arg0, %c0_i32_0 : i32, i32, i32
  }
  func.func @transform_1(%arg0: i32) -> (i32, i32, i32) {
    %c0_i32 = arith.constant 0 : i32
    %c0_i32_0 = arith.constant 0 : i32
    %c0_i32_1 = arith.constant 0 : i32
    return %c0_i32, %arg0, %c0_i32_0 : i32, i32, i32
  }
  func.func @transform_2(%arg0: i32) -> (i32, i32) {
    %c0_i32 = arith.constant 0 : i32
    %c0_i32_0 = arith.constant 0 : i32
    return %arg0, %c0_i32 : i32, i32
  }
  func.func @transform_3(%arg0: i32) -> (i32, i32) {
    %c0_i32 = arith.constant 0 : i32
    %c0_i32_0 = arith.constant 0 : i32
    %c0_i32_1 = arith.constant 0 : i32
    return %c0_i32, %c0_i32_0 : i32, i32
  }
  func.func @transform_4(%arg0: i32) -> (i32, i32) {
    %c0_i32 = arith.constant 0 : i32
    %c0_i32_0 = arith.constant 0 : i32
    %c0_i32_1 = arith.constant 0 : i32
    return %c0_i32, %c0_i32_0 : i32, i32
  }
  func.func @transform_5(%arg0: i32) -> (i32, i32) {
    %c0_i32 = arith.constant 0 : i32
    %c0_i32_0 = arith.constant 0 : i32
    %c0_i32_1 = arith.constant 0 : i32
    return %c0_i32, %c0_i32_0 : i32, i32
  }
  func.func @transform_6(%arg0: i32) -> (i32, i32) {
    %c0_i32 = arith.constant 0 : i32
    %c0_i32_0 = arith.constant 0 : i32
    %c0_i32_1 = arith.constant 0 : i32
    return %c0_i32, %c0_i32_0 : i32, i32
  }
  func.func @transform_7(%arg0: i32) -> (i32, i32) {
    %c0_i32 = arith.constant 0 : i32
    %c0_i32_0 = arith.constant 0 : i32
    %c0_i32_1 = arith.constant 0 : i32
    return %c0_i32, %c0_i32_0 : i32, i32
  }
  func.func @transform_8(%arg0: i32) -> (i32, i32) {
    %c0_i32 = arith.constant 0 : i32
    %c0_i32_0 = arith.constant 0 : i32
    return %arg0, %c0_i32 : i32, i32
  }
}

module attributes {stable_mosaic.version = 14 : i64} {
  func.func @_tc_final_body(%arg0: i32, %arg1: memref<2x400x128xf32, #tpu.memory_space<vmem>>, %arg2: memref<2x400x1xf32, #tpu.memory_space<vmem>>, %arg3: memref<400x128xf32, #tpu.memory_space<vmem>>, %arg4: memref<400x128xf32, #tpu.memory_space<vmem>>, %arg5: memref<400x128xf32, #tpu.memory_space<vmem>>, %arg6: memref<128x128xf32, #tpu.memory_space<vmem>>, %arg7: memref<1x128xf32, #tpu.memory_space<vmem>>, %arg8: memref<128x128xf32, #tpu.memory_space<vmem>>, %arg9: memref<1x128xf32, #tpu.memory_space<vmem>>, %arg10: memref<1x128xf32, #tpu.memory_space<vmem>>, %arg11: memref<512x128xf32, #tpu.memory_space<vmem>>, %arg12: memref<1x128xf32, #tpu.memory_space<vmem>>, %arg13: memref<400x128xf32, #tpu.memory_space<vmem>>) attributes {dimension_semantics = [#tpu.dimension_semantics<arbitrary>], iteration_bounds = array<i64: 25>, scalar_prefetch = 0 : i64, scratch_operands = 0 : i64, tpu.core_type = #tpu.core_type<tc>, window_params = [{transform_indices = @transform_0, window_bounds = array<i64: 2, 400, 128>}, {transform_indices = @transform_1, window_bounds = array<i64: 2, 400, 1>}, {transform_indices = @transform_2, window_bounds = array<i64: 400, 128>}, {transform_indices = @transform_3, window_bounds = array<i64: 400, 128>}, {transform_indices = @transform_4, window_bounds = array<i64: 400, 128>}, {pipeline_mode = #tpu.pipeline_mode<synchronous>, transform_indices = @transform_5, window_bounds = array<i64: 128, 128>}, {pipeline_mode = #tpu.pipeline_mode<synchronous>, transform_indices = @transform_6, window_bounds = array<i64: 1, 128>}, {pipeline_mode = #tpu.pipeline_mode<synchronous>, transform_indices = @transform_7, window_bounds = array<i64: 128, 128>}, {pipeline_mode = #tpu.pipeline_mode<synchronous>, transform_indices = @transform_8, window_bounds = array<i64: 1, 128>}, {pipeline_mode = #tpu.pipeline_mode<synchronous>, transform_indices = @transform_9, window_bounds = array<i64: 1, 128>}, {pipeline_mode = #tpu.pipeline_mode<synchronous>, transform_indices = @transform_10, window_bounds = array<i64: 512, 128>}, {pipeline_mode = #tpu.pipeline_mode<synchronous>, transform_indices = @transform_11, window_bounds = array<i64: 1, 128>}, {transform_indices = @transform_12, window_bounds = array<i64: 400, 128>}]} {
    %get3A = arith.constant 0 : index
    %get3A_0 = arith.constant 0 : index
    %get3A_1 = arith.constant 0 : index
    %get3A_2 = vector.load %arg1[%get3A, %get3A_0, %get3A_1] : memref<2x400x128xf32, #tpu.memory_space<vmem>>, vector<1x400x128xf32>
    %get3A_3 = vector.shape_cast %get3A_2 : vector<1x400x128xf32> to vector<400x128xf32>
    %get3A_4 = arith.constant 1 : index
    %get3A_5 = arith.constant 0 : index
    %get3A_6 = arith.constant 0 : index
    %get3A_7 = vector.load %arg1[%get3A_4, %get3A_5, %get3A_6] : memref<2x400x128xf32, #tpu.memory_space<vmem>>, vector<1x400x128xf32>
    %get3A_8 = vector.shape_cast %get3A_7 : vector<1x400x128xf32> to vector<400x128xf32>
    %add3A = arith.addf %get3A_3, %get3A_8 : vector<400x128xf32>
    %get3A_9 = arith.constant 0 : index
    %get3A_10 = arith.constant 0 : index
    %get3A_11 = arith.constant 0 : index
    %get3A_12 = vector.load %arg2[%get3A_9, %get3A_10, %get3A_11] : memref<2x400x1xf32, #tpu.memory_space<vmem>>, vector<1x400x1xf32>
    %get3A_13 = vector.shape_cast %get3A_12 : vector<1x400x1xf32> to vector<400x1xf32>
    %get3A_14 = arith.constant 1 : index
    %get3A_15 = arith.constant 0 : index
    %get3A_16 = arith.constant 0 : index
    %get3A_17 = vector.load %arg2[%get3A_14, %get3A_15, %get3A_16] : memref<2x400x1xf32, #tpu.memory_space<vmem>>, vector<1x400x1xf32>
    %get3A_18 = vector.shape_cast %get3A_17 : vector<1x400x1xf32> to vector<400x1xf32>
    %add3A_19 = arith.addf %get3A_13, %get3A_18 : vector<400x1xf32>
    %max3A = arith.constant 1.000000e+00 : f32
    %max3A_20 = vector.broadcast %max3A : f32 to vector<400x1xf32>
    %max3A_21 = arith.maximumf %add3A_19, %max3A_20 : vector<400x1xf32>
    %div3A = arith.constant 1.000000e+00 : f32
    %div3A_22 = vector.broadcast %div3A : f32 to vector<400x1xf32>
    %div3A_23 = arith.divf %div3A_22, %max3A_21 : vector<400x1xf32>
    %mul3A = vector.broadcast %div3A_23 : vector<400x1xf32> to vector<400x128xf32>
    %mul3A_24 = arith.mulf %add3A, %mul3A : vector<400x128xf32>
    %get3A_25 = arith.constant 0 : index
    %get3A_26 = arith.constant 0 : index
    %get3A_27 = vector.load %arg3[%get3A_25, %get3A_26] : memref<400x128xf32, #tpu.memory_space<vmem>>, vector<400x128xf32>
    %get3A_28 = arith.constant 0 : index
    %get3A_29 = arith.constant 0 : index
    %get3A_30 = vector.load %arg6[%get3A_28, %get3A_29] : memref<128x128xf32, #tpu.memory_space<vmem>>, vector<128x128xf32>
    %dot_general3A = arith.constant dense<0.000000e+00> : vector<400x128xf32>
    %dot_general3A_31 = tpu.matmul %mul3A_24, %get3A_30, %dot_general3A {dimension_numbers = #tpu.dot_dimension_numbers<[1], [0], [0], [1], [0, 0, 1, 1], [], []>, precision = #tpu.contract_precision<fp32>, transpose_lhs_hint = false} : vector<400x128xf32>, vector<128x128xf32>, vector<400x128xf32> -> vector<400x128xf32>
    %get3A_32 = arith.constant 0 : index
    %get3A_33 = arith.constant 0 : index
    %get3A_34 = vector.load %arg7[%get3A_32, %get3A_33] : memref<1x128xf32, #tpu.memory_space<vmem>>, vector<1x128xf32>
    %add3A_35 = vector.broadcast %get3A_34 : vector<1x128xf32> to vector<400x128xf32>
    %add3A_36 = arith.addf %dot_general3A_31, %add3A_35 : vector<400x128xf32>
    %get3A_37 = arith.constant 0 : index
    %get3A_38 = arith.constant 0 : index
    %get3A_39 = vector.load %arg8[%get3A_37, %get3A_38] : memref<128x128xf32, #tpu.memory_space<vmem>>, vector<128x128xf32>
    %dot_general3A_40 = arith.constant dense<0.000000e+00> : vector<400x128xf32>
    %dot_general3A_41 = tpu.matmul %get3A_27, %get3A_39, %dot_general3A_40 {dimension_numbers = #tpu.dot_dimension_numbers<[1], [0], [0], [1], [0, 0, 1, 1], [], []>, precision = #tpu.contract_precision<fp32>, transpose_lhs_hint = false} : vector<400x128xf32>, vector<128x128xf32>, vector<400x128xf32> -> vector<400x128xf32>
    %add3A_42 = arith.addf %add3A_36, %dot_general3A_41 : vector<400x128xf32>
    %reduce_sum3A = arith.constant dense<0.000000e+00> : vector<400xf32>
    %reduce_sum3A_43 = vector.multi_reduction <add>, %add3A_42, %reduce_sum3A [1] : vector<400x128xf32> to vector<400xf32>
    %broadcast_in_dim3A = vector.shape_cast %reduce_sum3A_43 : vector<400xf32> to vector<400x1xf32>
    %div3A_44 = arith.constant 1.280000e+02 : f32
    %div3A_45 = vector.broadcast %div3A_44 : f32 to vector<400x1xf32>
    %div3A_46 = arith.divf %broadcast_in_dim3A, %div3A_45 : vector<400x1xf32>
    %sub3A = vector.broadcast %div3A_46 : vector<400x1xf32> to vector<400x128xf32>
    %sub3A_47 = arith.subf %add3A_42, %sub3A : vector<400x128xf32>
    %integer_pow3A = arith.mulf %sub3A_47, %sub3A_47 : vector<400x128xf32>
    %reduce_sum3A_48 = arith.constant dense<0.000000e+00> : vector<400xf32>
    %reduce_sum3A_49 = vector.multi_reduction <add>, %integer_pow3A, %reduce_sum3A_48 [1] : vector<400x128xf32> to vector<400xf32>
    %broadcast_in_dim3A_50 = vector.shape_cast %reduce_sum3A_49 : vector<400xf32> to vector<400x1xf32>
    %div3A_51 = arith.constant 1.280000e+02 : f32
    %div3A_52 = vector.broadcast %div3A_51 : f32 to vector<400x1xf32>
    %div3A_53 = arith.divf %broadcast_in_dim3A_50, %div3A_52 : vector<400x1xf32>
    %sub3A_54 = vector.broadcast %div3A_46 : vector<400x1xf32> to vector<400x128xf32>
    %sub3A_55 = arith.subf %add3A_42, %sub3A_54 : vector<400x128xf32>
    %add3A_56 = arith.constant 9.99999974E-6 : f32
    %add3A_57 = vector.broadcast %add3A_56 : f32 to vector<400x1xf32>
    %add3A_58 = arith.addf %div3A_53, %add3A_57 : vector<400x1xf32>
    %sqrt3A = math.sqrt %add3A_58 : vector<400x1xf32>
    %div3A_59 = vector.broadcast %sqrt3A : vector<400x1xf32> to vector<400x128xf32>
    %div3A_60 = arith.divf %sub3A_55, %div3A_59 : vector<400x128xf32>
    %get3A_61 = arith.constant 0 : index
    %get3A_62 = arith.constant 0 : index
    %get3A_63 = vector.load %arg9[%get3A_61, %get3A_62] : memref<1x128xf32, #tpu.memory_space<vmem>>, vector<1x128xf32>
    %mul3A_64 = vector.broadcast %get3A_63 : vector<1x128xf32> to vector<400x128xf32>
    %mul3A_65 = arith.mulf %div3A_60, %mul3A_64 : vector<400x128xf32>
    %get3A_66 = arith.constant 0 : index
    %get3A_67 = arith.constant 0 : index
    %get3A_68 = vector.load %arg10[%get3A_66, %get3A_67] : memref<1x128xf32, #tpu.memory_space<vmem>>, vector<1x128xf32>
    %add3A_69 = vector.broadcast %get3A_68 : vector<1x128xf32> to vector<400x128xf32>
    %add3A_70 = arith.addf %mul3A_65, %add3A_69 : vector<400x128xf32>
    %max3A_71 = arith.constant 0.000000e+00 : f32
    %max3A_72 = vector.broadcast %max3A_71 : f32 to vector<400x128xf32>
    %max3A_73 = arith.maximumf %add3A_70, %max3A_72 : vector<400x128xf32>
    %add3A_74 = arith.addf %max3A_73, %get3A_27 : vector<400x128xf32>
    %get3A_75 = arith.constant 0 : index
    %get3A_76 = arith.constant 0 : index
    %get3A_77 = vector.load %arg11[%get3A_75, %get3A_76] : memref<512x128xf32, #tpu.memory_space<vmem>>, vector<512x128xf32>
    %get3A_78 = arith.constant 0 : index
    %get3A_79 = arith.constant 0 : index
    %get3A_80 = vector.load %arg12[%get3A_78, %get3A_79] : memref<1x128xf32, #tpu.memory_space<vmem>>, vector<1x128xf32>
    %get3A_81 = arith.constant 0 : index
    %get3A_82 = arith.constant 0 : index
    %get3A_83 = vector.load %arg5[%get3A_81, %get3A_82] : memref<400x128xf32, #tpu.memory_space<vmem>>, vector<400x128xf32>
    %get3A_84 = arith.constant 0 : index
    %get3A_85 = arith.constant 0 : index
    %get3A_86 = vector.load %arg4[%get3A_84, %get3A_85] : memref<400x128xf32, #tpu.memory_space<vmem>>, vector<400x128xf32>
    %slice3A = vector.extract_strided_slice %get3A_77 {offsets = [0, 0], sizes = [128, 128], strides = [1, 1]} : vector<512x128xf32> to vector<128x128xf32>
    %dot_general3A_87 = arith.constant dense<0.000000e+00> : vector<400x128xf32>
    %dot_general3A_88 = tpu.matmul %get3A_83, %slice3A, %dot_general3A_87 {dimension_numbers = #tpu.dot_dimension_numbers<[1], [0], [0], [1], [0, 0, 1, 1], [], []>, precision = #tpu.contract_precision<fp32>, transpose_lhs_hint = false} : vector<400x128xf32>, vector<128x128xf32>, vector<400x128xf32> -> vector<400x128xf32>
    %add3A_89 = vector.broadcast %get3A_80 : vector<1x128xf32> to vector<400x128xf32>
    %add3A_90 = arith.addf %add3A_89, %dot_general3A_88 : vector<400x128xf32>
    %slice3A_91 = vector.extract_strided_slice %get3A_77 {offsets = [128, 0], sizes = [128, 128], strides = [1, 1]} : vector<512x128xf32> to vector<128x128xf32>
    %dot_general3A_92 = arith.constant dense<0.000000e+00> : vector<400x128xf32>
    %dot_general3A_93 = tpu.matmul %get3A_86, %slice3A_91, %dot_general3A_92 {dimension_numbers = #tpu.dot_dimension_numbers<[1], [0], [0], [1], [0, 0, 1, 1], [], []>, precision = #tpu.contract_precision<fp32>, transpose_lhs_hint = false} : vector<400x128xf32>, vector<128x128xf32>, vector<400x128xf32> -> vector<400x128xf32>
    %add3A_94 = arith.addf %add3A_90, %dot_general3A_93 : vector<400x128xf32>
    %slice3A_95 = vector.extract_strided_slice %get3A_77 {offsets = [256, 0], sizes = [128, 128], strides = [1, 1]} : vector<512x128xf32> to vector<128x128xf32>
    %dot_general3A_96 = arith.constant dense<0.000000e+00> : vector<400x128xf32>
    %dot_general3A_97 = tpu.matmul %get3A_27, %slice3A_95, %dot_general3A_96 {dimension_numbers = #tpu.dot_dimension_numbers<[1], [0], [0], [1], [0, 0, 1, 1], [], []>, precision = #tpu.contract_precision<fp32>, transpose_lhs_hint = false} : vector<400x128xf32>, vector<128x128xf32>, vector<400x128xf32> -> vector<400x128xf32>
    %add3A_98 = arith.addf %add3A_94, %dot_general3A_97 : vector<400x128xf32>
    %slice3A_99 = vector.extract_strided_slice %get3A_77 {offsets = [384, 0], sizes = [128, 128], strides = [1, 1]} : vector<512x128xf32> to vector<128x128xf32>
    %dot_general3A_100 = arith.constant dense<0.000000e+00> : vector<400x128xf32>
    %dot_general3A_101 = tpu.matmul %add3A_74, %slice3A_99, %dot_general3A_100 {dimension_numbers = #tpu.dot_dimension_numbers<[1], [0], [0], [1], [0, 0, 1, 1], [], []>, precision = #tpu.contract_precision<fp32>, transpose_lhs_hint = false} : vector<400x128xf32>, vector<128x128xf32>, vector<400x128xf32> -> vector<400x128xf32>
    %add3A_102 = arith.addf %add3A_98, %dot_general3A_101 : vector<400x128xf32>
    %swap3A = arith.constant 0 : index
    %swap3A_103 = arith.constant 0 : index
    %swap3A_104 = vector.load %arg13[%swap3A, %swap3A_103] : memref<400x128xf32, #tpu.memory_space<vmem>>, vector<400x128xf32>
    tpu.vector_store %arg13[%swap3A, %swap3A_103], %add3A_102 {strides = array<i32>} : memref<400x128xf32, #tpu.memory_space<vmem>>, vector<400x128xf32>,
    return
  }
  func.func @transform_0(%arg0: i32) -> (i32, i32, i32) {
    %c0_i32 = arith.constant 0 : i32
    %c0_i32_0 = arith.constant 0 : i32
    %c0_i32_1 = arith.constant 0 : i32
    return %c0_i32, %arg0, %c0_i32_0 : i32, i32, i32
  }
  func.func @transform_1(%arg0: i32) -> (i32, i32, i32) {
    %c0_i32 = arith.constant 0 : i32
    %c0_i32_0 = arith.constant 0 : i32
    %c0_i32_1 = arith.constant 0 : i32
    return %c0_i32, %arg0, %c0_i32_0 : i32, i32, i32
  }
  func.func @transform_2(%arg0: i32) -> (i32, i32) {
    %c0_i32 = arith.constant 0 : i32
    %c0_i32_0 = arith.constant 0 : i32
    return %arg0, %c0_i32 : i32, i32
  }
  func.func @transform_3(%arg0: i32) -> (i32, i32) {
    %c0_i32 = arith.constant 0 : i32
    %c0_i32_0 = arith.constant 0 : i32
    return %arg0, %c0_i32 : i32, i32
  }
  func.func @transform_4(%arg0: i32) -> (i32, i32) {
    %c0_i32 = arith.constant 0 : i32
    %c0_i32_0 = arith.constant 0 : i32
    return %arg0, %c0_i32 : i32, i32
  }
  func.func @transform_5(%arg0: i32) -> (i32, i32) {
    %c0_i32 = arith.constant 0 : i32
    %c0_i32_0 = arith.constant 0 : i32
    %c0_i32_1 = arith.constant 0 : i32
    return %c0_i32, %c0_i32_0 : i32, i32
  }
  func.func @transform_6(%arg0: i32) -> (i32, i32) {
    %c0_i32 = arith.constant 0 : i32
    %c0_i32_0 = arith.constant 0 : i32
    %c0_i32_1 = arith.constant 0 : i32
    return %c0_i32, %c0_i32_0 : i32, i32
  }
  func.func @transform_7(%arg0: i32) -> (i32, i32) {
    %c0_i32 = arith.constant 0 : i32
    %c0_i32_0 = arith.constant 0 : i32
    %c0_i32_1 = arith.constant 0 : i32
    return %c0_i32, %c0_i32_0 : i32, i32
  }
  func.func @transform_8(%arg0: i32) -> (i32, i32) {
    %c0_i32 = arith.constant 0 : i32
    %c0_i32_0 = arith.constant 0 : i32
    %c0_i32_1 = arith.constant 0 : i32
    return %c0_i32, %c0_i32_0 : i32, i32
  }
  func.func @transform_9(%arg0: i32) -> (i32, i32) {
    %c0_i32 = arith.constant 0 : i32
    %c0_i32_0 = arith.constant 0 : i32
    %c0_i32_1 = arith.constant 0 : i32
    return %c0_i32, %c0_i32_0 : i32, i32
  }
  func.func @transform_10(%arg0: i32) -> (i32, i32) {
    %c0_i32 = arith.constant 0 : i32
    %c0_i32_0 = arith.constant 0 : i32
    %c0_i32_1 = arith.constant 0 : i32
    return %c0_i32, %c0_i32_0 : i32, i32
  }
  func.func @transform_11(%arg0: i32) -> (i32, i32) {
    %c0_i32 = arith.constant 0 : i32
    %c0_i32_0 = arith.constant 0 : i32
    %c0_i32_1 = arith.constant 0 : i32
    return %c0_i32, %c0_i32_0 : i32, i32
  }
  func.func @transform_12(%arg0: i32) -> (i32, i32) {
    %c0_i32 = arith.constant 0 : i32
    %c0_i32_0 = arith.constant 0 : i32
    return %arg0, %c0_i32 : i32, i32
  }
}

</mosaic_0001>

<sc_bundles>
// kernel: kernel.11.cloned.1.call-start
scs
__scs_entry_jumppad:
0x0: {  	(pc) =	sbr.rel $0x88, $3  }
0x1: {  	(tag) =	ssettag $0x0;
	lr =	simm.s32 $0x1  }
0x2: {  	[smem:$0x3F98] =	sst lr;
	_ =	strace $0xD0000000  }
0x3: {  	_ = 	snop  }
0x4: {  	_ = 	snop  }
0x5: {  	_ = 	snop  }
0x6: {  	_ = 	snop  }
0x7: {  	_ = 	snop  }
__scs_overlays_trampoline_lowered:
0x8: {  	[smem:$0x3FA7] =	sst s0  }
0x9: {  	[smem:$0x3FA8] =	sst s1  }
0xa: {  	[smem:$0x3FA9] =	sst s2  }
0xb: {  	[smem:$0x3FAA] =	sst s3  }
0xc: {  	[smem:$0x3FAB] =	sst s4  }
0xd: {  	[smem:$0x3FAC] =	sst s5  }
0xe: {  	[smem:$0x3FAD] =	sst s6  }
0xf: {  	[smem:$0x3FAE] =	sst s7  }
0x10: {  	[smem:$0x3FAF] =	sst s8  }
0x11: {  	[smem:$0x3FB0] =	sst s9;
	s0 =	simm.s32 @!p0 $0x0  }
0x12: {  	s1 =	sld [smem:$0x3F96];
	s0 =	simm.s32 @p0 $0x1  }
0x13: {  	[smem:$0x3FB1] =	sst s0;
	s0 =	simm.s32 @!p1 $0x0  }
0x14: {  	s2 =	sld [smem:$0x3F95];
	s0 =	simm.s32 @p1 $0x1  }
0x15: {  	[smem:$0x3FB2] =	sst s0;
	s0 =	simm.s32 @!p2 $0x0  }
0x16: {  	s3 =	sld [smem:$0x3FDB];
	s0 =	simm.s32 @p2 $0x1  }
0x17: {  	s4 =	simm.s32 $0x1BF5;
	[smem:$0x3FB4] =	sst s0  }
0x18: {  	s0 =	sld [smem:$0x3F97];
	_ =	swait.ge [sflag:s4], $0x0  }
0x19: {  	s7 =	sld [smem:$0x3F98]  }
0x1a: {  	s8 =	sadd.s32 $0xFFFFE003, lr  }
0x1b: {  	s9 =	sadd.s32 $0xFFFFFEF7, lr;
	s5 =	simm.s32 $0xFFFFFFFF;
	p2 =	slt.u32 s8, $0xFFFFF086  }
0x1c: {  	p1 =	slt.u32 s9, $0xF7A;
	s5 =	simm.s32 @!p2 $0x0  }
0x1d: {  	s5 =	simm.s32 @p1 $0x1;
	p0 =	seq.s32 s7, s2  }
0x1e: {  	s7 =	smul.u32 @!p0 $0xF7A, s2;
	p2 =	seq.s32 @!p0 s5, $0x0  }
0x1f: {  	s9 =	smul.u32 $0xF7A, s1;
	s8 =	simm.s32 @!p0 $0x1BF5;
	p2 =	por !p2, p0  }
0x20: {  	[sflag:s8] =	ssyncset.s32 @!p0 $0xFFFFF086;
	s6 =	sadd.s32 @!p0 s3, s7;
	s7 =	simm.s32 @!p0 $0x108  }
0x21: {  	s3 =	sadd.s32 s3, s9;
	s6 =	sadd.s32 @!p0 $0x88, s6;
	s7 =	simm.s32 @p2 $0x1082  }
0x22: {  	[simem:s7], [sflag:s8] =	dma.local @!p0 [hbm:s6], $0xF7A  }
0x23: {  	s9 =	sor.u32 $0xD0000000, s2;
	s6 =	simm.s32 $0x108;
	_ =	swait.ge @!p0 [sflag:s8], $0x0  }
0x24: {  	s3 =	sadd.s32 $0x88, s3;
	s6 =	simm.s32 @!p1 $0x1082;
	[sflag:s4] =	ssyncset.s32 $0xFFFFF086  }
0x25: {  	[simem:s6], [sflag:s4] =	dma.local [hbm:s3], $0xF7A  }
0x26: {  	[smem:$0x3F98] =	sst s1;
	(tag) =	ssettag s2;
	_ =	strace s9  }
0x27: {  	s1 =	sld [smem:$0x3FA8]  }
0x28: {  	s2 =	sld [smem:$0x3FA9]  }
0x29: {  	s4 =	sld [smem:$0x3FAB]  }
0x2a: {  	p0 =	seq.s32 s5, $0x0;
	s5 =	sld [smem:$0x3FAC]  }
0x2b: {  	s6 =	sld [smem:$0x3FAD]  }
0x2c: {  	s7 =	sld [smem:$0x3FAE]  }
0x2d: {  	s3 =	simm.s32 $0x108;
	s8 =	sld [smem:$0x3FAF]  }
0x2e: {  	s3 =	simm.s32 @!p0 $0x1082;
	s9 =	sld [smem:$0x3FB0]  }
0x2f: {  	lr =	sadd.s32 s0, s3;
	s0 =	sld [smem:$0x3FA7]  }
0x30: {  	s3 =	sld [smem:$0x3FAA]  }
0x31: {  	[smem:$0x3FB3] =	sst s10  }
0x32: {  	s10 =	sld [smem:$0x3FB1];
	_ =	sdelay $0x3  }
0x33: {  	p0 =	seq.s32 s10, $0x1;
	s10 =	sld [smem:$0x3FB3];
	_ =	sdelay $0x3  }
0x34: {  	[smem:$0x3FB3] =	sst s10  }
0x35: {  	s10 =	sld [smem:$0x3FB2];
	_ =	sdelay $0x3  }
0x36: {  	p1 =	seq.s32 s10, $0x1;
	s10 =	sld [smem:$0x3FB3];
	_ =	sdelay $0x3  }
0x37: {  	[smem:$0x3FB3] =	sst s10  }
0x38: {  	s10 =	sld [smem:$0x3FB4]  }
0x39: {  	_ = 	snop;
	(pc) =	sbr.ind lr, $3  }
0x3a: {  	_ = 	snop  }
0x3b: {  	_ = 	snop  }
0x3c: {  	p2 =	seq.s32 s10, $0x1;
	s10 =	sld [smem:$0x3FB3]  }
0x3d: {  	_ =	shalt  }
0x3e: {  	_ =	shalt  }
0x3f: {  	_ =	shalt  }
0x40: {  	_ =	shalt  }
0x41: {  	_ =	shalt  }
0x42: {  	_ =	shalt  }
0x43: {  	_ =	shalt  }
0x44: {  	_ =	shalt  }
0x45: {  	_ =	shalt  }
0x46: {  	_ =	shalt  }
0x47: {  	_ =	shalt  }
0x48: {  	_ =	shalt  }
0x49: {  	_ =	shalt  }
0x4a: {  	_ =	shalt  }
0x4b: {  	_ =	shalt  }
0x4c: {  	_ =	shalt  }
0x4d: {  	_ =	shalt  }
0x4e: {  	_ =	shalt  }
0x4f: {  	_ =	shalt  }
0x50: {  	_ =	shalt  }
0x51: {  	_ =	shalt  }
0x52: {  	_ =	shalt  }
0x53: {  	_ =	shalt  }
0x54: {  	_ =	shalt  }
0x55: {  	_ =	shalt  }
0x56: {  	_ =	shalt  }
0x57: {  	_ =	shalt  }
0x58: {  	_ =	shalt  }
0x59: {  	_ =	shalt  }
0x5a: {  	_ =	shalt  }
0x5b: {  	_ =	shalt  }
0x5c: {  	_ =	shalt  }
0x5d: {  	_ =	shalt  }
0x5e: {  	_ =	shalt  }
0x5f: {  	_ =	shalt  }
0x60: {  	_ =	shalt  }
0x61: {  	_ =	shalt  }
0x62: {  	_ =	shalt  }
0x63: {  	_ =	shalt  }
0x64: {  	_ =	shalt  }
0x65: {  	_ =	shalt  }
0x66: {  	_ =	shalt  }
0x67: {  	_ =	shalt  }
0x68: {  	_ =	shalt  }
0x69: {  	_ =	shalt  }
0x6a: {  	_ =	shalt  }
0x6b: {  	_ =	shalt  }
0x6c: {  	_ =	shalt  }
0x6d: {  	_ =	shalt  }
0x6e: {  	_ =	shalt  }
0x6f: {  	_ =	shalt  }
0x70: {  	_ =	shalt  }
0x71: {  	_ =	shalt  }
0x72: {  	_ =	shalt  }
0x73: {  	_ =	shalt  }
0x74: {  	_ =	shalt  }
0x75: {  	_ =	shalt  }
0x76: {  	_ =	shalt  }
0x77: {  	_ =	shalt  }
0x78: {  	_ =	shalt  }
0x79: {  	_ =	shalt  }
0x7a: {  	_ =	shalt  }
0x7b: {  	_ =	shalt  }
0x7c: {  	_ =	shalt  }
0x7d: {  	_ =	shalt  }
0x7e: {  	_ =	shalt  }
0x7f: {  	_ =	shalt  }
0x80: {  	_ =	shalt  }
0x81: {  	_ =	shalt  }
0x82: {  	_ =	shalt  }
0x83: {  	_ =	shalt  }
0x84: {  	_ =	shalt  }
0x85: {  	_ =	shalt  }
0x86: {  	_ =	shalt  }
0x87: {  	_ =	shalt  }
.Lfunc_end0:
.L_simem_size_0:
called_computation.1_lowered:
.L_overlay_start_0:
0x88: {  	s2 =	sld [smem:$0x3FD9]  }
0x89: {  	s3 =	sld [smem:$0x3FFE];
	_ =	sdelay $0x1  }
0x8a: {  	s1 =	srdreg.scid  }
0x8b: {  	s0 =	sand.u32 $0x1, s1  }
0x8c: {  	s17 =	sshll.u32 s0, $0xA;
	s2 =	sadd.s32 s3, s2  }
0x8d: {  	s2 =	sadd.s32 s2, s17  }
0x8e: {  	[smem:$0x3FBF] =	sst s2  }
0x8f: {  	_ = 	snop  }
0x90: {  	s2 =	sld [smem:$0x3FD0];
	(tm) =	ssettm $0x1  }
0x91: {  	s18 =	sld [smem:$0x3FFB];
	_ =	sdelay $0x3  }
0x92: {  	_ =	strace s18  }
0x93: {  	s3 =	sld [smem:$0x3FFC];
	_ =	sdelay $0x3  }
0x94: {  	_ =	strace s3  }
0x95: {  	s3 =	sld [smem:$0x3FFD];
	_ =	sdelay $0x3  }
0x96: {  	_ =	strace s3  }
0x97: {  	_ =	strace $0x8FFFFFFF  }
0x98: {  	s19 =	sld [smem:$0x3FDB];
	_ =	sdelay $0x1  }
0x99: {  	s4 =	simm.s32 $_scs_section_size  }
0x9a: {  	s5 =	simm.s32 $_size__tile_overlayer_lowered;
	s6 =	simm.s32 $_tile_overlayer_lowered  }
0x9b: {  	s22 =	simm.s32 $0x1BFF;
	s21 =	sshll.u32 s6, $0x1;
	s3 =	sadd.s32 s4, s19  }
0x9c: {  	s7 =	simm.s32 $0x0;
	s20 =	sshll.u32 s5, $0x1;
	s5 =	sadd.s32 s21, s3  }
0x9d: {  	[timem:s7], [sflag:s22] =	dma.local [hbm:s5], s20  }
0x9e: {  	_ =	swait.ge [sflag:s22], s20  }
0x9f: {  	s4 =	ssub.s32 $0x0, s20;
	[sflag:s22] =	ssyncset.done $0x0  }
0xa0: {  	[sflag:s22] =	ssyncadd.s32 s4;
	_ =	sdelay $0x1  }
0xa1: {  	s23 =	simm.s32 $0x1B8B  }
0xa2: {  	_ =	swait.ge [sflag:s23], $0x1  }
0xa3: {  	[sflag:s23] =	ssyncset.done $0x0  }
0xa4: {  	s25 =	simm.s32 $0x1B8E;
	s24 =	sld [smem:$0x3FFE];
	[sflag:s23] =	ssyncadd.s32 $0xFFFFFFFF  }
0xa5: {  	s26 =	simm.s32 $execute0_lowered;
	[smem:$0x3FD2] =	sst s25  }
0xa6: {  	s5 =	sshll.u32 s26, $0x1;
	_ =	strace $0x80000049;
	[dreg:$0x1] =	wrdreg $0xFFFFFFFF  }
0xa7: {  	s28 =	simm.s32 $_size_execute0_lowered;
	s3 =	sadd.s32 s3, s5;
	[dreg:$0x0] =	wrdreg $0x0  }
0xa8: {  	s5 =	sshll.u32 s28, $0x1;
	[dreg:$0x2] =	wrdreg s3  }
0xa9: {  	[dreg:$0x3] =	wrdreg s5  }
0xaa: {  	[dreg:$0x4] =	wrdreg $0xC0  }
0xab: {  	_ =	task [dreg:s7], $0x5FFFF  }
0xac: {  	[dreg:$0x1] =	wrdreg $0xFFFFFFFF  }
0xad: {  	[dreg:$0x0] =	wrdreg $0x60  }
0xae: {  	[dreg:$0x2] =	wrdreg s2  }
0xaf: {  	[dreg:$0x3] =	wrdreg s24  }
0xb0: {  	[dreg:$0x4] =	wrdreg $0x50000  }
0xb1: {  	[dreg:$0x5] =	wrdreg $0x9  }
0xb2: {  	_ =	task.clear_ibuf [dreg:s7], $0x6FFFF;
	_ =	strace $0x90000049  }
0xb3: {  	s29 =	simm.s32 $0x9;
	_ =	strace $0x8000004B  }
0xb4: {  	_ =	swait.ge [sflag:s29], $0x1  }
0xb5: {  	[sflag:s29] =	ssyncadd.s32 $0xFFFFFFFF  }
0xb6: {  	_ =	strace $0x9000004B  }
0xb7: {  	_ =	sfence  }
0xb8: {  	s30 =	sld [smem:$0x0];
	_ =	sdelay $0x2  }
0xb9: {  	s31 =	sshll.u32 s1, $0xD;
	s1 =	sshrl.u32 s1, $0x2  }
0xba: {  	s3 =	sand.u32 $0x4000, s31;
	s1 =	sadd.s32 s1, s30  }
0xbb: {  	s0 =	sor.u32 s3, s0;
	s1 =	sshll.u32 s1, $0x11  }
0xbc: {  	s0 =	sor.u32 s1, s0  }
0xbd: {  	s0 =	sadd.s32 $0x8F2B, s0  }
0xbe: {  	[sflag:s0] =	ssyncadd.remote.s32 $0x1  }
0xbf: {  	_ =	sfence.sel $0xFFFF  }
0xc0: {  	[dreg:$0x0] =	wrdreg $0xFFFFFFFF;
	(pc) =	sbr.abs _section_cstart, $3  }
0xc1: {  	[dreg:$0x1] =	wrdreg $0xFFFFFFFF  }
0xc2: {  	_ =	task.clear_ibuf [dreg:s7], $0x2FFFF;
	_ =	strace $0x9FFFFFFF  }
0xc3: {  	(tm) =	ssettm $0x7FFFFFFF  }
tec
execute0_lowered:
.L_overlay_start_1:
0x0: {  	(tag) =	ssettag $0x1  }
0x1: {  	s1 =	rddreg [dreg:$0x0]  }
0x2: {  	s8 =	rddreg [dreg:$0x1]  }
0x3: {  	s2 =	rddreg [dreg:$0x2]  }
0x4: {  	s0 =	rddreg [dreg:$0x3]  }
0x5: {  	s4 =	simm.s32 $0x0;
	s5 =	srdreg.scid;
	s3 =	stileid.u32  }
0x6: {  	s23 =	simm.s32 $0x80;
	s24 =	simm.s32 $0x1;
	s25 =	simm.s32 $0x0  }
0x7: {  	[smem:$0x7FF] =	sst s4;
	s10 =	sand.u32 $0x1, s5;
	s11 =	smul.u32 $0x50000, s3  }
0x8: {  	s5 =	sadd.s32 $0xD000, s8;
	s6 =	sadd.s32 $0x3000, s8;
	s13 =	smul.u32 $0x14000, s3  }
0x9: {  	s7 =	sadd.s32 $0x17000, s8;
	s18 =	sadd.s32 $0x17800, s8;
	_ =	strace $0x8000004A  }
0xa: {  	s9 =	ssub.s32 $0x2, s10;
	s28 =	sshll.u32 s10, $0x4;
	s20 =	smul.u32 $0x140000, s10  }
0xb: {  	s12 =	sshrl.u32 s9, $0x1;
	s29 =	sshrl.u32 s11, $0x2;
	s14 =	sadd.s32 $0x4000, s13  }
0xc: {  	s15 =	sor.u32 s3, s28;
	s16 =	sadd.s32 $0x8000, s13;
	s17 =	sadd.s32 $0xC000, s13  }
0xd: {  	s21 =	sadd.s32 $0x10000, s13;
	s19 =	ssub.s32 s9, s12;
	s8 =	sadd.s32 s29, s2  }
0xe: {  	s9 =	sadd.s32 s14, s2;
	s10 =	sadd.s32 s16, s2;
	s11 =	sadd.s32 s17, s2  }
0xf: {  	s12 =	sadd.s32 s21, s2;
	s22 =	sadd.s32 s13, s20;
	s14 =	sadd.s32 s20, s14  }
0x10: {  	s13 =	smul.u32 $0x2800, s15;
	s16 =	sadd.s32 s20, s16;
	s17 =	sadd.s32 s20, s17  }
0x11: {  	s20 =	sadd.s32 s20, s21;
	s21 =	simm.s32 $0x2;
	s30 =	sshrl.u32 s22, $0x3  }
0x12: {  	s31 =	sshrl.u32 s14, $0x3;
	s16 =	sshrl.u32 s16, $0x3;
	s17 =	sshrl.u32 s17, $0x3  }
0x13: {  	s20 =	sshrl.u32 s20, $0x3;
	s19 =	smax.u32 s19, $0x1;
	s22 =	simm.s32 $0x800  }
0x14: {  	s14 =	sadd.s32 s18, s30;
	s15 =	sadd.s32 s18, s31;
	s16 =	sadd.s32 s18, s16  }
0x15: {  	s17 =	sadd.s32 s18, s17;
	s18 =	sadd.s32 s18, s20;
	s20 =	simm.s32 $0x1000  }
.LBB2_1:
0x16: {  	[tilespmem:s20], [sflag:$0x2] =	stream.linear.gather [hbm4b:s7+s4], $0x4000, $0x38;
	[tilespmem:$0x19000] =	vst v63  }
0x17: {  	_ =	swait.ge [sflag:s21], $0x4000  }
0x18: {  	[sflag:s21] =	ssyncset.done $0x0  }
0x19: {  	[sflag:s21] =	ssyncadd.s32 $0xFFFFC000  }
0x1a: {  	[spmem:s8] =	stream.linear.scatter [tilespmem:s20], [sflag:$0x2], $0x4000, $0x38;
	[tilespmem:$0x19000] =	vst v63  }
0x1b: {  	_ =	swait.ge [sflag:s21], $0x4000  }
0x1c: {  	[sflag:s21] =	ssyncset.done $0x0  }
0x1d: {  	[sflag:s21] =	ssyncadd.s32 $0xFFFFC000  }
0x1e: {  	[spmem:s9] =	stream.linear.scatter [tilespmem:s20], [sflag:$0x2], $0x4000, $0x38;
	[tilespmem:$0x19000] =	vst v63  }
0x1f: {  	_ =	swait.ge [sflag:s21], $0x4000  }
0x20: {  	[sflag:s21] =	ssyncset.done $0x0  }
0x21: {  	[sflag:s21] =	ssyncadd.s32 $0xFFFFC000  }
0x22: {  	[spmem:s10] =	stream.linear.scatter [tilespmem:s20], [sflag:$0x2], $0x4000, $0x38;
	[tilespmem:$0x19000] =	vst v63  }
0x23: {  	_ =	swait.ge [sflag:s21], $0x4000  }
0x24: {  	[sflag:s21] =	ssyncset.done $0x0  }
0x25: {  	[sflag:s21] =	ssyncadd.s32 $0xFFFFC000  }
0x26: {  	[spmem:s11] =	stream.linear.scatter [tilespmem:s20], [sflag:$0x2], $0x4000, $0x38;
	[tilespmem:$0x19000] =	vst v63  }
0x27: {  	_ =	swait.ge [sflag:s21], $0x4000  }
0x28: {  	[sflag:s21] =	ssyncset.done $0x0  }
0x29: {  	[sflag:s21] =	ssyncadd.s32 $0xFFFFC000  }
0x2a: {  	[spmem:s12] =	stream.linear.scatter [tilespmem:s20], [sflag:$0x2], $0x4000, $0x38;
	[tilespmem:$0x19000] =	vst v63  }
0x2b: {  	_ =	swait.ge [sflag:s21], $0x4000  }
0x2c: {  	[sflag:s21] =	ssyncset.done $0x0  }
0x2d: {  	[sflag:s21] =	ssyncadd.s32 $0xFFFFC000  }
0x2e: {  	s26 =	simm.s32 $0x0;
	[bflag:$0x0] =	sbarrier.arrive $0xFFFF  }
.LBB2_2:
0x2f: {  	s28 =	sshll.u32 s26, $0xB  }
0x30: {  	s28 =	sadd.s32 s13, s28  }
0x31: {  	s28 =	sshrl.u32 s28, $0x3  }
0x32: {  	s30 =	simm.s32 $0x0;
	s29 =	sadd.s32 s5, s28  }
0x33: {  	[tilespmem:s30], [sflag:$0x2] =	stream.linear.gather [hbm4b:s29+s30], $0x800, $0x38;
	[tilespmem:$0x19000] =	vst v63  }
0x34: {  	_ =	swait.ge [sflag:s21], $0x800  }
0x35: {  	[sflag:s21] =	ssyncset.done $0x0  }
0x36: {  	s28 =	sadd.s32 s6, s28;
	[sflag:s21] =	ssyncadd.s32 $0xFFFFF800  }
0x37: {  	[tilespmem:s22], [sflag:$0x2] =	stream.linear.gather [hbm4b:s28+s30], $0x800, $0x38;
	[tilespmem:$0x19000] =	vst v63  }
0x38: {  	_ =	swait.ge [sflag:s21], $0x800  }
0x39: {  	[sflag:s21] =	ssyncset.done $0x0  }
0x3a: {  	s28 =	simm.s32 $0x0;
	[sflag:s21] =	ssyncadd.s32 $0xFFFFF800  }
0x3b: {  	[tilespmem:s20], [sflag:$0x1] =	stream.indirect.gather [hbm4b:s1+s23], $0x80, s28, s23, $0xb8;
	[tilespmem:$0x19000] =	vst v63  }
0x3c: {  	_ =	swait.ge [sflag:s24], $0x4000  }
0x3d: {  	[sflag:s24] =	ssyncset.done $0x0  }
0x3e: {  	s28 =	simm.s32 $0x800;
	[sflag:s24] =	ssyncadd.s32 $0xFFFFC000  }
0x3f: {  	[spmem:s2] =	stream.indirect.scatter.add.f32 [tilespmem:s20], [sflag:$0x2], $0x80, s28, s23, $0xb8;
	[tilespmem:$0x19000] =	vst v63  }
0x40: {  	_ =	swait.ge [sflag:s21], $0x4000  }
0x41: {  	s29 =	simm.s32 $0x400;
	s28 =	simm.s32 $0x200;
	[sflag:s21] =	ssyncset.done $0x0  }
.LBB2_3:
0x42: {  	s30 =	sshra.s32 s28, $0x2  }
0x43: {  	[sflag:s21] =	ssyncadd.s32 $0xFFFFC000;
	s28 =	smov.u32 s29;
	s31 =	sadd.s32 $0x200, s29  }
0x44: {  	[tilespmem:s20], [sflag:$0x1] =	stream.indirect.gather [hbm4b:s1+s23], $0x80, s30, s23, $0xb8;
	[tilespmem:$0x19000] =	vst v63  }
0x45: {  	p0 =	sne.s32 s29, $0x1E00;
	_ =	swait.ge [sflag:s24], $0x4000  }
.Ltmp0:
0x46: {  	[sflag:s24] =	ssyncset.done $0x0;
	(pc) =	sbr.rel @p0 .LBB2_3-.Ltmp0, $4  }
0x47: {  	s29 =	sadd.s32 $0x800, s30;
	[sflag:s24] =	ssyncadd.s32 $0xFFFFC000  }
0x48: {  	[spmem:s2] =	stream.indirect.scatter.add.f32 [tilespmem:s20], [sflag:$0x2], $0x80, s29, s23, $0xb8;
	[tilespmem:$0x19000] =	vst v63  }
0x49: {  	_ =	swait.ge [sflag:s21], $0x4000  }
0x4a: {  	s29 =	smov.u32 s31;
	[sflag:s21] =	ssyncset.done $0x0  }
0x4b: {  	s28 =	sshra.s32 s28, $0x2;
	[sflag:s21] =	ssyncadd.s32 $0xFFFFC000  }
0x4c: {  	[tilespmem:s20], [sflag:$0x1] =	stream.indirect.gather [hbm4b:s1+s23], $0x80, s28, s23, $0xb8;
	[tilespmem:$0x19000] =	vst v63  }
0x4d: {  	s26 =	sadd.s32 $0x1, s26;
	_ =	swait.ge [sflag:s24], $0x4000  }
0x4e: {  	p0 =	sne.s32 s26, $0x5;
	[sflag:s24] =	ssyncset.done $0x0  }
.Ltmp1:
0x4f: {  	s28 =	sadd.s32 $0x800, s28;
	[sflag:s24] =	ssyncadd.s32 $0xFFFFC000;
	(pc) =	sbr.rel @p0 .LBB2_2-.Ltmp1, $4  }
0x50: {  	[spmem:s2] =	stream.indirect.scatter.add.f32 [tilespmem:s20], [sflag:$0x2], $0x80, s28, s23, $0xb8;
	[tilespmem:$0x19000] =	vst v63  }
0x51: {  	_ =	swait.ge [sflag:s21], $0x4000  }
0x52: {  	[sflag:s21] =	ssyncset.done $0x0  }
0x53: {  	[sflag:s21] =	ssyncadd.s32 $0xFFFFC000  }
0x54: {  	[bflag:$0x0] =	sbarrier.arrive $0xFFFF  }
0x55: {  	[tilespmem:s20], [sflag:$0x2] =	stream.linear.gather [spmem:s8], $0x4000, $0x38;
	[tilespmem:$0x19000] =	vst v63  }
0x56: {  	_ =	swait.ge [sflag:s21], $0x4000  }
0x57: {  	[sflag:s21] =	ssyncset.done $0x0  }
0x58: {  	[sflag:s21] =	ssyncadd.s32 $0xFFFFC000  }
0x59: {  	[hbm4b:s14+s4] =	stream.linear.scatter [tilespmem:s20], [sflag:$0x2], $0x4000, $0x38;
	[tilespmem:$0x19000] =	vst v63  }
0x5a: {  	_ =	swait.ge [sflag:s21], $0x4000  }
0x5b: {  	[sflag:s21] =	ssyncset.done $0x0  }
0x5c: {  	[sflag:s21] =	ssyncadd.s32 $0xFFFFC000  }
0x5d: {  	[tilespmem:s20], [sflag:$0x2] =	stream.linear.gather [spmem:s9], $0x4000, $0x38;
	[tilespmem:$0x19000] =	vst v63  }
0x5e: {  	_ =	swait.ge [sflag:s21], $0x4000  }
0x5f: {  	[sflag:s21] =	ssyncset.done $0x0  }
0x60: {  	[sflag:s21] =	ssyncadd.s32 $0xFFFFC000  }
0x61: {  	[hbm4b:s15+s4] =	stream.linear.scatter [tilespmem:s20], [sflag:$0x2], $0x4000, $0x38;
	[tilespmem:$0x19000] =	vst v63  }
0x62: {  	_ =	swait.ge [sflag:s21], $0x4000  }
0x63: {  	[sflag:s21] =	ssyncset.done $0x0  }
0x64: {  	[sflag:s21] =	ssyncadd.s32 $0xFFFFC000  }
0x65: {  	[tilespmem:s20], [sflag:$0x2] =	stream.linear.gather [spmem:s10], $0x4000, $0x38;
	[tilespmem:$0x19000] =	vst v63  }
0x66: {  	_ =	swait.ge [sflag:s21], $0x4000  }
0x67: {  	[sflag:s21] =	ssyncset.done $0x0  }
0x68: {  	[sflag:s21] =	ssyncadd.s32 $0xFFFFC000  }
0x69: {  	[hbm4b:s16+s4] =	stream.linear.scatter [tilespmem:s20], [sflag:$0x2], $0x4000, $0x38;
	[tilespmem:$0x19000] =	vst v63  }
0x6a: {  	_ =	swait.ge [sflag:s21], $0x4000  }
0x6b: {  	[sflag:s21] =	ssyncset.done $0x0  }
0x6c: {  	[sflag:s21] =	ssyncadd.s32 $0xFFFFC000  }
0x6d: {  	[tilespmem:s20], [sflag:$0x2] =	stream.linear.gather [spmem:s11], $0x4000, $0x38;
	[tilespmem:$0x19000] =	vst v63  }
0x6e: {  	_ =	swait.ge [sflag:s21], $0x4000  }
0x6f: {  	[sflag:s21] =	ssyncset.done $0x0  }
0x70: {  	[sflag:s21] =	ssyncadd.s32 $0xFFFFC000  }
0x71: {  	[hbm4b:s17+s4] =	stream.linear.scatter [tilespmem:s20], [sflag:$0x2], $0x4000, $0x38;
	[tilespmem:$0x19000] =	vst v63  }
0x72: {  	_ =	swait.ge [sflag:s21], $0x4000  }
0x73: {  	[sflag:s21] =	ssyncset.done $0x0  }
0x74: {  	[sflag:s21] =	ssyncadd.s32 $0xFFFFC000  }
0x75: {  	[tilespmem:s20], [sflag:$0x2] =	stream.linear.gather [spmem:s12], $0x4000, $0x38;
	[tilespmem:$0x19000] =	vst v63  }
0x76: {  	s25 =	sadd.s32 $0x1, s25;
	_ =	swait.ge [sflag:s21], $0x4000  }
0x77: {  	p0 =	sne.s32 s25, s19;
	[sflag:s21] =	ssyncset.done $0x0  }
.Ltmp2:
0x78: {  	[sflag:s21] =	ssyncadd.s32 $0xFFFFC000;
	(pc) =	sbr.rel @p0 .LBB2_1-.Ltmp2, $4  }
0x79: {  	[hbm4b:s18+s4] =	stream.linear.scatter [tilespmem:s20], [sflag:$0x2], $0x4000, $0x38;
	[tilespmem:$0x19000] =	vst v63  }
0x7a: {  	_ =	swait.ge [sflag:s21], $0x4000  }
0x7b: {  	[sflag:s21] =	ssyncset.done $0x0  }
0x7c: {  	[sflag:s21] =	ssyncadd.s32 $0xFFFFC000  }
0x7d: {  	_ =	sfence.sel $0x180000  }
0x7e: {  	[bflag:$0x0] =	sbarrier.arrive $0xFFFF  }
0x7f: {  	p0 =	sne.s32 s3, $0x0;
	_ =	strace $0x9000004A  }
0x80: {  	s0 =	sadd.s32 @!p0 $0x100000, s0;
	[bflag:$0x2] =	sbarrier.arrive $0xFFFF  }
0x81: {  	[sflag:s0] =	ssyncadd.tile.s32 @!p0 $0x1;
	_ =	shalt  }
.Lfunc_end2:
_tile_overlayer_lowered:
.L_overlay_start_2:
0x82: {  	(tag) =	ssettag $0x2  }
0x83: {  	s0 =	rddreg [dreg:$0x0];
	s2 =	stileid.u32  }
0x84: {  	s1 =	rddreg [dreg:$0x1];
	p0 =	sne.s32 s2, $0x0  }
0x85: {  	s3 =	rddreg [dreg:$0x2];
	[bflag:$0x3] =	sbarrier.arrive $0xFFFF;
	s2 =	simm.s32 @!p0 $0x1C02  }
0x86: {  	[timem:s3], [sflag:s2] =	dma.local @!p0 [hbm:s0], s1  }
0x87: {  	s0 =	simm.s32 @!p0 $0x2  }
0x88: {  	_ =	swait.ge @!p0 [sflag:s0], s1  }
0x89: {  	s1 =	ssub.s32 @!p0 $0x0, s1;
	[sflag:s0] =	ssyncset.done @!p0 $0x0  }
0x8a: {  	[sflag:s0] =	ssyncadd.s32 @!p0 s1  }
0x8b: {  	[bflag:$0x3] =	sbarrier.arrive $0xFFFF  }
0x8c: {  	_ =	shalt  }

// kernel: kernel.14.cloned.1.call-start
scs
__scs_entry_jumppad:
0x0: {  	(pc) =	sbr.rel $0x88, $3  }
0x1: {  	(tag) =	ssettag $0x0;
	lr =	simm.s32 $0x1  }
0x2: {  	[smem:$0x3F98] =	sst lr;
	_ =	strace $0xD0000000  }
0x3: {  	_ = 	snop  }
0x4: {  	_ = 	snop  }
0x5: {  	_ = 	snop  }
0x6: {  	_ = 	snop  }
0x7: {  	_ = 	snop  }
__scs_overlays_trampoline_lowered:
0x8: {  	[smem:$0x3FA7] =	sst s0  }
0x9: {  	[smem:$0x3FA8] =	sst s1  }
0xa: {  	[smem:$0x3FA9] =	sst s2  }
0xb: {  	[smem:$0x3FAA] =	sst s3  }
0xc: {  	[smem:$0x3FAB] =	sst s4  }
0xd: {  	[smem:$0x3FAC] =	sst s5  }
0xe: {  	[smem:$0x3FAD] =	sst s6  }
0xf: {  	[smem:$0x3FAE] =	sst s7  }
0x10: {  	[smem:$0x3FAF] =	sst s8  }
0x11: {  	[smem:$0x3FB0] =	sst s9;
	s0 =	simm.s32 @!p0 $0x0  }
0x12: {  	s1 =	sld [smem:$0x3F96];
	s0 =	simm.s32 @p0 $0x1  }
0x13: {  	[smem:$0x3FB1] =	sst s0;
	s0 =	simm.s32 @!p1 $0x0  }
0x14: {  	s2 =	sld [smem:$0x3F95];
	s0 =	simm.s32 @p1 $0x1  }
0x15: {  	[smem:$0x3FB2] =	sst s0;
	s0 =	simm.s32 @!p2 $0x0  }
0x16: {  	s3 =	sld [smem:$0x3FDB];
	s0 =	simm.s32 @p2 $0x1  }
0x17: {  	s4 =	simm.s32 $0x1BF5;
	[smem:$0x3FB4] =	sst s0  }
0x18: {  	s0 =	sld [smem:$0x3F97];
	_ =	swait.ge [sflag:s4], $0x0  }
0x19: {  	s7 =	sld [smem:$0x3F98]  }
0x1a: {  	s8 =	sadd.s32 $0xFFFFE003, lr  }
0x1b: {  	s9 =	sadd.s32 $0xFFFFFEF7, lr;
	s5 =	simm.s32 $0xFFFFFFFF;
	p2 =	slt.u32 s8, $0xFFFFF086  }
0x1c: {  	p1 =	slt.u32 s9, $0xF7A;
	s5 =	simm.s32 @!p2 $0x0  }
0x1d: {  	s5 =	simm.s32 @p1 $0x1;
	p0 =	seq.s32 s7, s2  }
0x1e: {  	s7 =	smul.u32 @!p0 $0xF7A, s2;
	p2 =	seq.s32 @!p0 s5, $0x0  }
0x1f: {  	s9 =	smul.u32 $0xF7A, s1;
	s8 =	simm.s32 @!p0 $0x1BF5;
	p2 =	por !p2, p0  }
0x20: {  	[sflag:s8] =	ssyncset.s32 @!p0 $0xFFFFF086;
	s6 =	sadd.s32 @!p0 s3, s7;
	s7 =	simm.s32 @!p0 $0x108  }
0x21: {  	s3 =	sadd.s32 s3, s9;
	s6 =	sadd.s32 @!p0 $0x88, s6;
	s7 =	simm.s32 @p2 $0x1082  }
0x22: {  	[simem:s7], [sflag:s8] =	dma.local @!p0 [hbm:s6], $0xF7A  }
0x23: {  	s9 =	sor.u32 $0xD0000000, s2;
	s6 =	simm.s32 $0x108;
	_ =	swait.ge @!p0 [sflag:s8], $0x0  }
0x24: {  	s3 =	sadd.s32 $0x88, s3;
	s6 =	simm.s32 @!p1 $0x1082;
	[sflag:s4] =	ssyncset.s32 $0xFFFFF086  }
0x25: {  	[simem:s6], [sflag:s4] =	dma.local [hbm:s3], $0xF7A  }
0x26: {  	[smem:$0x3F98] =	sst s1;
	(tag) =	ssettag s2;
	_ =	strace s9  }
0x27: {  	s1 =	sld [smem:$0x3FA8]  }
0x28: {  	s2 =	sld [smem:$0x3FA9]  }
0x29: {  	s4 =	sld [smem:$0x3FAB]  }
0x2a: {  	p0 =	seq.s32 s5, $0x0;
	s5 =	sld [smem:$0x3FAC]  }
0x2b: {  	s6 =	sld [smem:$0x3FAD]  }
0x2c: {  	s7 =	sld [smem:$0x3FAE]  }
0x2d: {  	s3 =	simm.s32 $0x108;
	s8 =	sld [smem:$0x3FAF]  }
0x2e: {  	s3 =	simm.s32 @!p0 $0x1082;
	s9 =	sld [smem:$0x3FB0]  }
0x2f: {  	lr =	sadd.s32 s0, s3;
	s0 =	sld [smem:$0x3FA7]  }
0x30: {  	s3 =	sld [smem:$0x3FAA]  }
0x31: {  	[smem:$0x3FB3] =	sst s10  }
0x32: {  	s10 =	sld [smem:$0x3FB1];
	_ =	sdelay $0x3  }
0x33: {  	p0 =	seq.s32 s10, $0x1;
	s10 =	sld [smem:$0x3FB3];
	_ =	sdelay $0x3  }
0x34: {  	[smem:$0x3FB3] =	sst s10  }
0x35: {  	s10 =	sld [smem:$0x3FB2];
	_ =	sdelay $0x3  }
0x36: {  	p1 =	seq.s32 s10, $0x1;
	s10 =	sld [smem:$0x3FB3];
	_ =	sdelay $0x3  }
0x37: {  	[smem:$0x3FB3] =	sst s10  }
0x38: {  	s10 =	sld [smem:$0x3FB4]  }
0x39: {  	_ = 	snop;
	(pc) =	sbr.ind lr, $3  }
0x3a: {  	_ = 	snop  }
0x3b: {  	_ = 	snop  }
0x3c: {  	p2 =	seq.s32 s10, $0x1;
	s10 =	sld [smem:$0x3FB3]  }
0x3d: {  	_ =	shalt  }
0x3e: {  	_ =	shalt  }
0x3f: {  	_ =	shalt  }
0x40: {  	_ =	shalt  }
0x41: {  	_ =	shalt  }
0x42: {  	_ =	shalt  }
0x43: {  	_ =	shalt  }
0x44: {  	_ =	shalt  }
0x45: {  	_ =	shalt  }
0x46: {  	_ =	shalt  }
0x47: {  	_ =	shalt  }
0x48: {  	_ =	shalt  }
0x49: {  	_ =	shalt  }
0x4a: {  	_ =	shalt  }
0x4b: {  	_ =	shalt  }
0x4c: {  	_ =	shalt  }
0x4d: {  	_ =	shalt  }
0x4e: {  	_ =	shalt  }
0x4f: {  	_ =	shalt  }
0x50: {  	_ =	shalt  }
0x51: {  	_ =	shalt  }
0x52: {  	_ =	shalt  }
0x53: {  	_ =	shalt  }
0x54: {  	_ =	shalt  }
0x55: {  	_ =	shalt  }
0x56: {  	_ =	shalt  }
0x57: {  	_ =	shalt  }
0x58: {  	_ =	shalt  }
0x59: {  	_ =	shalt  }
0x5a: {  	_ =	shalt  }
0x5b: {  	_ =	shalt  }
0x5c: {  	_ =	shalt  }
0x5d: {  	_ =	shalt  }
0x5e: {  	_ =	shalt  }
0x5f: {  	_ =	shalt  }
0x60: {  	_ =	shalt  }
0x61: {  	_ =	shalt  }
0x62: {  	_ =	shalt  }
0x63: {  	_ =	shalt  }
0x64: {  	_ =	shalt  }
0x65: {  	_ =	shalt  }
0x66: {  	_ =	shalt  }
0x67: {  	_ =	shalt  }
0x68: {  	_ =	shalt  }
0x69: {  	_ =	shalt  }
0x6a: {  	_ =	shalt  }
0x6b: {  	_ =	shalt  }
0x6c: {  	_ =	shalt  }
0x6d: {  	_ =	shalt  }
0x6e: {  	_ =	shalt  }
0x6f: {  	_ =	shalt  }
0x70: {  	_ =	shalt  }
0x71: {  	_ =	shalt  }
0x72: {  	_ =	shalt  }
0x73: {  	_ =	shalt  }
0x74: {  	_ =	shalt  }
0x75: {  	_ =	shalt  }
0x76: {  	_ =	shalt  }
0x77: {  	_ =	shalt  }
0x78: {  	_ =	shalt  }
0x79: {  	_ =	shalt  }
0x7a: {  	_ =	shalt  }
0x7b: {  	_ =	shalt  }
0x7c: {  	_ =	shalt  }
0x7d: {  	_ =	shalt  }
0x7e: {  	_ =	shalt  }
0x7f: {  	_ =	shalt  }
0x80: {  	_ =	shalt  }
0x81: {  	_ =	shalt  }
0x82: {  	_ =	shalt  }
0x83: {  	_ =	shalt  }
0x84: {  	_ =	shalt  }
0x85: {  	_ =	shalt  }
0x86: {  	_ =	shalt  }
0x87: {  	_ =	shalt  }
.Lfunc_end0:
.L_simem_size_0:
called_computation.2_lowered:
.L_overlay_start_0:
0x88: {  	s2 =	sld [smem:$0x3FD9]  }
0x89: {  	s3 =	sld [smem:$0x3FFE];
	_ =	sdelay $0x1  }
0x8a: {  	s1 =	srdreg.scid  }
0x8b: {  	s0 =	sand.u32 $0x1, s1  }
0x8c: {  	s17 =	sshll.u32 s0, $0xA;
	s2 =	sadd.s32 s3, s2  }
0x8d: {  	s2 =	sadd.s32 s2, s17  }
0x8e: {  	[smem:$0x3FBF] =	sst s2  }
0x8f: {  	_ = 	snop  }
0x90: {  	s2 =	sld [smem:$0x3FD0];
	(tm) =	ssettm $0x1  }
0x91: {  	s18 =	sld [smem:$0x3FFB];
	_ =	sdelay $0x3  }
0x92: {  	_ =	strace s18  }
0x93: {  	s3 =	sld [smem:$0x3FFC];
	_ =	sdelay $0x3  }
0x94: {  	_ =	strace s3  }
0x95: {  	s3 =	sld [smem:$0x3FFD];
	_ =	sdelay $0x3  }
0x96: {  	_ =	strace s3  }
0x97: {  	_ =	strace $0x8FFFFFFF  }
0x98: {  	s19 =	sld [smem:$0x3FDB];
	_ =	sdelay $0x1  }
0x99: {  	s4 =	simm.s32 $_scs_section_size  }
0x9a: {  	s5 =	simm.s32 $_size__tile_overlayer_lowered;
	s6 =	simm.s32 $_tile_overlayer_lowered  }
0x9b: {  	s22 =	simm.s32 $0x1BFF;
	s21 =	sshll.u32 s6, $0x1;
	s3 =	sadd.s32 s4, s19  }
0x9c: {  	s7 =	simm.s32 $0x0;
	s20 =	sshll.u32 s5, $0x1;
	s5 =	sadd.s32 s21, s3  }
0x9d: {  	[timem:s7], [sflag:s22] =	dma.local [hbm:s5], s20  }
0x9e: {  	_ =	swait.ge [sflag:s22], s20  }
0x9f: {  	s4 =	ssub.s32 $0x0, s20;
	[sflag:s22] =	ssyncset.done $0x0  }
0xa0: {  	[sflag:s22] =	ssyncadd.s32 s4;
	_ =	sdelay $0x1  }
0xa1: {  	s23 =	simm.s32 $0x1B8B  }
0xa2: {  	_ =	swait.ge [sflag:s23], $0x1  }
0xa3: {  	[sflag:s23] =	ssyncset.done $0x0  }
0xa4: {  	s25 =	simm.s32 $0x1B8E;
	s24 =	sld [smem:$0x3FFE];
	[sflag:s23] =	ssyncadd.s32 $0xFFFFFFFF  }
0xa5: {  	s26 =	simm.s32 $execute0_lowered;
	[smem:$0x3FD2] =	sst s25  }
0xa6: {  	s5 =	sshll.u32 s26, $0x1;
	_ =	strace $0x8000004C;
	[dreg:$0x1] =	wrdreg $0xFFFFFFFF  }
0xa7: {  	s28 =	simm.s32 $_size_execute0_lowered;
	s3 =	sadd.s32 s3, s5;
	[dreg:$0x0] =	wrdreg $0x0  }
0xa8: {  	s5 =	sshll.u32 s28, $0x1;
	[dreg:$0x2] =	wrdreg s3  }
0xa9: {  	[dreg:$0x3] =	wrdreg s5  }
0xaa: {  	[dreg:$0x4] =	wrdreg $0xC0  }
0xab: {  	_ =	task [dreg:s7], $0x5FFFF  }
0xac: {  	[dreg:$0x1] =	wrdreg $0xFFFFFFFF  }
0xad: {  	[dreg:$0x0] =	wrdreg $0x60  }
0xae: {  	[dreg:$0x2] =	wrdreg s2  }
0xaf: {  	[dreg:$0x3] =	wrdreg s24  }
0xb0: {  	[dreg:$0x4] =	wrdreg $0x50000  }
0xb1: {  	[dreg:$0x5] =	wrdreg $0x9  }
0xb2: {  	_ =	task.clear_ibuf [dreg:s7], $0x6FFFF;
	_ =	strace $0x9000004C  }
0xb3: {  	s29 =	simm.s32 $0x9;
	_ =	strace $0x8000004E  }
0xb4: {  	_ =	swait.ge [sflag:s29], $0x1  }
0xb5: {  	[sflag:s29] =	ssyncadd.s32 $0xFFFFFFFF  }
0xb6: {  	_ =	strace $0x9000004E  }
0xb7: {  	_ =	sfence  }
0xb8: {  	s30 =	sld [smem:$0x0];
	_ =	sdelay $0x2  }
0xb9: {  	s31 =	sshll.u32 s1, $0xD;
	s1 =	sshrl.u32 s1, $0x2  }
0xba: {  	s3 =	sand.u32 $0x4000, s31;
	s1 =	sadd.s32 s1, s30  }
0xbb: {  	s0 =	sor.u32 s3, s0;
	s1 =	sshll.u32 s1, $0x11  }
0xbc: {  	s0 =	sor.u32 s1, s0  }
0xbd: {  	s0 =	sadd.s32 $0x8F2B, s0  }
0xbe: {  	[sflag:s0] =	ssyncadd.remote.s32 $0x1  }
0xbf: {  	_ =	sfence.sel $0xFFFF  }
0xc0: {  	[dreg:$0x0] =	wrdreg $0xFFFFFFFF;
	(pc) =	sbr.abs _section_cstart, $3  }
0xc1: {  	[dreg:$0x1] =	wrdreg $0xFFFFFFFF  }
0xc2: {  	_ =	task.clear_ibuf [dreg:s7], $0x2FFFF;
	_ =	strace $0x9FFFFFFF  }
0xc3: {  	(tm) =	ssettm $0x7FFFFFFF  }
tec
execute0_lowered:
.L_overlay_start_1:
0x0: {  	(tag) =	ssettag $0x1  }
0x1: {  	s1 =	rddreg [dreg:$0x0]  }
0x2: {  	s8 =	rddreg [dreg:$0x1]  }
0x3: {  	s2 =	rddreg [dreg:$0x2]  }
0x4: {  	s0 =	rddreg [dreg:$0x3]  }
0x5: {  	s4 =	simm.s32 $0x0;
	s5 =	srdreg.scid;
	s3 =	stileid.u32  }
0x6: {  	s23 =	simm.s32 $0x80;
	s24 =	simm.s32 $0x1;
	s25 =	simm.s32 $0x0  }
0x7: {  	[smem:$0x7FF] =	sst s4;
	s10 =	sand.u32 $0x1, s5;
	s11 =	smul.u32 $0x50000, s3  }
0x8: {  	s5 =	sadd.s32 $0xD000, s8;
	s6 =	sadd.s32 $0x3000, s8;
	s13 =	smul.u32 $0x14000, s3  }
0x9: {  	s7 =	sadd.s32 $0x17000, s8;
	s18 =	sadd.s32 $0x17800, s8;
	_ =	strace $0x8000004D  }
0xa: {  	s9 =	ssub.s32 $0x2, s10;
	s28 =	sshll.u32 s10, $0x4;
	s20 =	smul.u32 $0x140000, s10  }
0xb: {  	s12 =	sshrl.u32 s9, $0x1;
	s29 =	sshrl.u32 s11, $0x2;
	s14 =	sadd.s32 $0x4000, s13  }
0xc: {  	s15 =	sor.u32 s3, s28;
	s16 =	sadd.s32 $0x8000, s13;
	s17 =	sadd.s32 $0xC000, s13  }
0xd: {  	s21 =	sadd.s32 $0x10000, s13;
	s19 =	ssub.s32 s9, s12;
	s8 =	sadd.s32 s29, s2  }
0xe: {  	s9 =	sadd.s32 s14, s2;
	s10 =	sadd.s32 s16, s2;
	s11 =	sadd.s32 s17, s2  }
0xf: {  	s12 =	sadd.s32 s21, s2;
	s22 =	sadd.s32 s13, s20;
	s14 =	sadd.s32 s20, s14  }
0x10: {  	s13 =	smul.u32 $0x2800, s15;
	s16 =	sadd.s32 s20, s16;
	s17 =	sadd.s32 s20, s17  }
0x11: {  	s20 =	sadd.s32 s20, s21;
	s21 =	simm.s32 $0x2;
	s30 =	sshrl.u32 s22, $0x3  }
0x12: {  	s31 =	sshrl.u32 s14, $0x3;
	s16 =	sshrl.u32 s16, $0x3;
	s17 =	sshrl.u32 s17, $0x3  }
0x13: {  	s20 =	sshrl.u32 s20, $0x3;
	s19 =	smax.u32 s19, $0x1;
	s22 =	simm.s32 $0x800  }
0x14: {  	s14 =	sadd.s32 s18, s30;
	s15 =	sadd.s32 s18, s31;
	s16 =	sadd.s32 s18, s16  }
0x15: {  	s17 =	sadd.s32 s18, s17;
	s18 =	sadd.s32 s18, s20;
	s20 =	simm.s32 $0x1000  }
.LBB2_1:
0x16: {  	[tilespmem:s20], [sflag:$0x2] =	stream.linear.gather [hbm4b:s7+s4], $0x4000, $0x38;
	[tilespmem:$0x19000] =	vst v63  }
0x17: {  	_ =	swait.ge [sflag:s21], $0x4000  }
0x18: {  	[sflag:s21] =	ssyncset.done $0x0  }
0x19: {  	[sflag:s21] =	ssyncadd.s32 $0xFFFFC000  }
0x1a: {  	[spmem:s8] =	stream.linear.scatter [tilespmem:s20], [sflag:$0x2], $0x4000, $0x38;
	[tilespmem:$0x19000] =	vst v63  }
0x1b: {  	_ =	swait.ge [sflag:s21], $0x4000  }
0x1c: {  	[sflag:s21] =	ssyncset.done $0x0  }
0x1d: {  	[sflag:s21] =	ssyncadd.s32 $0xFFFFC000  }
0x1e: {  	[spmem:s9] =	stream.linear.scatter [tilespmem:s20], [sflag:$0x2], $0x4000, $0x38;
	[tilespmem:$0x19000] =	vst v63  }
0x1f: {  	_ =	swait.ge [sflag:s21], $0x4000  }
0x20: {  	[sflag:s21] =	ssyncset.done $0x0  }
0x21: {  	[sflag:s21] =	ssyncadd.s32 $0xFFFFC000  }
0x22: {  	[spmem:s10] =	stream.linear.scatter [tilespmem:s20], [sflag:$0x2], $0x4000, $0x38;
	[tilespmem:$0x19000] =	vst v63  }
0x23: {  	_ =	swait.ge [sflag:s21], $0x4000  }
0x24: {  	[sflag:s21] =	ssyncset.done $0x0  }
0x25: {  	[sflag:s21] =	ssyncadd.s32 $0xFFFFC000  }
0x26: {  	[spmem:s11] =	stream.linear.scatter [tilespmem:s20], [sflag:$0x2], $0x4000, $0x38;
	[tilespmem:$0x19000] =	vst v63  }
0x27: {  	_ =	swait.ge [sflag:s21], $0x4000  }
0x28: {  	[sflag:s21] =	ssyncset.done $0x0  }
0x29: {  	[sflag:s21] =	ssyncadd.s32 $0xFFFFC000  }
0x2a: {  	[spmem:s12] =	stream.linear.scatter [tilespmem:s20], [sflag:$0x2], $0x4000, $0x38;
	[tilespmem:$0x19000] =	vst v63  }
0x2b: {  	_ =	swait.ge [sflag:s21], $0x4000  }
0x2c: {  	[sflag:s21] =	ssyncset.done $0x0  }
0x2d: {  	[sflag:s21] =	ssyncadd.s32 $0xFFFFC000  }
0x2e: {  	s26 =	simm.s32 $0x0;
	[bflag:$0x0] =	sbarrier.arrive $0xFFFF  }
.LBB2_2:
0x2f: {  	s28 =	sshll.u32 s26, $0xB  }
0x30: {  	s28 =	sadd.s32 s13, s28  }
0x31: {  	s28 =	sshrl.u32 s28, $0x3  }
0x32: {  	s30 =	simm.s32 $0x0;
	s29 =	sadd.s32 s5, s28  }
0x33: {  	[tilespmem:s30], [sflag:$0x2] =	stream.linear.gather [hbm4b:s29+s30], $0x800, $0x38;
	[tilespmem:$0x19000] =	vst v63  }
0x34: {  	_ =	swait.ge [sflag:s21], $0x800  }
0x35: {  	[sflag:s21] =	ssyncset.done $0x0  }
0x36: {  	s28 =	sadd.s32 s6, s28;
	[sflag:s21] =	ssyncadd.s32 $0xFFFFF800  }
0x37: {  	[tilespmem:s22], [sflag:$0x2] =	stream.linear.gather [hbm4b:s28+s30], $0x800, $0x38;
	[tilespmem:$0x19000] =	vst v63  }
0x38: {  	_ =	swait.ge [sflag:s21], $0x800  }
0x39: {  	[sflag:s21] =	ssyncset.done $0x0  }
0x3a: {  	s28 =	simm.s32 $0x0;
	[sflag:s21] =	ssyncadd.s32 $0xFFFFF800  }
0x3b: {  	[tilespmem:s20], [sflag:$0x1] =	stream.indirect.gather [hbm4b:s1+s23], $0x80, s28, s23, $0xb8;
	[tilespmem:$0x19000] =	vst v63  }
0x3c: {  	_ =	swait.ge [sflag:s24], $0x4000  }
0x3d: {  	[sflag:s24] =	ssyncset.done $0x0  }
0x3e: {  	s28 =	simm.s32 $0x800;
	[sflag:s24] =	ssyncadd.s32 $0xFFFFC000  }
0x3f: {  	[spmem:s2] =	stream.indirect.scatter.add.f32 [tilespmem:s20], [sflag:$0x2], $0x80, s28, s23, $0xb8;
	[tilespmem:$0x19000] =	vst v63  }
0x40: {  	_ =	swait.ge [sflag:s21], $0x4000  }
0x41: {  	s29 =	simm.s32 $0x400;
	s28 =	simm.s32 $0x200;
	[sflag:s21] =	ssyncset.done $0x0  }
.LBB2_3:
0x42: {  	s30 =	sshra.s32 s28, $0x2  }
0x43: {  	[sflag:s21] =	ssyncadd.s32 $0xFFFFC000;
	s28 =	smov.u32 s29;
	s31 =	sadd.s32 $0x200, s29  }
0x44: {  	[tilespmem:s20], [sflag:$0x1] =	stream.indirect.gather [hbm4b:s1+s23], $0x80, s30, s23, $0xb8;
	[tilespmem:$0x19000] =	vst v63  }
0x45: {  	p0 =	sne.s32 s29, $0x1E00;
	_ =	swait.ge [sflag:s24], $0x4000  }
.Ltmp0:
0x46: {  	[sflag:s24] =	ssyncset.done $0x0;
	(pc) =	sbr.rel @p0 .LBB2_3-.Ltmp0, $4  }
0x47: {  	s29 =	sadd.s32 $0x800, s30;
	[sflag:s24] =	ssyncadd.s32 $0xFFFFC000  }
0x48: {  	[spmem:s2] =	stream.indirect.scatter.add.f32 [tilespmem:s20], [sflag:$0x2], $0x80, s29, s23, $0xb8;
	[tilespmem:$0x19000] =	vst v63  }
0x49: {  	_ =	swait.ge [sflag:s21], $0x4000  }
0x4a: {  	s29 =	smov.u32 s31;
	[sflag:s21] =	ssyncset.done $0x0  }
0x4b: {  	s28 =	sshra.s32 s28, $0x2;
	[sflag:s21] =	ssyncadd.s32 $0xFFFFC000  }
0x4c: {  	[tilespmem:s20], [sflag:$0x1] =	stream.indirect.gather [hbm4b:s1+s23], $0x80, s28, s23, $0xb8;
	[tilespmem:$0x19000] =	vst v63  }
0x4d: {  	s26 =	sadd.s32 $0x1, s26;
	_ =	swait.ge [sflag:s24], $0x4000  }
0x4e: {  	p0 =	sne.s32 s26, $0x5;
	[sflag:s24] =	ssyncset.done $0x0  }
.Ltmp1:
0x4f: {  	s28 =	sadd.s32 $0x800, s28;
	[sflag:s24] =	ssyncadd.s32 $0xFFFFC000;
	(pc) =	sbr.rel @p0 .LBB2_2-.Ltmp1, $4  }
0x50: {  	[spmem:s2] =	stream.indirect.scatter.add.f32 [tilespmem:s20], [sflag:$0x2], $0x80, s28, s23, $0xb8;
	[tilespmem:$0x19000] =	vst v63  }
0x51: {  	_ =	swait.ge [sflag:s21], $0x4000  }
0x52: {  	[sflag:s21] =	ssyncset.done $0x0  }
0x53: {  	[sflag:s21] =	ssyncadd.s32 $0xFFFFC000  }
0x54: {  	[bflag:$0x0] =	sbarrier.arrive $0xFFFF  }
0x55: {  	[tilespmem:s20], [sflag:$0x2] =	stream.linear.gather [spmem:s8], $0x4000, $0x38;
	[tilespmem:$0x19000] =	vst v63  }
0x56: {  	_ =	swait.ge [sflag:s21], $0x4000  }
0x57: {  	[sflag:s21] =	ssyncset.done $0x0  }
0x58: {  	[sflag:s21] =	ssyncadd.s32 $0xFFFFC000  }
0x59: {  	[hbm4b:s14+s4] =	stream.linear.scatter [tilespmem:s20], [sflag:$0x2], $0x4000, $0x38;
	[tilespmem:$0x19000] =	vst v63  }
0x5a: {  	_ =	swait.ge [sflag:s21], $0x4000  }
0x5b: {  	[sflag:s21] =	ssyncset.done $0x0  }
0x5c: {  	[sflag:s21] =	ssyncadd.s32 $0xFFFFC000  }
0x5d: {  	[tilespmem:s20], [sflag:$0x2] =	stream.linear.gather [spmem:s9], $0x4000, $0x38;
	[tilespmem:$0x19000] =	vst v63  }
0x5e: {  	_ =	swait.ge [sflag:s21], $0x4000  }
0x5f: {  	[sflag:s21] =	ssyncset.done $0x0  }
0x60: {  	[sflag:s21] =	ssyncadd.s32 $0xFFFFC000  }
0x61: {  	[hbm4b:s15+s4] =	stream.linear.scatter [tilespmem:s20], [sflag:$0x2], $0x4000, $0x38;
	[tilespmem:$0x19000] =	vst v63  }
0x62: {  	_ =	swait.ge [sflag:s21], $0x4000  }
0x63: {  	[sflag:s21] =	ssyncset.done $0x0  }
0x64: {  	[sflag:s21] =	ssyncadd.s32 $0xFFFFC000  }
0x65: {  	[tilespmem:s20], [sflag:$0x2] =	stream.linear.gather [spmem:s10], $0x4000, $0x38;
	[tilespmem:$0x19000] =	vst v63  }
0x66: {  	_ =	swait.ge [sflag:s21], $0x4000  }
0x67: {  	[sflag:s21] =	ssyncset.done $0x0  }
0x68: {  	[sflag:s21] =	ssyncadd.s32 $0xFFFFC000  }
0x69: {  	[hbm4b:s16+s4] =	stream.linear.scatter [tilespmem:s20], [sflag:$0x2], $0x4000, $0x38;
	[tilespmem:$0x19000] =	vst v63  }
0x6a: {  	_ =	swait.ge [sflag:s21], $0x4000  }
0x6b: {  	[sflag:s21] =	ssyncset.done $0x0  }
0x6c: {  	[sflag:s21] =	ssyncadd.s32 $0xFFFFC000  }
0x6d: {  	[tilespmem:s20], [sflag:$0x2] =	stream.linear.gather [spmem:s11], $0x4000, $0x38;
	[tilespmem:$0x19000] =	vst v63  }
0x6e: {  	_ =	swait.ge [sflag:s21], $0x4000  }
0x6f: {  	[sflag:s21] =	ssyncset.done $0x0  }
0x70: {  	[sflag:s21] =	ssyncadd.s32 $0xFFFFC000  }
0x71: {  	[hbm4b:s17+s4] =	stream.linear.scatter [tilespmem:s20], [sflag:$0x2], $0x4000, $0x38;
	[tilespmem:$0x19000] =	vst v63  }
0x72: {  	_ =	swait.ge [sflag:s21], $0x4000  }
0x73: {  	[sflag:s21] =	ssyncset.done $0x0  }
0x74: {  	[sflag:s21] =	ssyncadd.s32 $0xFFFFC000  }
0x75: {  	[tilespmem:s20], [sflag:$0x2] =	stream.linear.gather [spmem:s12], $0x4000, $0x38;
	[tilespmem:$0x19000] =	vst v63  }
0x76: {  	s25 =	sadd.s32 $0x1, s25;
	_ =	swait.ge [sflag:s21], $0x4000  }
0x77: {  	p0 =	sne.s32 s25, s19;
	[sflag:s21] =	ssyncset.done $0x0  }
.Ltmp2:
0x78: {  	[sflag:s21] =	ssyncadd.s32 $0xFFFFC000;
	(pc) =	sbr.rel @p0 .LBB2_1-.Ltmp2, $4  }
0x79: {  	[hbm4b:s18+s4] =	stream.linear.scatter [tilespmem:s20], [sflag:$0x2], $0x4000, $0x38;
	[tilespmem:$0x19000] =	vst v63  }
0x7a: {  	_ =	swait.ge [sflag:s21], $0x4000  }
0x7b: {  	[sflag:s21] =	ssyncset.done $0x0  }
0x7c: {  	[sflag:s21] =	ssyncadd.s32 $0xFFFFC000  }
0x7d: {  	_ =	sfence.sel $0x180000  }
0x7e: {  	[bflag:$0x0] =	sbarrier.arrive $0xFFFF  }
0x7f: {  	p0 =	sne.s32 s3, $0x0;
	_ =	strace $0x9000004D  }
0x80: {  	s0 =	sadd.s32 @!p0 $0x100000, s0;
	[bflag:$0x2] =	sbarrier.arrive $0xFFFF  }
0x81: {  	[sflag:s0] =	ssyncadd.tile.s32 @!p0 $0x1;
	_ =	shalt  }
.Lfunc_end2:
_tile_overlayer_lowered:
.L_overlay_start_2:
0x82: {  	(tag) =	ssettag $0x2  }
0x83: {  	s0 =	rddreg [dreg:$0x0];
	s2 =	stileid.u32  }
0x84: {  	s1 =	rddreg [dreg:$0x1];
	p0 =	sne.s32 s2, $0x0  }
0x85: {  	s3 =	rddreg [dreg:$0x2];
	[bflag:$0x3] =	sbarrier.arrive $0xFFFF;
	s2 =	simm.s32 @!p0 $0x1C02  }
0x86: {  	[timem:s3], [sflag:s2] =	dma.local @!p0 [hbm:s0], s1  }
0x87: {  	s0 =	simm.s32 @!p0 $0x2  }
0x88: {  	_ =	swait.ge @!p0 [sflag:s0], s1  }
0x89: {  	s1 =	ssub.s32 @!p0 $0x0, s1;
	[sflag:s0] =	ssyncset.done @!p0 $0x0  }
0x8a: {  	[sflag:s0] =	ssyncadd.s32 @!p0 s1  }
0x8b: {  	[bflag:$0x3] =	sbarrier.arrive $0xFFFF  }
0x8c: {  	_ =	shalt  }

// kernel: kernel.8.cloned.1.call-start
scs
__scs_entry_jumppad:
0x0: {  	(pc) =	sbr.rel $0x88, $3  }
0x1: {  	(tag) =	ssettag $0x0;
	lr =	simm.s32 $0x1  }
0x2: {  	[smem:$0x3F98] =	sst lr;
	_ =	strace $0xD0000000  }
0x3: {  	_ = 	snop  }
0x4: {  	_ = 	snop  }
0x5: {  	_ = 	snop  }
0x6: {  	_ = 	snop  }
0x7: {  	_ = 	snop  }
__scs_overlays_trampoline_lowered:
0x8: {  	[smem:$0x3FA7] =	sst s0  }
0x9: {  	[smem:$0x3FA8] =	sst s1  }
0xa: {  	[smem:$0x3FA9] =	sst s2  }
0xb: {  	[smem:$0x3FAA] =	sst s3  }
0xc: {  	[smem:$0x3FAB] =	sst s4  }
0xd: {  	[smem:$0x3FAC] =	sst s5  }
0xe: {  	[smem:$0x3FAD] =	sst s6  }
0xf: {  	[smem:$0x3FAE] =	sst s7  }
0x10: {  	[smem:$0x3FAF] =	sst s8  }
0x11: {  	[smem:$0x3FB0] =	sst s9;
	s0 =	simm.s32 @!p0 $0x0  }
0x12: {  	s1 =	sld [smem:$0x3F96];
	s0 =	simm.s32 @p0 $0x1  }
0x13: {  	[smem:$0x3FB1] =	sst s0;
	s0 =	simm.s32 @!p1 $0x0  }
0x14: {  	s2 =	sld [smem:$0x3F95];
	s0 =	simm.s32 @p1 $0x1  }
0x15: {  	[smem:$0x3FB2] =	sst s0;
	s0 =	simm.s32 @!p2 $0x0  }
0x16: {  	s3 =	sld [smem:$0x3FDB];
	s0 =	simm.s32 @p2 $0x1  }
0x17: {  	s4 =	simm.s32 $0x1BF5;
	[smem:$0x3FB4] =	sst s0  }
0x18: {  	s0 =	sld [smem:$0x3F97];
	_ =	swait.ge [sflag:s4], $0x0  }
0x19: {  	s7 =	sld [smem:$0x3F98]  }
0x1a: {  	s8 =	sadd.s32 $0xFFFFE003, lr  }
0x1b: {  	s9 =	sadd.s32 $0xFFFFFEF7, lr;
	s5 =	simm.s32 $0xFFFFFFFF;
	p2 =	slt.u32 s8, $0xFFFFF086  }
0x1c: {  	p1 =	slt.u32 s9, $0xF7A;
	s5 =	simm.s32 @!p2 $0x0  }
0x1d: {  	s5 =	simm.s32 @p1 $0x1;
	p0 =	seq.s32 s7, s2  }
0x1e: {  	s7 =	smul.u32 @!p0 $0xF7A, s2;
	p2 =	seq.s32 @!p0 s5, $0x0  }
0x1f: {  	s9 =	smul.u32 $0xF7A, s1;
	s8 =	simm.s32 @!p0 $0x1BF5;
	p2 =	por !p2, p0  }
0x20: {  	[sflag:s8] =	ssyncset.s32 @!p0 $0xFFFFF086;
	s6 =	sadd.s32 @!p0 s3, s7;
	s7 =	simm.s32 @!p0 $0x108  }
0x21: {  	s3 =	sadd.s32 s3, s9;
	s6 =	sadd.s32 @!p0 $0x88, s6;
	s7 =	simm.s32 @p2 $0x1082  }
0x22: {  	[simem:s7], [sflag:s8] =	dma.local @!p0 [hbm:s6], $0xF7A  }
0x23: {  	s9 =	sor.u32 $0xD0000000, s2;
	s6 =	simm.s32 $0x108;
	_ =	swait.ge @!p0 [sflag:s8], $0x0  }
0x24: {  	s3 =	sadd.s32 $0x88, s3;
	s6 =	simm.s32 @!p1 $0x1082;
	[sflag:s4] =	ssyncset.s32 $0xFFFFF086  }
0x25: {  	[simem:s6], [sflag:s4] =	dma.local [hbm:s3], $0xF7A  }
0x26: {  	[smem:$0x3F98] =	sst s1;
	(tag) =	ssettag s2;
	_ =	strace s9  }
0x27: {  	s1 =	sld [smem:$0x3FA8]  }
0x28: {  	s2 =	sld [smem:$0x3FA9]  }
0x29: {  	s4 =	sld [smem:$0x3FAB]  }
0x2a: {  	p0 =	seq.s32 s5, $0x0;
	s5 =	sld [smem:$0x3FAC]  }
0x2b: {  	s6 =	sld [smem:$0x3FAD]  }
0x2c: {  	s7 =	sld [smem:$0x3FAE]  }
0x2d: {  	s3 =	simm.s32 $0x108;
	s8 =	sld [smem:$0x3FAF]  }
0x2e: {  	s3 =	simm.s32 @!p0 $0x1082;
	s9 =	sld [smem:$0x3FB0]  }
0x2f: {  	lr =	sadd.s32 s0, s3;
	s0 =	sld [smem:$0x3FA7]  }
0x30: {  	s3 =	sld [smem:$0x3FAA]  }
0x31: {  	[smem:$0x3FB3] =	sst s10  }
0x32: {  	s10 =	sld [smem:$0x3FB1];
	_ =	sdelay $0x3  }
0x33: {  	p0 =	seq.s32 s10, $0x1;
	s10 =	sld [smem:$0x3FB3];
	_ =	sdelay $0x3  }
0x34: {  	[smem:$0x3FB3] =	sst s10  }
0x35: {  	s10 =	sld [smem:$0x3FB2];
	_ =	sdelay $0x3  }
0x36: {  	p1 =	seq.s32 s10, $0x1;
	s10 =	sld [smem:$0x3FB3];
	_ =	sdelay $0x3  }
0x37: {  	[smem:$0x3FB3] =	sst s10  }
0x38: {  	s10 =	sld [smem:$0x3FB4]  }
0x39: {  	_ = 	snop;
	(pc) =	sbr.ind lr, $3  }
0x3a: {  	_ = 	snop  }
0x3b: {  	_ = 	snop  }
0x3c: {  	p2 =	seq.s32 s10, $0x1;
	s10 =	sld [smem:$0x3FB3]  }
0x3d: {  	_ =	shalt  }
0x3e: {  	_ =	shalt  }
0x3f: {  	_ =	shalt  }
0x40: {  	_ =	shalt  }
0x41: {  	_ =	shalt  }
0x42: {  	_ =	shalt  }
0x43: {  	_ =	shalt  }
0x44: {  	_ =	shalt  }
0x45: {  	_ =	shalt  }
0x46: {  	_ =	shalt  }
0x47: {  	_ =	shalt  }
0x48: {  	_ =	shalt  }
0x49: {  	_ =	shalt  }
0x4a: {  	_ =	shalt  }
0x4b: {  	_ =	shalt  }
0x4c: {  	_ =	shalt  }
0x4d: {  	_ =	shalt  }
0x4e: {  	_ =	shalt  }
0x4f: {  	_ =	shalt  }
0x50: {  	_ =	shalt  }
0x51: {  	_ =	shalt  }
0x52: {  	_ =	shalt  }
0x53: {  	_ =	shalt  }
0x54: {  	_ =	shalt  }
0x55: {  	_ =	shalt  }
0x56: {  	_ =	shalt  }
0x57: {  	_ =	shalt  }
0x58: {  	_ =	shalt  }
0x59: {  	_ =	shalt  }
0x5a: {  	_ =	shalt  }
0x5b: {  	_ =	shalt  }
0x5c: {  	_ =	shalt  }
0x5d: {  	_ =	shalt  }
0x5e: {  	_ =	shalt  }
0x5f: {  	_ =	shalt  }
0x60: {  	_ =	shalt  }
0x61: {  	_ =	shalt  }
0x62: {  	_ =	shalt  }
0x63: {  	_ =	shalt  }
0x64: {  	_ =	shalt  }
0x65: {  	_ =	shalt  }
0x66: {  	_ =	shalt  }
0x67: {  	_ =	shalt  }
0x68: {  	_ =	shalt  }
0x69: {  	_ =	shalt  }
0x6a: {  	_ =	shalt  }
0x6b: {  	_ =	shalt  }
0x6c: {  	_ =	shalt  }
0x6d: {  	_ =	shalt  }
0x6e: {  	_ =	shalt  }
0x6f: {  	_ =	shalt  }
0x70: {  	_ =	shalt  }
0x71: {  	_ =	shalt  }
0x72: {  	_ =	shalt  }
0x73: {  	_ =	shalt  }
0x74: {  	_ =	shalt  }
0x75: {  	_ =	shalt  }
0x76: {  	_ =	shalt  }
0x77: {  	_ =	shalt  }
0x78: {  	_ =	shalt  }
0x79: {  	_ =	shalt  }
0x7a: {  	_ =	shalt  }
0x7b: {  	_ =	shalt  }
0x7c: {  	_ =	shalt  }
0x7d: {  	_ =	shalt  }
0x7e: {  	_ =	shalt  }
0x7f: {  	_ =	shalt  }
0x80: {  	_ =	shalt  }
0x81: {  	_ =	shalt  }
0x82: {  	_ =	shalt  }
0x83: {  	_ =	shalt  }
0x84: {  	_ =	shalt  }
0x85: {  	_ =	shalt  }
0x86: {  	_ =	shalt  }
0x87: {  	_ =	shalt  }
.Lfunc_end0:
.L_simem_size_0:
called_computation_lowered:
.L_overlay_start_0:
0x88: {  	s2 =	sld [smem:$0x3FD9]  }
0x89: {  	s3 =	sld [smem:$0x3FFE];
	_ =	sdelay $0x1  }
0x8a: {  	s1 =	srdreg.scid  }
0x8b: {  	s0 =	sand.u32 $0x1, s1  }
0x8c: {  	s17 =	sshll.u32 s0, $0xA;
	s2 =	sadd.s32 s3, s2  }
0x8d: {  	s2 =	sadd.s32 s2, s17  }
0x8e: {  	[smem:$0x3FBF] =	sst s2  }
0x8f: {  	_ = 	snop  }
0x90: {  	s2 =	sld [smem:$0x3FC8]  }
0x91: {  	s18 =	sld [smem:$0x3FD0];
	(tm) =	ssettm $0x1  }
0x92: {  	s4 =	sld [smem:$0x3FFB];
	_ =	sdelay $0x3  }
0x93: {  	_ =	strace s4  }
0x94: {  	s4 =	sld [smem:$0x3FFC];
	_ =	sdelay $0x3  }
0x95: {  	_ =	strace s4  }
0x96: {  	s4 =	sld [smem:$0x3FFD];
	_ =	sdelay $0x3  }
0x97: {  	_ =	strace s4  }
0x98: {  	_ =	strace $0x8FFFFFFF  }
0x99: {  	s19 =	sld [smem:$0x3FDB];
	_ =	sdelay $0x1  }
0x9a: {  	s5 =	simm.s32 $_scs_section_size  }
0x9b: {  	s6 =	simm.s32 $_size__tile_overlayer_lowered;
	s7 =	simm.s32 $_tile_overlayer_lowered  }
0x9c: {  	s22 =	simm.s32 $0x1BFF;
	s21 =	sshll.u32 s7, $0x1;
	s4 =	sadd.s32 s5, s19  }
0x9d: {  	s8 =	simm.s32 $0x0;
	s20 =	sshll.u32 s6, $0x1;
	s6 =	sadd.s32 s21, s4  }
0x9e: {  	[timem:s8], [sflag:s22] =	dma.local [hbm:s6], s20  }
0x9f: {  	_ =	swait.ge [sflag:s22], s20  }
0xa0: {  	s5 =	ssub.s32 $0x0, s20;
	[sflag:s22] =	ssyncset.done $0x0  }
0xa1: {  	[sflag:s22] =	ssyncadd.s32 s5;
	_ =	sdelay $0x1  }
0xa2: {  	s23 =	simm.s32 $0x1B8B  }
0xa3: {  	_ =	swait.ge [sflag:s23], $0x1  }
0xa4: {  	[sflag:s23] =	ssyncset.done $0x0  }
0xa5: {  	s25 =	simm.s32 $0x1B8E;
	s24 =	sld [smem:$0x3FFE];
	[sflag:s23] =	ssyncadd.s32 $0xFFFFFFFF  }
0xa6: {  	s26 =	simm.s32 $execute0_lowered;
	[smem:$0x3FD2] =	sst s25  }
0xa7: {  	s6 =	sshll.u32 s26, $0x1;
	_ =	strace $0x80000046;
	[dreg:$0x1] =	wrdreg $0xFFFFFFFF  }
0xa8: {  	s28 =	simm.s32 $_size_execute0_lowered;
	s4 =	sadd.s32 s4, s6;
	[dreg:$0x0] =	wrdreg $0x0  }
0xa9: {  	s6 =	sshll.u32 s28, $0x1;
	[dreg:$0x2] =	wrdreg s4  }
0xaa: {  	[dreg:$0x3] =	wrdreg s6  }
0xab: {  	[dreg:$0x4] =	wrdreg $0xC0  }
0xac: {  	_ =	task [dreg:s8], $0x5FFFF  }
0xad: {  	[dreg:$0x1] =	wrdreg $0xFFFFFFFF  }
0xae: {  	[dreg:$0x0] =	wrdreg $0x60  }
0xaf: {  	[dreg:$0x2] =	wrdreg s2  }
0xb0: {  	[dreg:$0x3] =	wrdreg s24  }
0xb1: {  	[dreg:$0x4] =	wrdreg s18  }
0xb2: {  	[dreg:$0x5] =	wrdreg $0x53000  }
0xb3: {  	[dreg:$0x6] =	wrdreg $0x193000  }
0xb4: {  	[dreg:$0x7] =	wrdreg $0x9  }
0xb5: {  	_ =	task.clear_ibuf [dreg:s8], $0x8FFFF;
	_ =	strace $0x90000046  }
0xb6: {  	s29 =	simm.s32 $0x9;
	_ =	strace $0x80000048  }
0xb7: {  	_ =	swait.ge [sflag:s29], $0x1  }
0xb8: {  	[sflag:s29] =	ssyncadd.s32 $0xFFFFFFFF  }
0xb9: {  	_ =	strace $0x90000048  }
0xba: {  	_ =	sfence  }
0xbb: {  	s30 =	sld [smem:$0x0];
	_ =	sdelay $0x2  }
0xbc: {  	s31 =	sshll.u32 s1, $0xD;
	s1 =	sshrl.u32 s1, $0x2  }
0xbd: {  	s3 =	sand.u32 $0x4000, s31;
	s1 =	sadd.s32 s1, s30  }
0xbe: {  	s0 =	sor.u32 s3, s0;
	s1 =	sshll.u32 s1, $0x11  }
0xbf: {  	s0 =	sor.u32 s1, s0  }
0xc0: {  	s0 =	sadd.s32 $0x8F2B, s0  }
0xc1: {  	[sflag:s0] =	ssyncadd.remote.s32 $0x1  }
0xc2: {  	_ =	sfence.sel $0xFFFF  }
0xc3: {  	[dreg:$0x0] =	wrdreg $0xFFFFFFFF;
	(pc) =	sbr.abs _section_cstart, $3  }
0xc4: {  	[dreg:$0x1] =	wrdreg $0xFFFFFFFF  }
0xc5: {  	_ =	task.clear_ibuf [dreg:s8], $0x2FFFF;
	_ =	strace $0x9FFFFFFF  }
0xc6: {  	(tm) =	ssettm $0x7FFFFFFF  }
0xc7: {  	_ =	shalt  }
tec
execute0_lowered:
.L_overlay_start_1:
0x0: {  	(tag) =	ssettag $0x1  }
0x1: {  	s1 =	rddreg [dreg:$0x0]  }
0x2: {  	s0 =	rddreg [dreg:$0x1]  }
0x3: {  	s5 =	rddreg [dreg:$0x2]  }
0x4: {  	s2 =	rddreg [dreg:$0x3]  }
0x5: {  	s3 =	rddreg [dreg:$0x4];
	s4 =	simm.s32 $0x0  }
0x6: {  	s8 =	srdreg.scid;
	s24 =	stileid.u32;
	s28 =	simm.s32 $0x80  }
0x7: {  	s29 =	simm.s32 $0x1;
	s30 =	simm.s32 $0x5000;
	s14 =	smul.u32 $0x280, s24  }
0x8: {  	[smem:$0x7FF] =	sst s4;
	s6 =	sadd.s32 $0xD000, s0;
	s11 =	smul.u32 $0x50000, s24  }
0x9: {  	s7 =	sadd.s32 $0x3000, s0;
	s8 =	sand.u32 $0x1, s8;
	s20 =	smul.u32 $0x14000, s24  }
0xa: {  	s9 =	sadd.s32 $0x17000, s0;
	s0 =	sadd.s32 $0x17800, s0;
	s25 =	smul.u32 $0x500, s24  }
0xb: {  	_ =	strace $0x80000047;
	[dreg:$0x6] =	wrdreg s9;
	s17 =	ssub.s32 $0x2, s8  }
0xc: {  	s18 =	sshll.u32 s8, $0x4;
	s10 =	sshrl.u32 s17, $0x1;
	s13 =	sshll.u32 s14, $0x7  }
0xd: {  	s15 =	sor.u32 s24, s18;
	s19 =	sshrl.u32 s11, $0x2;
	s14 =	sadd.s32 s14, s3  }
0xe: {  	s24 =	simm.s32 $0x2;
	s22 =	ssub.s32 s17, s10;
	s16 =	sadd.s32 $0x4000, s13  }
0xf: {  	s9 =	sadd.s32 s19, s2;
	s17 =	smul.u32 $0x140000, s8;
	s18 =	sadd.s32 $0x8000, s13  }
0x10: {  	s19 =	sadd.s32 $0xC000, s13;
	s21 =	sadd.s32 $0x10000, s13;
	s15 =	smul.u32 $0x2800, s15  }
0x11: {  	s8 =	sshll.u32 s8, $0x7;
	s10 =	sadd.s32 s16, s2;
	s11 =	sadd.s32 s18, s2  }
0x12: {  	s12 =	sadd.s32 s19, s2;
	s13 =	sadd.s32 s21, s2;
	s8 =	sor.u32 s8, s25  }
0x13: {  	s22 =	smax.u32 s22, $0x1;
	s25 =	simm.s32 $0x5080;
	s20 =	sadd.s32 s20, s17  }
0x14: {  	s23 =	sadd.s32 s17, s16;
	s18 =	sadd.s32 s17, s18;
	s19 =	sadd.s32 s17, s19  }
0x15: {  	s21 =	sadd.s32 s17, s21;
	s8 =	sshrl.u32 s8, $0x3;
	s20 =	sshrl.u32 s20, $0x3  }
0x16: {  	s23 =	sshrl.u32 s23, $0x3;
	s18 =	sshrl.u32 s18, $0x3;
	s19 =	sshrl.u32 s19, $0x3  }
0x17: {  	s31 =	sshrl.u32 s21, $0x3;
	s21 =	sadd.s32 s5, s8;
	s20 =	sadd.s32 s0, s20  }
0x18: {  	s26 =	sadd.s32 s0, s23;
	s18 =	sadd.s32 s0, s18;
	[dreg:$0x7] =	wrdreg s20  }
0x19: {  	s19 =	sadd.s32 s0, s19;
	s23 =	simm.s32 $0x1000;
	[dreg:$0x8] =	wrdreg s26  }
0x1a: {  	v0 =	vimm.f32 $0.0e+00;
	v1 =	vimm.f32 $1.000000000e+00;
	s20 =	sadd.s32 s0, s31;
	s26 =	simm.s32 $0x800;
	s0 =	simm.s32 $0x0  }
.LBB2_1:
0x1b: {  	s5 =	rddreg [dreg:$0x6]  }
0x1c: {  	[tilespmem:s23], [sflag:$0x2] =	stream.linear.gather [hbm4b:s5+s4], $0x4000, $0x38;
	[tilespmem:$0x19580] =	vst v63  }
0x1d: {  	_ =	swait.ge [sflag:s24], $0x4000  }
0x1e: {  	[sflag:s24] =	ssyncset.done $0x0  }
0x1f: {  	[sflag:s24] =	ssyncadd.s32 $0xFFFFC000  }
0x20: {  	[spmem:s9] =	stream.linear.scatter [tilespmem:s23], [sflag:$0x2], $0x4000, $0x38;
	[tilespmem:$0x19580] =	vst v63  }
0x21: {  	_ =	swait.ge [sflag:s24], $0x4000  }
0x22: {  	[sflag:s24] =	ssyncset.done $0x0  }
0x23: {  	[sflag:s24] =	ssyncadd.s32 $0xFFFFC000  }
0x24: {  	[spmem:s10] =	stream.linear.scatter [tilespmem:s23], [sflag:$0x2], $0x4000, $0x38;
	[tilespmem:$0x19580] =	vst v63  }
0x25: {  	_ =	swait.ge [sflag:s24], $0x4000  }
0x26: {  	[sflag:s24] =	ssyncset.done $0x0  }
0x27: {  	[sflag:s24] =	ssyncadd.s32 $0xFFFFC000  }
0x28: {  	[spmem:s11] =	stream.linear.scatter [tilespmem:s23], [sflag:$0x2], $0x4000, $0x38;
	[tilespmem:$0x19580] =	vst v63  }
0x29: {  	_ =	swait.ge [sflag:s24], $0x4000  }
0x2a: {  	[sflag:s24] =	ssyncset.done $0x0  }
0x2b: {  	[sflag:s24] =	ssyncadd.s32 $0xFFFFC000  }
0x2c: {  	[spmem:s12] =	stream.linear.scatter [tilespmem:s23], [sflag:$0x2], $0x4000, $0x38;
	[tilespmem:$0x19580] =	vst v63  }
0x2d: {  	_ =	swait.ge [sflag:s24], $0x4000  }
0x2e: {  	[sflag:s24] =	ssyncset.done $0x0  }
0x2f: {  	[sflag:s24] =	ssyncadd.s32 $0xFFFFC000  }
0x30: {  	[spmem:s13] =	stream.linear.scatter [tilespmem:s23], [sflag:$0x2], $0x4000, $0x38;
	[tilespmem:$0x19580] =	vst v63  }
0x31: {  	_ =	swait.ge [sflag:s24], $0x4000  }
0x32: {  	[sflag:s24] =	ssyncset.done $0x0  }
0x33: {  	[sflag:s24] =	ssyncadd.s32 $0xFFFFC000  }
0x34: {  	[tilespmem:$0x5080] =	vst v0  }
0x35: {  	[tilespmem:$0x5090] =	vst v0  }
0x36: {  	[tilespmem:$0x50A0] =	vst v0  }
0x37: {  	[tilespmem:$0x50B0] =	vst v0  }
0x38: {  	[tilespmem:$0x50C0] =	vst v0  }
0x39: {  	[tilespmem:$0x50D0] =	vst v0  }
0x3a: {  	[tilespmem:$0x50E0] =	vst v0  }
0x3b: {  	[tilespmem:$0x50F0] =	vst v0  }
0x3c: {  	[tilespmem:$0x5100] =	vst v0  }
0x3d: {  	[tilespmem:$0x5110] =	vst v0  }
0x3e: {  	[tilespmem:$0x5120] =	vst v0  }
0x3f: {  	[tilespmem:$0x5130] =	vst v0  }
0x40: {  	[tilespmem:$0x5140] =	vst v0  }
0x41: {  	[tilespmem:$0x5150] =	vst v0  }
0x42: {  	[tilespmem:$0x5160] =	vst v0  }
0x43: {  	[tilespmem:$0x5170] =	vst v0  }
0x44: {  	[tilespmem:$0x5180] =	vst v0  }
0x45: {  	[tilespmem:$0x5190] =	vst v0  }
0x46: {  	[tilespmem:$0x51A0] =	vst v0  }
0x47: {  	[tilespmem:$0x51B0] =	vst v0  }
0x48: {  	[tilespmem:$0x51C0] =	vst v0  }
0x49: {  	[tilespmem:$0x51D0] =	vst v0  }
0x4a: {  	[tilespmem:$0x51E0] =	vst v0  }
0x4b: {  	[tilespmem:$0x51F0] =	vst v0  }
0x4c: {  	[tilespmem:$0x5200] =	vst v0  }
0x4d: {  	[tilespmem:$0x5210] =	vst v0  }
0x4e: {  	[tilespmem:$0x5220] =	vst v0  }
0x4f: {  	[tilespmem:$0x5230] =	vst v0  }
0x50: {  	[tilespmem:$0x5240] =	vst v0  }
0x51: {  	[tilespmem:$0x5250] =	vst v0  }
0x52: {  	[tilespmem:$0x5260] =	vst v0  }
0x53: {  	[tilespmem:$0x5270] =	vst v0  }
0x54: {  	[tilespmem:$0x5280] =	vst v0  }
0x55: {  	[tilespmem:$0x5290] =	vst v0  }
0x56: {  	[tilespmem:$0x52A0] =	vst v0  }
0x57: {  	[tilespmem:$0x52B0] =	vst v0  }
0x58: {  	[tilespmem:$0x52C0] =	vst v0  }
0x59: {  	[tilespmem:$0x52D0] =	vst v0  }
0x5a: {  	[tilespmem:$0x52E0] =	vst v0  }
0x5b: {  	[tilespmem:$0x52F0] =	vst v0  }
0x5c: {  	[spmem:s14] =	stream.linear.scatter [tilespmem:s25], [sflag:$0x2], $0x280, $0x38;
	[tilespmem:$0x19580] =	vst v63  }
0x5d: {  	_ =	swait.ge [sflag:s24], $0x280  }
0x5e: {  	[sflag:s24] =	ssyncset.done $0x0  }
0x5f: {  	[sflag:s24] =	ssyncadd.s32 $0xFFFFFD80  }
0x60: {  	[tilespmem:$0x5000] =	vst v1  }
0x61: {  	[tilespmem:$0x5010] =	vst v1  }
0x62: {  	[tilespmem:$0x5020] =	vst v1  }
0x63: {  	[tilespmem:$0x5030] =	vst v1  }
0x64: {  	[tilespmem:$0x5040] =	vst v1  }
0x65: {  	[tilespmem:$0x5050] =	vst v1  }
0x66: {  	[tilespmem:$0x5060] =	vst v1  }
0x67: {  	[tilespmem:$0x5070] =	vst v1  }
0x68: {  	s5 =	simm.s32 $0x0;
	[bflag:$0x0] =	sbarrier.arrive $0xFFFF  }
.LBB2_2:
0x69: {  	s8 =	sshll.u32 s5, $0xB  }
0x6a: {  	s8 =	sadd.s32 s15, s8  }
0x6b: {  	s8 =	sshrl.u32 s8, $0x3  }
0x6c: {  	s16 =	simm.s32 $0x0;
	s31 =	sadd.s32 s6, s8  }
0x6d: {  	[tilespmem:s16], [sflag:$0x2] =	stream.linear.gather [hbm4b:s31+s16], $0x800, $0x38;
	[tilespmem:$0x19580] =	vst v63  }
0x6e: {  	_ =	swait.ge [sflag:s24], $0x800  }
0x6f: {  	[sflag:s24] =	ssyncset.done $0x0  }
0x70: {  	s8 =	sadd.s32 s7, s8;
	[sflag:s24] =	ssyncadd.s32 $0xFFFFF800  }
0x71: {  	[tilespmem:s26], [sflag:$0x2] =	stream.linear.gather [hbm4b:s8+s16], $0x800, $0x38;
	[tilespmem:$0x19580] =	vst v63  }
0x72: {  	_ =	swait.ge [sflag:s24], $0x800  }
0x73: {  	[sflag:s24] =	ssyncset.done $0x0  }
0x74: {  	s16 =	simm.s32 $0x0;
	[sflag:s24] =	ssyncadd.s32 $0xFFFFF800  }
0x75: {  	[tilespmem:s23], [sflag:$0x1] =	stream.indirect.gather [hbm4b:s1+s28], $0x80, s16, s28, $0xb8;
	[tilespmem:$0x19580] =	vst v63  }
0x76: {  	_ =	swait.ge [sflag:s29], $0x4000  }
0x77: {  	[sflag:s29] =	ssyncset.done $0x0  }
0x78: {  	s17 =	simm.s32 $0x800;
	[sflag:s29] =	ssyncadd.s32 $0xFFFFC000  }
0x79: {  	[spmem:s2] =	stream.indirect.scatter.add.f32 [tilespmem:s23], [sflag:$0x2], $0x80, s17, s28, $0xb8;
	[tilespmem:$0x19580] =	vst v63  }
0x7a: {  	_ =	swait.ge [sflag:s24], $0x4000  }
0x7b: {  	[sflag:s24] =	ssyncset.done $0x0  }
0x7c: {  	[sflag:s24] =	ssyncadd.s32 $0xFFFFC000  }
0x7d: {  	[spmem:s3] =	stream.indirect.scatter.add.f32 [tilespmem:s30], [sflag:$0x2], $0x1, s17, s28, $0xb8;
	[tilespmem:$0x19580] =	vst v63  }
0x7e: {  	_ =	swait.ge [sflag:s24], $0x80  }
0x7f: {  	s31 =	simm.s32 $0x200;
	s8 =	simm.s32 $0x400;
	[sflag:s24] =	ssyncset.done $0x0  }
.LBB2_3:
0x80: {  	s16 =	sshra.s32 s31, $0x2  }
0x81: {  	[sflag:s24] =	ssyncadd.s32 $0xFFFFFF80;
	s31 =	smov.u32 s8;
	s17 =	sadd.s32 $0x200, s8  }
0x82: {  	[tilespmem:s23], [sflag:$0x1] =	stream.indirect.gather [hbm4b:s1+s28], $0x80, s16, s28, $0xb8;
	[tilespmem:$0x19580] =	vst v63  }
0x83: {  	p0 =	sne.s32 s8, $0x1E00;
	_ =	swait.ge [sflag:s29], $0x4000  }
0x84: {  	[sflag:s29] =	ssyncset.done $0x0  }
0x85: {  	s8 =	sadd.s32 $0x800, s16;
	[sflag:s29] =	ssyncadd.s32 $0xFFFFC000  }
0x86: {  	[spmem:s2] =	stream.indirect.scatter.add.f32 [tilespmem:s23], [sflag:$0x2], $0x80, s8, s28, $0xb8;
	[tilespmem:$0x19580] =	vst v63  }
0x87: {  	_ =	swait.ge [sflag:s24], $0x4000  }
.Ltmp0:
0x88: {  	[sflag:s24] =	ssyncset.done $0x0;
	(pc) =	sbr.rel @p0 .LBB2_3-.Ltmp0, $4  }
0x89: {  	[sflag:s24] =	ssyncadd.s32 $0xFFFFC000  }
0x8a: {  	[spmem:s3] =	stream.indirect.scatter.add.f32 [tilespmem:s30], [sflag:$0x2], $0x1, s8, s28, $0xb8;
	[tilespmem:$0x19580] =	vst v63  }
0x8b: {  	_ =	swait.ge [sflag:s24], $0x80  }
0x8c: {  	s8 =	smov.u32 s17;
	[sflag:s24] =	ssyncset.done $0x0  }
0x8d: {  	s8 =	sshra.s32 s31, $0x2;
	[sflag:s24] =	ssyncadd.s32 $0xFFFFFF80  }
0x8e: {  	[tilespmem:s23], [sflag:$0x1] =	stream.indirect.gather [hbm4b:s1+s28], $0x80, s8, s28, $0xb8;
	[tilespmem:$0x19580] =	vst v63  }
0x8f: {  	_ =	swait.ge [sflag:s29], $0x4000  }
0x90: {  	[sflag:s29] =	ssyncset.done $0x0  }
0x91: {  	s8 =	sadd.s32 $0x800, s8;
	[sflag:s29] =	ssyncadd.s32 $0xFFFFC000  }
0x92: {  	[spmem:s2] =	stream.indirect.scatter.add.f32 [tilespmem:s23], [sflag:$0x2], $0x80, s8, s28, $0xb8;
	[tilespmem:$0x19580] =	vst v63  }
0x93: {  	s5 =	sadd.s32 $0x1, s5;
	_ =	swait.ge [sflag:s24], $0x4000  }
0x94: {  	p0 =	sne.s32 s5, $0x5;
	[sflag:s24] =	ssyncset.done $0x0  }
.Ltmp1:
0x95: {  	[sflag:s24] =	ssyncadd.s32 $0xFFFFC000;
	(pc) =	sbr.rel @p0 .LBB2_2-.Ltmp1, $4  }
0x96: {  	[spmem:s3] =	stream.indirect.scatter.add.f32 [tilespmem:s30], [sflag:$0x2], $0x1, s8, s28, $0xb8;
	[tilespmem:$0x19580] =	vst v63  }
0x97: {  	_ =	swait.ge [sflag:s24], $0x80  }
0x98: {  	[sflag:s24] =	ssyncset.done $0x0  }
0x99: {  	[sflag:s24] =	ssyncadd.s32 $0xFFFFFF80  }
0x9a: {  	[bflag:$0x0] =	sbarrier.arrive $0xFFFF  }
0x9b: {  	[tilespmem:s23], [sflag:$0x2] =	stream.linear.gather [spmem:s9], $0x4000, $0x38;
	[tilespmem:$0x19580] =	vst v63  }
0x9c: {  	_ =	swait.ge [sflag:s24], $0x4000  }
0x9d: {  	[sflag:s24] =	ssyncset.done $0x0  }
0x9e: {  	s5 =	rddreg [dreg:$0x7];
	[sflag:s24] =	ssyncadd.s32 $0xFFFFC000  }
0x9f: {  	[hbm4b:s5+s4] =	stream.linear.scatter [tilespmem:s23], [sflag:$0x2], $0x4000, $0x38;
	[tilespmem:$0x19580] =	vst v63  }
0xa0: {  	_ =	swait.ge [sflag:s24], $0x4000  }
0xa1: {  	[sflag:s24] =	ssyncset.done $0x0  }
0xa2: {  	[sflag:s24] =	ssyncadd.s32 $0xFFFFC000  }
0xa3: {  	[tilespmem:s23], [sflag:$0x2] =	stream.linear.gather [spmem:s10], $0x4000, $0x38;
	[tilespmem:$0x19580] =	vst v63  }
0xa4: {  	_ =	swait.ge [sflag:s24], $0x4000  }
0xa5: {  	[sflag:s24] =	ssyncset.done $0x0  }
0xa6: {  	s17 =	rddreg [dreg:$0x8];
	[sflag:s24] =	ssyncadd.s32 $0xFFFFC000  }
0xa7: {  	[hbm4b:s17+s4] =	stream.linear.scatter [tilespmem:s23], [sflag:$0x2], $0x4000, $0x38;
	[tilespmem:$0x19580] =	vst v63  }
0xa8: {  	_ =	swait.ge [sflag:s24], $0x4000  }
0xa9: {  	[sflag:s24] =	ssyncset.done $0x0  }
0xaa: {  	[sflag:s24] =	ssyncadd.s32 $0xFFFFC000  }
0xab: {  	[tilespmem:s23], [sflag:$0x2] =	stream.linear.gather [spmem:s11], $0x4000, $0x38;
	[tilespmem:$0x19580] =	vst v63  }
0xac: {  	_ =	swait.ge [sflag:s24], $0x4000  }
0xad: {  	[sflag:s24] =	ssyncset.done $0x0  }
0xae: {  	[sflag:s24] =	ssyncadd.s32 $0xFFFFC000  }
0xaf: {  	[hbm4b:s18+s4] =	stream.linear.scatter [tilespmem:s23], [sflag:$0x2], $0x4000, $0x38;
	[tilespmem:$0x19580] =	vst v63  }
0xb0: {  	_ =	swait.ge [sflag:s24], $0x4000  }
0xb1: {  	[sflag:s24] =	ssyncset.done $0x0  }
0xb2: {  	[sflag:s24] =	ssyncadd.s32 $0xFFFFC000  }
0xb3: {  	[tilespmem:s23], [sflag:$0x2] =	stream.linear.gather [spmem:s12], $0x4000, $0x38;
	[tilespmem:$0x19580] =	vst v63  }
0xb4: {  	_ =	swait.ge [sflag:s24], $0x4000  }
0xb5: {  	[sflag:s24] =	ssyncset.done $0x0  }
0xb6: {  	[sflag:s24] =	ssyncadd.s32 $0xFFFFC000  }
0xb7: {  	[hbm4b:s19+s4] =	stream.linear.scatter [tilespmem:s23], [sflag:$0x2], $0x4000, $0x38;
	[tilespmem:$0x19580] =	vst v63  }
0xb8: {  	_ =	swait.ge [sflag:s24], $0x4000  }
0xb9: {  	[sflag:s24] =	ssyncset.done $0x0  }
0xba: {  	[sflag:s24] =	ssyncadd.s32 $0xFFFFC000  }
0xbb: {  	[tilespmem:s23], [sflag:$0x2] =	stream.linear.gather [spmem:s13], $0x4000, $0x38;
	[tilespmem:$0x19580] =	vst v63  }
0xbc: {  	_ =	swait.ge [sflag:s24], $0x4000  }
0xbd: {  	[sflag:s24] =	ssyncset.done $0x0  }
0xbe: {  	[sflag:s24] =	ssyncadd.s32 $0xFFFFC000  }
0xbf: {  	[hbm4b:s20+s4] =	stream.linear.scatter [tilespmem:s23], [sflag:$0x2], $0x4000, $0x38;
	[tilespmem:$0x19580] =	vst v63  }
0xc0: {  	_ =	swait.ge [sflag:s24], $0x4000  }
0xc1: {  	[sflag:s24] =	ssyncset.done $0x0  }
0xc2: {  	[sflag:s24] =	ssyncadd.s32 $0xFFFFC000  }
0xc3: {  	[tilespmem:s25], [sflag:$0x2] =	stream.linear.gather [spmem:s14], $0x280, $0x38;
	[tilespmem:$0x19580] =	vst v63  }
0xc4: {  	s0 =	sadd.s32 $0x1, s0;
	_ =	swait.ge [sflag:s24], $0x280  }
0xc5: {  	p0 =	sne.s32 s0, s22;
	[sflag:s24] =	ssyncset.done $0x0  }
.Ltmp2:
0xc6: {  	s31 =	simm.s32 $0x100;
	[sflag:s24] =	ssyncadd.s32 $0xFFFFFD80;
	(pc) =	sbr.rel @p0 .LBB2_1-.Ltmp2, $4  }
0xc7: {  	[hbm4b:s21+s28] =	stream.strided.scatter [tilespmem:s25], [sflag:$0x2], $0x280, s31, s28, $0x38;
	[tilespmem:$0x19580] =	vst v63  }
0xc8: {  	_ =	swait.ge [sflag:s24], $0x280  }
0xc9: {  	[sflag:s24] =	ssyncset.done $0x0  }
0xca: {  	[sflag:s24] =	ssyncadd.s32 $0xFFFFFD80  }
0xcb: {  	_ =	sfence.sel $0x180000  }
0xcc: {  	[bflag:$0x0] =	sbarrier.arrive $0xFFFF  }
0xcd: {  	_ =	strace $0x90000047  }
0xce: {  	s0 =	stileid.u32;
	[bflag:$0x2] =	sbarrier.arrive $0xFFFF  }
0xcf: {  	p0 =	sne.s32 s0, $0x0;
	s0 =	rddreg [dreg:$0x5]  }
0xd0: {  	s0 =	sadd.s32 @!p0 $0x100000, s0  }
0xd1: {  	[sflag:s0] =	ssyncadd.tile.s32 @!p0 $0x1;
	_ =	shalt  }
.Lfunc_end2:
_tile_overlayer_lowered:
.L_overlay_start_2:
0xd2: {  	(tag) =	ssettag $0x2  }
0xd3: {  	s0 =	rddreg [dreg:$0x0];
	s2 =	stileid.u32  }
0xd4: {  	s1 =	rddreg [dreg:$0x1];
	p0 =	sne.s32 s2, $0x0  }
0xd5: {  	s3 =	rddreg [dreg:$0x2];
	[bflag:$0x3] =	sbarrier.arrive $0xFFFF;
	s2 =	simm.s32 @!p0 $0x1C02  }
0xd6: {  	[timem:s3], [sflag:s2] =	dma.local @!p0 [hbm:s0], s1  }
0xd7: {  	s0 =	simm.s32 @!p0 $0x2  }
0xd8: {  	_ =	swait.ge @!p0 [sflag:s0], s1  }
0xd9: {  	s1 =	ssub.s32 @!p0 $0x0, s1;
	[sflag:s0] =	ssyncset.done @!p0 $0x0  }
0xda: {  	[sflag:s0] =	ssyncadd.s32 @!p0 s1  }
0xdb: {  	[bflag:$0x3] =	sbarrier.arrive $0xFFFF  }
0xdc: {  	_ =	shalt  }

</sc_bundles>
